<compile_context>
chip_gen: v7x
topology: tpu7x:2x2x1
jax: 0.10.2.dev20260603
libtpu: 0.0.44.dev20260713+nightly
codegen_flags: <defaults>
</compile_context>

<pallas_src>
import functools

import jax
import jax.numpy as jnp
from jax import lax
from jax.experimental import pallas as pl
from jax.experimental.pallas import tpu as pltpu
from jax.experimental.pallas import tpu_sc as plsc

B = 128
N = 8192
L = 16
NVEC = N // L
NEG_INF = float("-inf")


def _splat(x):
    return jnp.full((L,), x, jnp.float32)


def _first_pass(xv, r, t, dst):
    iota = lax.iota(jnp.int32, L)

    def body(i, off):
        base = i * (4 * L)
        for j in range(4):
            v = xv[r, pl.ds(base + j * L, L)]
            m = v > t
            pop = plsc.all_reduce_population_count(m)
            plsc.store_scatter(
                dst, [off + iota], jnp.where(m, v, jnp.float32(NEG_INF))
            )
            off = off + jnp.where(pop > 0, jnp.int32(L), jnp.int32(0))
        return off

    off = lax.fori_loop(0, NVEC // 4, body, jnp.zeros((L,), jnp.int32))
    return jnp.max(off)


def _compact_pass(src, klen, t, dst):
    nv = lax.shift_right_logical(klen, 4)
    iota = lax.iota(jnp.int32, L)

    def body(i, carry):
        off, sacc, kacc = carry
        v = src[pl.ds(i * L, L)]
        m = v > t
        sacc = sacc + jnp.where(m, v, jnp.float32(0.0))
        pop = plsc.all_reduce_population_count(m)
        kacc = kacc + pop
        plsc.store_scatter(dst, [off + iota], jnp.where(m, v, jnp.float32(NEG_INF)))
        off = off + jnp.where(pop > 0, jnp.int32(L), jnp.int32(0))
        return off, sacc, kacc

    off, sacc, kacc = lax.fori_loop(
        0,
        nv,
        body,
        (
            jnp.zeros((L,), jnp.int32),
            jnp.zeros((L,), jnp.float32),
            jnp.zeros((L,), jnp.int32),
        ),
    )
    return jnp.max(off), kacc, _splat(jnp.sum(sacc))


def _row_fixpoint(xv, r, buf0, buf1):

    ninf = jnp.full((L,), NEG_INF, jnp.float32)

    @plsc.parallel_loop(0, N, step=4 * L, unroll=2, carry=(ninf,) * 2)
    def max_accs(base, carry):
        vs = [xv[r, pl.ds(base + j * L, L)] for j in range(4)]
        return tuple(
            jnp.maximum(carry[j], jnp.maximum(vs[2 * j], vs[2 * j + 1]))
            for j in range(2)
        )

    m0, m1 = max_accs
    zmax = _splat(jnp.max(jnp.maximum(m0, m1)))
    t_start = zmax - 1.0

    klen1 = _first_pass(xv, r, t_start, buf0)

    def cond(carry):
        _, k, prev_k, _ = carry
        return jnp.any(k != prev_k) & jnp.any(k > L)

    def body(carry):
        t, k, _, klen = carry
        klen2, k2, s2v = _compact_pass(buf0, klen, t, buf1)
        t2 = (s2v - 1.0) / k2.astype(jnp.float32)
        klen3, k3, s3v = _compact_pass(buf1, klen2, t2, buf0)
        t3 = (s3v - 1.0) / k3.astype(jnp.float32)
        return t3, k3, k2, klen3

    t, k, _, klen = lax.while_loop(
        cond,
        body,
        (t_start, jnp.full((L,), N, jnp.int32), jnp.full((L,), -1, jnp.int32), klen1),
    )
    tau_fix = t - 1.0 / k.astype(jnp.float32)

    iota = lax.iota(jnp.int32, L)
    buf1[pl.ds(0, L)] = jnp.full((L,), NEG_INF, jnp.float32)

    def consolidate(i, off):
        v = buf0[pl.ds(i * L, L)]
        m = v > jnp.float32(NEG_INF)
        cum = plsc.cumsum(m.astype(jnp.int32))
        plsc.store_scatter(buf1, [off + cum - 1], v, mask=m)
        return off + plsc.all_reduce_population_count(m)

    nv = lax.shift_right_logical(klen, 4)
    lax.fori_loop(0, nv, consolidate, jnp.zeros((L,), jnp.int32))
    z, _ = plsc.sort_key_val(buf1[pl.ds(0, L)], iota, descending=True)
    cum = plsc.cumsum(z)
    idxf = (iota + 1).astype(jnp.float32)
    valid = (idxf * z) > (cum - 1.0)
    rho = plsc.all_reduce_population_count(valid).astype(jnp.float32)
    s_rho = _splat(jnp.sum(jnp.where(valid, z, jnp.float32(0.0))))
    tau_sort = (s_rho - 2.0) / rho

    return jnp.where(k <= L, tau_sort, tau_fix)


def _make_sc_kernel():
    info = plsc.get_sparse_core_info()
    nw = info.num_cores * info.num_subcores
    rows_per_w = B // nw
    mesh = plsc.VectorSubcoreMesh(core_axis_name="c", subcore_axis_name="s")

    @functools.partial(
        pl.kernel,
        mesh=mesh,
        out_type=jax.ShapeDtypeStruct((B, N), jnp.float32),
        scratch_types=[
            pltpu.VMEM((rows_per_w, N), jnp.float32),
            pltpu.VMEM((N,), jnp.float32),
            pltpu.VMEM((N,), jnp.float32),
        ],
        compiler_params=pltpu.CompilerParams(needs_layout_passes=False),
    )
    def sparsemax_sc(x_hbm, out_hbm, xv, buf0, buf1):
        wid = lax.axis_index("s") * info.num_cores + lax.axis_index("c")
        base = wid * rows_per_w
        pltpu.sync_copy(x_hbm.at[pl.ds(base, rows_per_w)], xv)
        for r in range(rows_per_w):
            tau = _row_fixpoint(xv, r, buf0, buf1)

            @plsc.parallel_loop(0, N, step=4 * L, unroll=2)
            def out_body(off, r=r, tau=tau):
                for j in range(4):
                    v = xv[r, pl.ds(off + j * L, L)]
                    xv[r, pl.ds(off + j * L, L)] = jnp.maximum(
                        v - tau, jnp.float32(0.0)
                    )

        pltpu.sync_copy(xv, out_hbm.at[pl.ds(base, rows_per_w)])

    return sparsemax_sc


_sparsemax = _make_sc_kernel()


def kernel(input):
    return _sparsemax(input)

# --- scband reference (transcript-rebuilt; emitter-appended) ---
"""Pipeline reference for scband-sparsemax-29858612642052 (READ-ONLY COPY).

The authoritative reference and input builder live on the scoring server;
editing this copy changes nothing except your own understanding.
"""

import jax, jax.numpy as jnp
import numpy as np


def setup_inputs(seed: int = 0) -> dict:
    key = jax.random.key(seed)
    x = jax.random.normal(key, (128, 8192), dtype=jnp.float32)
    return {"input": x}


def reference(input):
    # Faithful translation of the (slightly nonstandard) torch Sparsemax:
    #   sorted_input = sort descending along last dim
    #   cumulative_values = cumsum(sorted_input) - 1
    #   valid = sorted_input - cumulative_values / range > 0
    #   rho = valid.sum(keepdim)
    #   tau = (cumulative_values.gather(rho - 1) - 1) / rho
    #   out = max(0, input - tau)
    n = input.shape[-1]
    sorted_input = -jnp.sort(-input, axis=-1)  # descending sort
    cumulative_values = jnp.cumsum(sorted_input, axis=-1) - 1.0
    range_values = jnp.arange(1, n + 1, dtype=input.dtype).reshape(1, -1)
    valid_entries = (sorted_input - cumulative_values / range_values) > 0
    rho = jnp.sum(valid_entries, axis=-1, keepdims=True)  # int32 [B,1]
    gathered = jnp.take_along_axis(cumulative_values, rho - 1, axis=-1)
    tau = (gathered - 1.0) / rho.astype(jnp.float32)
    return jnp.maximum(jnp.zeros_like(input), input - tau)

if __name__ == "__main__":
    import jax
    _d = setup_inputs()
    print(jax.jit(kernel)(*tuple(_d.values())))

</pallas_src>

<mosaic_0001>
#map = affine_map<(d0, d1) -> (0, 0)>
module attributes {stable_mosaic.version = 14 : i64} {
  func.func @sparsemax_sc(%arg0: i32, %arg1: i32, %arg2: memref<128x8192xf32, #tpu.memory_space<hbm>>, %arg3: memref<128x8192xf32, #tpu.memory_space<hbm>>, %arg4: memref<4x8192xf32, #tpu.memory_space<vmem>>, %arg5: memref<8192xf32, #tpu.memory_space<vmem>>, %arg6: memref<8192xf32, #tpu.memory_space<vmem>>) attributes {dimension_semantics = [#tpu.dimension_semantics<core_parallel>, #tpu.dimension_semantics<subcore_parallel>], iteration_bounds = array<i64: 2, 16>, scalar_prefetch = 0 : i64, scratch_operands = 3 : i64, tpu.core_type = #tpu.core_type<sc_vector_subcore>, window_params = [{transform_indices = #map}, {transform_indices = #map}]} {
    %mul3A = arith.constant 2 : i32
    %mul3A_0 = arith.muli %arg1, %mul3A : i32
    %add3A = arith.addi %mul3A_0, %arg0 : i32
    %mul3A_1 = arith.constant 4 : i32
    %mul3A_2 = arith.muli %add3A, %mul3A_1 : i32
    "tpu.region"() ({
      %run_scoped3A = tpu.sem_alloc : memref<!tpu.dma_semaphore, #tpu.memory_space<semaphore_mem>>
      %dma_start3A = arith.constant 0 : i32
      %dma_start3A_386 = tpu.memref_slice %arg2[%mul3A_2, %dma_start3A] : memref<128x8192xf32, #tpu.memory_space<hbm>> -> memref<4x8192xf32, #tpu.memory_space<hbm>>
      %dma_start3A_387 = arith.constant 0 : i32
      %dma_start3A_388 = tpu.memref_slice %arg2[%mul3A_2, %dma_start3A_387] : memref<128x8192xf32, #tpu.memory_space<hbm>> -> memref<4x8192xf32, #tpu.memory_space<hbm>>
      tpu.enqueue_dma source(%dma_start3A_388 : memref<4x8192xf32, #tpu.memory_space<hbm>>) target(%arg4 : memref<4x8192xf32, #tpu.memory_space<vmem>>) target_semaphore(%run_scoped3A : memref<!tpu.dma_semaphore, #tpu.memory_space<semaphore_mem>>)
      %dma_wait3A = arith.constant 0 : i32
      %dma_wait3A_389 = tpu.memref_slice %arg2[%mul3A_2, %dma_wait3A] : memref<128x8192xf32, #tpu.memory_space<hbm>> -> memref<4x8192xf32, #tpu.memory_space<hbm>>
      %dma_wait3A_390 = arith.constant 0 : i32
      %dma_wait3A_391 = tpu.memref_slice %arg2[%mul3A_2, %dma_wait3A_390] : memref<128x8192xf32, #tpu.memory_space<hbm>> -> memref<4x8192xf32, #tpu.memory_space<hbm>>
      tpu.wait_dma2 semaphore(%run_scoped3A : memref<!tpu.dma_semaphore, #tpu.memory_space<semaphore_mem>>) src(%dma_wait3A_391 : memref<4x8192xf32, #tpu.memory_space<hbm>>) dst(%arg4 : memref<4x8192xf32, #tpu.memory_space<vmem>>)
      tpu.yield
    }) : () -> ()
    %broadcast_in_dim3A = arith.constant 0xFF800000 : f32
    %broadcast_in_dim3A_3 = vector.broadcast %broadcast_in_dim3A : f32 to vector<16xf32>
    %parallel_loop3A = arith.constant 0 : i32
    %parallel_loop3A_4 = arith.constant 8192 : i32
    %parallel_loop3A_5 = arith.constant 64 : i32
    %parallel_loop3A_6:2 = scf.for %parallel_loop3A_386 = %parallel_loop3A to %parallel_loop3A_4 step %parallel_loop3A_5 iter_args(%parallel_loop3A_387 = %broadcast_in_dim3A_3, %parallel_loop3A_388 = %broadcast_in_dim3A_3) -> (vector<16xf32>, vector<16xf32>)  : i32 {
      %parallel_loop3A_389 = arith.constant 0 : i32
      %parallel_loop3A_390 = arith.addi %parallel_loop3A_386, %parallel_loop3A_389 : i32
      %parallel_loop3A_391 = arith.constant 0 : i32
      %parallel_loop3A_392 = arith.index_cast %parallel_loop3A_391 : i32 to index
      %parallel_loop3A_393 = arith.index_cast %parallel_loop3A_390 : i32 to index
      %parallel_loop3A_394 = tpu.vector_load %arg4[%parallel_loop3A_392, %parallel_loop3A_393] {strides = array<i32>} : memref<4x8192xf32, #tpu.memory_space<vmem>>, vector<16xf32>,
      %parallel_loop3A_395 = arith.constant 16 : i32
      %parallel_loop3A_396 = arith.addi %parallel_loop3A_386, %parallel_loop3A_395 : i32
      %parallel_loop3A_397 = arith.constant 0 : i32
      %parallel_loop3A_398 = arith.index_cast %parallel_loop3A_397 : i32 to index
      %parallel_loop3A_399 = arith.index_cast %parallel_loop3A_396 : i32 to index
      %parallel_loop3A_400 = tpu.vector_load %arg4[%parallel_loop3A_398, %parallel_loop3A_399] {strides = array<i32>} : memref<4x8192xf32, #tpu.memory_space<vmem>>, vector<16xf32>,
      %parallel_loop3A_401 = arith.constant 32 : i32
      %parallel_loop3A_402 = arith.addi %parallel_loop3A_386, %parallel_loop3A_401 : i32
      %parallel_loop3A_403 = arith.constant 0 : i32
      %parallel_loop3A_404 = arith.index_cast %parallel_loop3A_403 : i32 to index
      %parallel_loop3A_405 = arith.index_cast %parallel_loop3A_402 : i32 to index
      %parallel_loop3A_406 = tpu.vector_load %arg4[%parallel_loop3A_404, %parallel_loop3A_405] {strides = array<i32>} : memref<4x8192xf32, #tpu.memory_space<vmem>>, vector<16xf32>,
      %parallel_loop3A_407 = arith.constant 48 : i32
      %parallel_loop3A_408 = arith.addi %parallel_loop3A_386, %parallel_loop3A_407 : i32
      %parallel_loop3A_409 = arith.constant 0 : i32
      %parallel_loop3A_410 = arith.index_cast %parallel_loop3A_409 : i32 to index
      %parallel_loop3A_411 = arith.index_cast %parallel_loop3A_408 : i32 to index
      %parallel_loop3A_412 = tpu.vector_load %arg4[%parallel_loop3A_410, %parallel_loop3A_411] {strides = array<i32>} : memref<4x8192xf32, #tpu.memory_space<vmem>>, vector<16xf32>,
      %parallel_loop3A_413 = arith.maximumf %parallel_loop3A_394, %parallel_loop3A_400 : vector<16xf32>
      %parallel_loop3A_414 = arith.maximumf %parallel_loop3A_387, %parallel_loop3A_413 : vector<16xf32>
      %parallel_loop3A_415 = arith.maximumf %parallel_loop3A_406, %parallel_loop3A_412 : vector<16xf32>
      %parallel_loop3A_416 = arith.maximumf %parallel_loop3A_388, %parallel_loop3A_415 : vector<16xf32>
      scf.yield %parallel_loop3A_414, %parallel_loop3A_416 : vector<16xf32>, vector<16xf32>
    } {sc.loop_unroll_factor = 2 : i64, sc.parallel_access}
    %max3A = arith.maximumf %parallel_loop3A_6#0, %parallel_loop3A_6#1 : vector<16xf32>
    %reduce_max3A = arith.constant true
    %reduce_max3A_7 = vector.broadcast %reduce_max3A : i1 to vector<16xi1>
    %reduce_max3A_8 = tpu.scan <max>, %max3A masked %reduce_max3A_7 : vector<16xf32>, vector<16xi1> -> vector<16xf32>
    %reduce_max3A_9 = vector.extract %reduce_max3A_8[15] : f32 from vector<16xf32>
    %broadcast_in_dim3A_10 = vector.broadcast %reduce_max3A_9 : f32 to vector<16xf32>
    %sub3A = arith.constant 1.000000e+00 : f32
    %sub3A_11 = vector.broadcast %sub3A : f32 to vector<16xf32>
    %sub3A_12 = arith.subf %broadcast_in_dim3A_10, %sub3A_11 : vector<16xf32>
    %iota3A = tpu.iota {dimensions = array<i32: 0>} : vector<16xi32>
    %broadcast_in_dim3A_13 = arith.constant 0 : i32
    %broadcast_in_dim3A_14 = vector.broadcast %broadcast_in_dim3A_13 : i32 to vector<16xi32>
    %scan3A = arith.constant 0 : i32
    %scan3A_15 = arith.constant 128 : i32
    %scan3A_16 = arith.addi %scan3A, %scan3A_15 : i32
    %scan3A_17 = arith.constant 1 : i32
    %scan3A_18 = scf.for %scan3A_386 = %scan3A to %scan3A_16 step %scan3A_17 iter_args(%scan3A_387 = %broadcast_in_dim3A_14) -> (vector<16xi32>)  : i32 {
      %mul3A_388 = arith.constant 64 : i32
      %mul3A_389 = arith.muli %scan3A_386, %mul3A_388 : i32
      %add3A_390 = arith.constant 0 : i32
      %add3A_391 = arith.addi %mul3A_389, %add3A_390 : i32
      %get3A_392 = arith.constant 0 : i32
      %get3A_393 = arith.index_cast %get3A_392 : i32 to index
      %get3A_394 = arith.index_cast %add3A_391 : i32 to index
      %get3A_395 = tpu.vector_load %arg4[%get3A_393, %get3A_394] {strides = array<i32>} : memref<4x8192xf32, #tpu.memory_space<vmem>>, vector<16xf32>,
      %gt3A_396 = arith.cmpf ogt, %get3A_395, %sub3A_12 : vector<16xf32>
      %all_reduce_population_count3A_397 = tpu.all_reduce %gt3A_396 {dim = 0 : i64, kind = #tpu.reduction_kind<sum>} : vector<16xi1> -> vector<16xi32>
      %add3A_398 = arith.addi %scan3A_387, %iota3A : vector<16xi32>
      %jit3A_399 = arith.constant 0xFF800000 : f32
      %broadcast_in_dim3A_400 = vector.broadcast %jit3A_399 : f32 to vector<16xf32>
      %select_n3A_401 = arith.select %gt3A_396, %get3A_395, %broadcast_in_dim3A_400 : vector<16xi1>, vector<16xf32>
      tpu.vector_store_idx %arg5[%add3A_398], %select_n3A_401 : memref<8192xf32, #tpu.memory_space<vmem>>[vector<16xi32>], vector<16xf32>,
      %gt3A_402 = arith.constant 0 : i32
      %gt3A_403 = vector.broadcast %gt3A_402 : i32 to vector<16xi32>
      %gt3A_404 = arith.cmpi sgt, %all_reduce_population_count3A_397, %gt3A_403 : vector<16xi32>
      %jit3A_405 = arith.constant 16 : i32
      %jit3A_406 = arith.constant 0 : i32
      %broadcast_in_dim3A_407 = vector.broadcast %jit3A_405 : i32 to vector<16xi32>
      %broadcast_in_dim3A_408 = vector.broadcast %jit3A_406 : i32 to vector<16xi32>
      %select_n3A_409 = arith.select %gt3A_404, %broadcast_in_dim3A_407, %broadcast_in_dim3A_408 : vector<16xi1>, vector<16xi32>
      %add3A_410 = arith.addi %scan3A_387, %select_n3A_409 : vector<16xi32>
      %add3A_411 = arith.constant 16 : i32
      %add3A_412 = arith.addi %mul3A_389, %add3A_411 : i32
      %get3A_413 = arith.constant 0 : i32
      %get3A_414 = arith.index_cast %get3A_413 : i32 to index
      %get3A_415 = arith.index_cast %add3A_412 : i32 to index
      %get3A_416 = tpu.vector_load %arg4[%get3A_414, %get3A_415] {strides = array<i32>} : memref<4x8192xf32, #tpu.memory_space<vmem>>, vector<16xf32>,
      %gt3A_417 = arith.cmpf ogt, %get3A_416, %sub3A_12 : vector<16xf32>
      %all_reduce_population_count3A_418 = tpu.all_reduce %gt3A_417 {dim = 0 : i64, kind = #tpu.reduction_kind<sum>} : vector<16xi1> -> vector<16xi32>
      %add3A_419 = arith.addi %add3A_410, %iota3A : vector<16xi32>
      %jit3A_420 = arith.constant 0xFF800000 : f32
      %broadcast_in_dim3A_421 = vector.broadcast %jit3A_420 : f32 to vector<16xf32>
      %select_n3A_422 = arith.select %gt3A_417, %get3A_416, %broadcast_in_dim3A_421 : vector<16xi1>, vector<16xf32>
      tpu.vector_store_idx %arg5[%add3A_419], %select_n3A_422 : memref<8192xf32, #tpu.memory_space<vmem>>[vector<16xi32>], vector<16xf32>,
      %gt3A_423 = arith.constant 0 : i32
      %gt3A_424 = vector.broadcast %gt3A_423 : i32 to vector<16xi32>
      %gt3A_425 = arith.cmpi sgt, %all_reduce_population_count3A_418, %gt3A_424 : vector<16xi32>
      %jit3A_426 = arith.constant 16 : i32
      %jit3A_427 = arith.constant 0 : i32
      %broadcast_in_dim3A_428 = vector.broadcast %jit3A_426 : i32 to vector<16xi32>
      %broadcast_in_dim3A_429 = vector.broadcast %jit3A_427 : i32 to vector<16xi32>
      %select_n3A_430 = arith.select %gt3A_425, %broadcast_in_dim3A_428, %broadcast_in_dim3A_429 : vector<16xi1>, vector<16xi32>
      %add3A_431 = arith.addi %add3A_410, %select_n3A_430 : vector<16xi32>
      %add3A_432 = arith.constant 32 : i32
      %add3A_433 = arith.addi %mul3A_389, %add3A_432 : i32
      %get3A_434 = arith.constant 0 : i32
      %get3A_435 = arith.index_cast %get3A_434 : i32 to index
      %get3A_436 = arith.index_cast %add3A_433 : i32 to index
      %get3A_437 = tpu.vector_load %arg4[%get3A_435, %get3A_436] {strides = array<i32>} : memref<4x8192xf32, #tpu.memory_space<vmem>>, vector<16xf32>,
      %gt3A_438 = arith.cmpf ogt, %get3A_437, %sub3A_12 : vector<16xf32>
      %all_reduce_population_count3A_439 = tpu.all_reduce %gt3A_438 {dim = 0 : i64, kind = #tpu.reduction_kind<sum>} : vector<16xi1> -> vector<16xi32>
      %add3A_440 = arith.addi %add3A_431, %iota3A : vector<16xi32>
      %jit3A_441 = arith.constant 0xFF800000 : f32
      %broadcast_in_dim3A_442 = vector.broadcast %jit3A_441 : f32 to vector<16xf32>
      %select_n3A_443 = arith.select %gt3A_438, %get3A_437, %broadcast_in_dim3A_442 : vector<16xi1>, vector<16xf32>
      tpu.vector_store_idx %arg5[%add3A_440], %select_n3A_443 : memref<8192xf32, #tpu.memory_space<vmem>>[vector<16xi32>], vector<16xf32>,
      %gt3A_444 = arith.constant 0 : i32
      %gt3A_445 = vector.broadcast %gt3A_444 : i32 to vector<16xi32>
      %gt3A_446 = arith.cmpi sgt, %all_reduce_population_count3A_439, %gt3A_445 : vector<16xi32>
      %jit3A_447 = arith.constant 16 : i32
      %jit3A_448 = arith.constant 0 : i32
      %broadcast_in_dim3A_449 = vector.broadcast %jit3A_447 : i32 to vector<16xi32>
      %broadcast_in_dim3A_450 = vector.broadcast %jit3A_448 : i32 to vector<16xi32>
      %select_n3A_451 = arith.select %gt3A_446, %broadcast_in_dim3A_449, %broadcast_in_dim3A_450 : vector<16xi1>, vector<16xi32>
      %add3A_452 = arith.addi %add3A_431, %select_n3A_451 : vector<16xi32>
      %add3A_453 = arith.constant 48 : i32
      %add3A_454 = arith.addi %mul3A_389, %add3A_453 : i32
      %get3A_455 = arith.constant 0 : i32
      %get3A_456 = arith.index_cast %get3A_455 : i32 to index
      %get3A_457 = arith.index_cast %add3A_454 : i32 to index
      %get3A_458 = tpu.vector_load %arg4[%get3A_456, %get3A_457] {strides = array<i32>} : memref<4x8192xf32, #tpu.memory_space<vmem>>, vector<16xf32>,
      %gt3A_459 = arith.cmpf ogt, %get3A_458, %sub3A_12 : vector<16xf32>
      %all_reduce_population_count3A_460 = tpu.all_reduce %gt3A_459 {dim = 0 : i64, kind = #tpu.reduction_kind<sum>} : vector<16xi1> -> vector<16xi32>
      %add3A_461 = arith.addi %add3A_452, %iota3A : vector<16xi32>
      %jit3A_462 = arith.constant 0xFF800000 : f32
      %broadcast_in_dim3A_463 = vector.broadcast %jit3A_462 : f32 to vector<16xf32>
      %select_n3A_464 = arith.select %gt3A_459, %get3A_458, %broadcast_in_dim3A_463 : vector<16xi1>, vector<16xf32>
      tpu.vector_store_idx %arg5[%add3A_461], %select_n3A_464 : memref<8192xf32, #tpu.memory_space<vmem>>[vector<16xi32>], vector<16xf32>,
      %gt3A_465 = arith.constant 0 : i32
      %gt3A_466 = vector.broadcast %gt3A_465 : i32 to vector<16xi32>
      %gt3A_467 = arith.cmpi sgt, %all_reduce_population_count3A_460, %gt3A_466 : vector<16xi32>
      %jit3A_468 = arith.constant 16 : i32
      %jit3A_469 = arith.constant 0 : i32
      %broadcast_in_dim3A_470 = vector.broadcast %jit3A_468 : i32 to vector<16xi32>
      %broadcast_in_dim3A_471 = vector.broadcast %jit3A_469 : i32 to vector<16xi32>
      %select_n3A_472 = arith.select %gt3A_467, %broadcast_in_dim3A_470, %broadcast_in_dim3A_471 : vector<16xi1>, vector<16xi32>
      %add3A_473 = arith.addi %add3A_452, %select_n3A_472 : vector<16xi32>
      scf.yield %add3A_473 : vector<16xi32>
    }
    %scan3A_19 = arith.constant 128 : i32
    %reduce_max3A_20 = arith.constant true
    %reduce_max3A_21 = vector.broadcast %reduce_max3A_20 : i1 to vector<16xi1>
    %reduce_max3A_22 = arith.constant -2147483648 : i32
    %reduce_max3A_23 = vector.broadcast %reduce_max3A_22 : i32 to vector<16xi32>
    %reduce_max3A_24 = arith.xori %scan3A_18, %reduce_max3A_23 : vector<16xi32>
    %reduce_max3A_25 = tpu.scan <max>, %reduce_max3A_24 masked %reduce_max3A_21 : vector<16xi32>, vector<16xi1> -> vector<16xi32>
    %reduce_max3A_26 = arith.xori %reduce_max3A_25, %reduce_max3A_23 : vector<16xi32>
    %reduce_max3A_27 = vector.extract %reduce_max3A_26[15] : i32 from vector<16xi32>
    %broadcast_in_dim3A_28 = arith.constant 8192 : i32
    %broadcast_in_dim3A_29 = vector.broadcast %broadcast_in_dim3A_28 : i32 to vector<16xi32>
    %broadcast_in_dim3A_30 = arith.constant -1 : i32
    %broadcast_in_dim3A_31 = vector.broadcast %broadcast_in_dim3A_30 : i32 to vector<16xi32>
    %while3A:4 = scf.while (%while3A_386 = %sub3A_12, %while3A_387 = %broadcast_in_dim3A_29, %while3A_388 = %broadcast_in_dim3A_31, %while3A_389 = %reduce_max3A_27) : (vector<16xf32>, vector<16xi32>, vector<16xi32>, i32) -> (vector<16xf32>, vector<16xi32>, vector<16xi32>, i32) {
      %ne3A = arith.cmpi ne, %while3A_387, %while3A_388 : vector<16xi32>
      %reduce_or3A = arith.constant 1.000000e+00 : f32
      %reduce_or3A_390 = arith.constant 0.000000e+00 : f32
      %reduce_or3A_391 = vector.broadcast %reduce_or3A : f32 to vector<16xf32>
      %reduce_or3A_392 = vector.broadcast %reduce_or3A_390 : f32 to vector<16xf32>
      %reduce_or3A_393 = arith.select %ne3A, %reduce_or3A_391, %reduce_or3A_392 : vector<16xi1>, vector<16xf32>
      %reduce_or3A_394 = arith.constant true
      %reduce_or3A_395 = vector.broadcast %reduce_or3A_394 : i1 to vector<16xi1>
      %reduce_or3A_396 = tpu.scan <max>, %reduce_or3A_393 masked %reduce_or3A_395 : vector<16xf32>, vector<16xi1> -> vector<16xf32>
      %reduce_or3A_397 = vector.extract %reduce_or3A_396[15] : f32 from vector<16xf32>
      %reduce_or3A_398 = arith.constant 0.000000e+00 : f32
      %reduce_or3A_399 = arith.cmpf ogt, %reduce_or3A_397, %reduce_or3A_398 : f32
      %gt3A_400 = arith.constant 16 : i32
      %gt3A_401 = vector.broadcast %gt3A_400 : i32 to vector<16xi32>
      %gt3A_402 = arith.cmpi sgt, %while3A_387, %gt3A_401 : vector<16xi32>
      %reduce_or3A_403 = arith.constant 1.000000e+00 : f32
      %reduce_or3A_404 = arith.constant 0.000000e+00 : f32
      %reduce_or3A_405 = vector.broadcast %reduce_or3A_403 : f32 to vector<16xf32>
      %reduce_or3A_406 = vector.broadcast %reduce_or3A_404 : f32 to vector<16xf32>
      %reduce_or3A_407 = arith.select %gt3A_402, %reduce_or3A_405, %reduce_or3A_406 : vector<16xi1>, vector<16xf32>
      %reduce_or3A_408 = arith.constant true
      %reduce_or3A_409 = vector.broadcast %reduce_or3A_408 : i1 to vector<16xi1>
      %reduce_or3A_410 = tpu.scan <max>, %reduce_or3A_407 masked %reduce_or3A_409 : vector<16xf32>, vector<16xi1> -> vector<16xf32>
      %reduce_or3A_411 = vector.extract %reduce_or3A_410[15] : f32 from vector<16xf32>
      %reduce_or3A_412 = arith.constant 0.000000e+00 : f32
      %reduce_or3A_413 = arith.cmpf ogt, %reduce_or3A_411, %reduce_or3A_412 : f32
      %and3A = arith.andi %reduce_or3A_399, %reduce_or3A_413 : i1
      scf.condition(%and3A) %while3A_386, %while3A_387, %while3A_388, %while3A_389 : vector<16xf32>, vector<16xi32>, vector<16xi32>, i32
    } do {
    ^bb0(%while3A_386: vector<16xf32>, %while3A_387: vector<16xi32>, %while3A_388: vector<16xi32>, %while3A_389: i32):
      %shift_right_logical3A_390 = arith.constant 4 : i32
      %shift_right_logical3A_391 = arith.shrui %while3A_389, %shift_right_logical3A_390 : i32
      %iota3A_392 = tpu.iota {dimensions = array<i32: 0>} : vector<16xi32>
      %broadcast_in_dim3A_393 = arith.constant 0 : i32
      %broadcast_in_dim3A_394 = vector.broadcast %broadcast_in_dim3A_393 : i32 to vector<16xi32>
      %broadcast_in_dim3A_395 = arith.constant 0.000000e+00 : f32
      %broadcast_in_dim3A_396 = vector.broadcast %broadcast_in_dim3A_395 : f32 to vector<16xf32>
      %broadcast_in_dim3A_397 = arith.constant 0 : i32
      %broadcast_in_dim3A_398 = vector.broadcast %broadcast_in_dim3A_397 : i32 to vector<16xi32>
      %while3A_399 = arith.constant 0 : i32
      %while3A_400 = arith.subi %shift_right_logical3A_391, %while3A_399 : i32
      %while3A_401 = arith.addi %while3A_399, %while3A_400 : i32
      %while3A_402 = arith.constant 1 : i32
      %while3A_403 = arith.divsi %while3A_400, %while3A_402 : i32
      %while3A_404 = arith.muli %while3A_403, %while3A_402 : i32
      %while3A_405 = arith.addi %while3A_399, %while3A_404 : i32
      %while3A_406 = arith.constant 1 : i32
      %while3A_407:3 = scf.for %while3A_466 = %while3A_399 to %while3A_405 step %while3A_406 iter_args(%while3A_467 = %broadcast_in_dim3A_394, %while3A_468 = %broadcast_in_dim3A_396, %while3A_469 = %broadcast_in_dim3A_398) -> (vector<16xi32>, vector<16xf32>, vector<16xi32>)  : i32 {
        %mul3A_470 = arith.constant 16 : i32
        %mul3A_471 = arith.muli %while3A_466, %mul3A_470 : i32
        %get3A_472 = arith.index_cast %mul3A_471 : i32 to index
        %get3A_473 = tpu.vector_load %arg5[%get3A_472] {strides = array<i32>} : memref<8192xf32, #tpu.memory_space<vmem>>, vector<16xf32>,
        %gt3A_474 = arith.cmpf ogt, %get3A_473, %while3A_386 : vector<16xf32>
        %jit3A_475 = arith.constant 0.000000e+00 : f32
        %broadcast_in_dim3A_476 = vector.broadcast %jit3A_475 : f32 to vector<16xf32>
        %select_n3A_477 = arith.select %gt3A_474, %get3A_473, %broadcast_in_dim3A_476 : vector<16xi1>, vector<16xf32>
        %add3A_478 = arith.addf %while3A_468, %select_n3A_477 : vector<16xf32>
        %all_reduce_population_count3A_479 = tpu.all_reduce %gt3A_474 {dim = 0 : i64, kind = #tpu.reduction_kind<sum>} : vector<16xi1> -> vector<16xi32>
        %add3A_480 = arith.addi %while3A_469, %all_reduce_population_count3A_479 : vector<16xi32>
        %add3A_481 = arith.addi %while3A_467, %iota3A_392 : vector<16xi32>
        %jit3A_482 = arith.constant 0xFF800000 : f32
        %broadcast_in_dim3A_483 = vector.broadcast %jit3A_482 : f32 to vector<16xf32>
        %select_n3A_484 = arith.select %gt3A_474, %get3A_473, %broadcast_in_dim3A_483 : vector<16xi1>, vector<16xf32>
        tpu.vector_store_idx %arg6[%add3A_481], %select_n3A_484 : memref<8192xf32, #tpu.memory_space<vmem>>[vector<16xi32>], vector<16xf32>,
        %gt3A_485 = arith.constant 0 : i32
        %gt3A_486 = vector.broadcast %gt3A_485 : i32 to vector<16xi32>
        %gt3A_487 = arith.cmpi sgt, %all_reduce_population_count3A_479, %gt3A_486 : vector<16xi32>
        %jit3A_488 = arith.constant 16 : i32
        %jit3A_489 = arith.constant 0 : i32
        %broadcast_in_dim3A_490 = vector.broadcast %jit3A_488 : i32 to vector<16xi32>
        %broadcast_in_dim3A_491 = vector.broadcast %jit3A_489 : i32 to vector<16xi32>
        %select_n3A_492 = arith.select %gt3A_487, %broadcast_in_dim3A_490, %broadcast_in_dim3A_491 : vector<16xi1>, vector<16xi32>
        %add3A_493 = arith.addi %while3A_467, %select_n3A_492 : vector<16xi32>
        scf.yield %add3A_493, %add3A_478, %add3A_480 : vector<16xi32>, vector<16xf32>, vector<16xi32>
      }
      %while3A_408 = arith.constant 1 : i32
      %while3A_409:3 = scf.for %while3A_466 = %while3A_405 to %while3A_401 step %while3A_408 iter_args(%while3A_467 = %while3A_407#0, %while3A_468 = %while3A_407#1, %while3A_469 = %while3A_407#2) -> (vector<16xi32>, vector<16xf32>, vector<16xi32>)  : i32 {
        %mul3A_470 = arith.constant 16 : i32
        %mul3A_471 = arith.muli %while3A_466, %mul3A_470 : i32
        %get3A_472 = arith.index_cast %mul3A_471 : i32 to index
        %get3A_473 = tpu.vector_load %arg5[%get3A_472] {strides = array<i32>} : memref<8192xf32, #tpu.memory_space<vmem>>, vector<16xf32>,
        %gt3A_474 = arith.cmpf ogt, %get3A_473, %while3A_386 : vector<16xf32>
        %jit3A_475 = arith.constant 0.000000e+00 : f32
        %broadcast_in_dim3A_476 = vector.broadcast %jit3A_475 : f32 to vector<16xf32>
        %select_n3A_477 = arith.select %gt3A_474, %get3A_473, %broadcast_in_dim3A_476 : vector<16xi1>, vector<16xf32>
        %add3A_478 = arith.addf %while3A_468, %select_n3A_477 : vector<16xf32>
        %all_reduce_population_count3A_479 = tpu.all_reduce %gt3A_474 {dim = 0 : i64, kind = #tpu.reduction_kind<sum>} : vector<16xi1> -> vector<16xi32>
        %add3A_480 = arith.addi %while3A_469, %all_reduce_population_count3A_479 : vector<16xi32>
        %add3A_481 = arith.addi %while3A_467, %iota3A_392 : vector<16xi32>
        %jit3A_482 = arith.constant 0xFF800000 : f32
        %broadcast_in_dim3A_483 = vector.broadcast %jit3A_482 : f32 to vector<16xf32>
        %select_n3A_484 = arith.select %gt3A_474, %get3A_473, %broadcast_in_dim3A_483 : vector<16xi1>, vector<16xf32>
        tpu.vector_store_idx %arg6[%add3A_481], %select_n3A_484 : memref<8192xf32, #tpu.memory_space<vmem>>[vector<16xi32>], vector<16xf32>,
        %gt3A_485 = arith.constant 0 : i32
        %gt3A_486 = vector.broadcast %gt3A_485 : i32 to vector<16xi32>
        %gt3A_487 = arith.cmpi sgt, %all_reduce_population_count3A_479, %gt3A_486 : vector<16xi32>
        %jit3A_488 = arith.constant 16 : i32
        %jit3A_489 = arith.constant 0 : i32
        %broadcast_in_dim3A_490 = vector.broadcast %jit3A_488 : i32 to vector<16xi32>
        %broadcast_in_dim3A_491 = vector.broadcast %jit3A_489 : i32 to vector<16xi32>
        %select_n3A_492 = arith.select %gt3A_487, %broadcast_in_dim3A_490, %broadcast_in_dim3A_491 : vector<16xi1>, vector<16xi32>
        %add3A_493 = arith.addi %while3A_467, %select_n3A_492 : vector<16xi32>
        scf.yield %add3A_493, %add3A_478, %add3A_480 : vector<16xi32>, vector<16xf32>, vector<16xi32>
      }
      %reduce_max3A_410 = arith.constant true
      %reduce_max3A_411 = vector.broadcast %reduce_max3A_410 : i1 to vector<16xi1>
      %reduce_max3A_412 = arith.constant -2147483648 : i32
      %reduce_max3A_413 = vector.broadcast %reduce_max3A_412 : i32 to vector<16xi32>
      %reduce_max3A_414 = arith.xori %while3A_409#0, %reduce_max3A_413 : vector<16xi32>
      %reduce_max3A_415 = tpu.scan <max>, %reduce_max3A_414 masked %reduce_max3A_411 : vector<16xi32>, vector<16xi1> -> vector<16xi32>
      %reduce_max3A_416 = arith.xori %reduce_max3A_415, %reduce_max3A_413 : vector<16xi32>
      %reduce_max3A_417 = vector.extract %reduce_max3A_416[15] : i32 from vector<16xi32>
      %reduce_sum3A_418 = arith.constant true
      %reduce_sum3A_419 = vector.broadcast %reduce_sum3A_418 : i1 to vector<16xi1>
      %reduce_sum3A_420 = tpu.scan <sum>, %while3A_409#1 masked %reduce_sum3A_419 : vector<16xf32>, vector<16xi1> -> vector<16xf32>
      %reduce_sum3A_421 = vector.extract %reduce_sum3A_420[15] : f32 from vector<16xf32>
      %broadcast_in_dim3A_422 = vector.broadcast %reduce_sum3A_421 : f32 to vector<16xf32>
      %sub3A_423 = arith.constant 1.000000e+00 : f32
      %sub3A_424 = vector.broadcast %sub3A_423 : f32 to vector<16xf32>
      %sub3A_425 = arith.subf %broadcast_in_dim3A_422, %sub3A_424 : vector<16xf32>
      %convert_element_type3A_426 = arith.sitofp %while3A_409#2 : vector<16xi32> to vector<16xf32>
      %div3A_427 = arith.divf %sub3A_425, %convert_element_type3A_426 : vector<16xf32>
      %shift_right_logical3A_428 = arith.constant 4 : i32
      %shift_right_logical3A_429 = arith.shrui %reduce_max3A_417, %shift_right_logical3A_428 : i32
      %iota3A_430 = tpu.iota {dimensions = array<i32: 0>} : vector<16xi32>
      %broadcast_in_dim3A_431 = arith.constant 0 : i32
      %broadcast_in_dim3A_432 = vector.broadcast %broadcast_in_dim3A_431 : i32 to vector<16xi32>
      %broadcast_in_dim3A_433 = arith.constant 0.000000e+00 : f32
      %broadcast_in_dim3A_434 = vector.broadcast %broadcast_in_dim3A_433 : f32 to vector<16xf32>
      %broadcast_in_dim3A_435 = arith.constant 0 : i32
      %broadcast_in_dim3A_436 = vector.broadcast %broadcast_in_dim3A_435 : i32 to vector<16xi32>
      %while3A_437 = arith.constant 0 : i32
      %while3A_438 = arith.subi %shift_right_logical3A_429, %while3A_437 : i32
      %while3A_439 = arith.addi %while3A_437, %while3A_438 : i32
      %while3A_440 = arith.constant 1 : i32
      %while3A_441 = arith.divsi %while3A_438, %while3A_440 : i32
      %while3A_442 = arith.muli %while3A_441, %while3A_440 : i32
      %while3A_443 = arith.addi %while3A_437, %while3A_442 : i32
      %while3A_444 = arith.constant 1 : i32
      %while3A_445:3 = scf.for %while3A_466 = %while3A_437 to %while3A_443 step %while3A_444 iter_args(%while3A_467 = %broadcast_in_dim3A_432, %while3A_468 = %broadcast_in_dim3A_434, %while3A_469 = %broadcast_in_dim3A_436) -> (vector<16xi32>, vector<16xf32>, vector<16xi32>)  : i32 {
        %mul3A_470 = arith.constant 16 : i32
        %mul3A_471 = arith.muli %while3A_466, %mul3A_470 : i32
        %get3A_472 = arith.index_cast %mul3A_471 : i32 to index
        %get3A_473 = tpu.vector_load %arg6[%get3A_472] {strides = array<i32>} : memref<8192xf32, #tpu.memory_space<vmem>>, vector<16xf32>,
        %gt3A_474 = arith.cmpf ogt, %get3A_473, %div3A_427 : vector<16xf32>
        %jit3A_475 = arith.constant 0.000000e+00 : f32
        %broadcast_in_dim3A_476 = vector.broadcast %jit3A_475 : f32 to vector<16xf32>
        %select_n3A_477 = arith.select %gt3A_474, %get3A_473, %broadcast_in_dim3A_476 : vector<16xi1>, vector<16xf32>
        %add3A_478 = arith.addf %while3A_468, %select_n3A_477 : vector<16xf32>
        %all_reduce_population_count3A_479 = tpu.all_reduce %gt3A_474 {dim = 0 : i64, kind = #tpu.reduction_kind<sum>} : vector<16xi1> -> vector<16xi32>
        %add3A_480 = arith.addi %while3A_469, %all_reduce_population_count3A_479 : vector<16xi32>
        %add3A_481 = arith.addi %while3A_467, %iota3A_430 : vector<16xi32>
        %jit3A_482 = arith.constant 0xFF800000 : f32
        %broadcast_in_dim3A_483 = vector.broadcast %jit3A_482 : f32 to vector<16xf32>
        %select_n3A_484 = arith.select %gt3A_474, %get3A_473, %broadcast_in_dim3A_483 : vector<16xi1>, vector<16xf32>
        tpu.vector_store_idx %arg5[%add3A_481], %select_n3A_484 : memref<8192xf32, #tpu.memory_space<vmem>>[vector<16xi32>], vector<16xf32>,
        %gt3A_485 = arith.constant 0 : i32
        %gt3A_486 = vector.broadcast %gt3A_485 : i32 to vector<16xi32>
        %gt3A_487 = arith.cmpi sgt, %all_reduce_population_count3A_479, %gt3A_486 : vector<16xi32>
        %jit3A_488 = arith.constant 16 : i32
        %jit3A_489 = arith.constant 0 : i32
        %broadcast_in_dim3A_490 = vector.broadcast %jit3A_488 : i32 to vector<16xi32>
        %broadcast_in_dim3A_491 = vector.broadcast %jit3A_489 : i32 to vector<16xi32>
        %select_n3A_492 = arith.select %gt3A_487, %broadcast_in_dim3A_490, %broadcast_in_dim3A_491 : vector<16xi1>, vector<16xi32>
        %add3A_493 = arith.addi %while3A_467, %select_n3A_492 : vector<16xi32>
        scf.yield %add3A_493, %add3A_478, %add3A_480 : vector<16xi32>, vector<16xf32>, vector<16xi32>
      }
      %while3A_446 = arith.constant 1 : i32
      %while3A_447:3 = scf.for %while3A_466 = %while3A_443 to %while3A_439 step %while3A_446 iter_args(%while3A_467 = %while3A_445#0, %while3A_468 = %while3A_445#1, %while3A_469 = %while3A_445#2) -> (vector<16xi32>, vector<16xf32>, vector<16xi32>)  : i32 {
        %mul3A_470 = arith.constant 16 : i32
        %mul3A_471 = arith.muli %while3A_466, %mul3A_470 : i32
        %get3A_472 = arith.index_cast %mul3A_471 : i32 to index
        %get3A_473 = tpu.vector_load %arg6[%get3A_472] {strides = array<i32>} : memref<8192xf32, #tpu.memory_space<vmem>>, vector<16xf32>,
        %gt3A_474 = arith.cmpf ogt, %get3A_473, %div3A_427 : vector<16xf32>
        %jit3A_475 = arith.constant 0.000000e+00 : f32
        %broadcast_in_dim3A_476 = vector.broadcast %jit3A_475 : f32 to vector<16xf32>
        %select_n3A_477 = arith.select %gt3A_474, %get3A_473, %broadcast_in_dim3A_476 : vector<16xi1>, vector<16xf32>
        %add3A_478 = arith.addf %while3A_468, %select_n3A_477 : vector<16xf32>
        %all_reduce_population_count3A_479 = tpu.all_reduce %gt3A_474 {dim = 0 : i64, kind = #tpu.reduction_kind<sum>} : vector<16xi1> -> vector<16xi32>
        %add3A_480 = arith.addi %while3A_469, %all_reduce_population_count3A_479 : vector<16xi32>
        %add3A_481 = arith.addi %while3A_467, %iota3A_430 : vector<16xi32>
        %jit3A_482 = arith.constant 0xFF800000 : f32
        %broadcast_in_dim3A_483 = vector.broadcast %jit3A_482 : f32 to vector<16xf32>
        %select_n3A_484 = arith.select %gt3A_474, %get3A_473, %broadcast_in_dim3A_483 : vector<16xi1>, vector<16xf32>
        tpu.vector_store_idx %arg5[%add3A_481], %select_n3A_484 : memref<8192xf32, #tpu.memory_space<vmem>>[vector<16xi32>], vector<16xf32>,
        %gt3A_485 = arith.constant 0 : i32
        %gt3A_486 = vector.broadcast %gt3A_485 : i32 to vector<16xi32>
        %gt3A_487 = arith.cmpi sgt, %all_reduce_population_count3A_479, %gt3A_486 : vector<16xi32>
        %jit3A_488 = arith.constant 16 : i32
        %jit3A_489 = arith.constant 0 : i32
        %broadcast_in_dim3A_490 = vector.broadcast %jit3A_488 : i32 to vector<16xi32>
        %broadcast_in_dim3A_491 = vector.broadcast %jit3A_489 : i32 to vector<16xi32>
        %select_n3A_492 = arith.select %gt3A_487, %broadcast_in_dim3A_490, %broadcast_in_dim3A_491 : vector<16xi1>, vector<16xi32>
        %add3A_493 = arith.addi %while3A_467, %select_n3A_492 : vector<16xi32>
        scf.yield %add3A_493, %add3A_478, %add3A_480 : vector<16xi32>, vector<16xf32>, vector<16xi32>
      }
      %reduce_max3A_448 = arith.constant true
      %reduce_max3A_449 = vector.broadcast %reduce_max3A_448 : i1 to vector<16xi1>
      %reduce_max3A_450 = arith.constant -2147483648 : i32
      %reduce_max3A_451 = vector.broadcast %reduce_max3A_450 : i32 to vector<16xi32>
      %reduce_max3A_452 = arith.xori %while3A_447#0, %reduce_max3A_451 : vector<16xi32>
      %reduce_max3A_453 = tpu.scan <max>, %reduce_max3A_452 masked %reduce_max3A_449 : vector<16xi32>, vector<16xi1> -> vector<16xi32>
      %reduce_max3A_454 = arith.xori %reduce_max3A_453, %reduce_max3A_451 : vector<16xi32>
      %reduce_max3A_455 = vector.extract %reduce_max3A_454[15] : i32 from vector<16xi32>
      %reduce_sum3A_456 = arith.constant true
      %reduce_sum3A_457 = vector.broadcast %reduce_sum3A_456 : i1 to vector<16xi1>
      %reduce_sum3A_458 = tpu.scan <sum>, %while3A_447#1 masked %reduce_sum3A_457 : vector<16xf32>, vector<16xi1> -> vector<16xf32>
      %reduce_sum3A_459 = vector.extract %reduce_sum3A_458[15] : f32 from vector<16xf32>
      %broadcast_in_dim3A_460 = vector.broadcast %reduce_sum3A_459 : f32 to vector<16xf32>
      %sub3A_461 = arith.constant 1.000000e+00 : f32
      %sub3A_462 = vector.broadcast %sub3A_461 : f32 to vector<16xf32>
      %sub3A_463 = arith.subf %broadcast_in_dim3A_460, %sub3A_462 : vector<16xf32>
      %convert_element_type3A_464 = arith.sitofp %while3A_447#2 : vector<16xi32> to vector<16xf32>
      %div3A_465 = arith.divf %sub3A_463, %convert_element_type3A_464 : vector<16xf32>
      scf.yield %div3A_465, %while3A_447#2, %while3A_409#2, %reduce_max3A_455 : vector<16xf32>, vector<16xi32>, vector<16xi32>, i32
    }
    %convert_element_type3A = arith.sitofp %while3A#1 : vector<16xi32> to vector<16xf32>
    %div3A = arith.constant 1.000000e+00 : f32
    %div3A_32 = vector.broadcast %div3A : f32 to vector<16xf32>
    %div3A_33 = arith.divf %div3A_32, %convert_element_type3A : vector<16xf32>
    %sub3A_34 = arith.subf %while3A#0, %div3A_33 : vector<16xf32>
    %iota3A_35 = tpu.iota {dimensions = array<i32: 0>} : vector<16xi32>
    %broadcast_in_dim3A_36 = arith.constant 0xFF800000 : f32
    %broadcast_in_dim3A_37 = vector.broadcast %broadcast_in_dim3A_36 : f32 to vector<16xf32>
    %swap3A = arith.constant 0 : index
    %swap3A_38 = tpu.vector_load %arg6[%swap3A] {strides = array<i32>} : memref<8192xf32, #tpu.memory_space<vmem>>, vector<16xf32>,
    tpu.vector_store %arg6[%swap3A], %broadcast_in_dim3A_37 {strides = array<i32>} : memref<8192xf32, #tpu.memory_space<vmem>>, vector<16xf32>,
    %shift_right_logical3A = arith.constant 4 : i32
    %shift_right_logical3A_39 = arith.shrui %while3A#3, %shift_right_logical3A : i32
    %broadcast_in_dim3A_40 = arith.constant 0 : i32
    %broadcast_in_dim3A_41 = vector.broadcast %broadcast_in_dim3A_40 : i32 to vector<16xi32>
    %while3A_42 = arith.constant 0 : i32
    %while3A_43 = arith.subi %shift_right_logical3A_39, %while3A_42 : i32
    %while3A_44 = arith.addi %while3A_42, %while3A_43 : i32
    %while3A_45 = arith.constant 1 : i32
    %while3A_46 = arith.divsi %while3A_43, %while3A_45 : i32
    %while3A_47 = arith.muli %while3A_46, %while3A_45 : i32
    %while3A_48 = arith.addi %while3A_42, %while3A_47 : i32
    %while3A_49 = arith.constant 1 : i32
    %while3A_50 = scf.for %while3A_386 = %while3A_42 to %while3A_48 step %while3A_49 iter_args(%while3A_387 = %broadcast_in_dim3A_41) -> (vector<16xi32>)  : i32 {
      %mul3A_388 = arith.constant 16 : i32
      %mul3A_389 = arith.muli %while3A_386, %mul3A_388 : i32
      %get3A_390 = arith.index_cast %mul3A_389 : i32 to index
      %get3A_391 = tpu.vector_load %arg5[%get3A_390] {strides = array<i32>} : memref<8192xf32, #tpu.memory_space<vmem>>, vector<16xf32>,
      %gt3A_392 = arith.constant 0xFF800000 : f32
      %gt3A_393 = vector.broadcast %gt3A_392 : f32 to vector<16xf32>
      %gt3A_394 = arith.cmpf ogt, %get3A_391, %gt3A_393 : vector<16xf32>
      %convert_element_type3A_395 = arith.extui %gt3A_394 : vector<16xi1> to vector<16xi32>
      %broadcast_in_dim3A_396 = arith.constant true
      %broadcast_in_dim3A_397 = vector.broadcast %broadcast_in_dim3A_396 : i1 to vector<16xi1>
      %masked_cumsum3A_398 = tpu.scan <sum>, %convert_element_type3A_395 masked %broadcast_in_dim3A_397 : vector<16xi32>, vector<16xi1> -> vector<16xi32>
      %add3A_399 = arith.addi %while3A_387, %masked_cumsum3A_398 : vector<16xi32>
      %sub3A_400 = arith.constant 1 : i32
      %sub3A_401 = vector.broadcast %sub3A_400 : i32 to vector<16xi32>
      %sub3A_402 = arith.subi %add3A_399, %sub3A_401 : vector<16xi32>
      tpu.vector_store_idx %arg6[%sub3A_402], %get3A_391 masked %gt3A_394 : memref<8192xf32, #tpu.memory_space<vmem>>[vector<16xi32>], vector<16xf32>, vector<16xi1>
      %all_reduce_population_count3A_403 = tpu.all_reduce %gt3A_394 {dim = 0 : i64, kind = #tpu.reduction_kind<sum>} : vector<16xi1> -> vector<16xi32>
      %add3A_404 = arith.addi %while3A_387, %all_reduce_population_count3A_403 : vector<16xi32>
      scf.yield %add3A_404 : vector<16xi32>
    }
    %while3A_51 = arith.constant 1 : i32
    %while3A_52 = scf.for %while3A_386 = %while3A_48 to %while3A_44 step %while3A_51 iter_args(%while3A_387 = %while3A_50) -> (vector<16xi32>)  : i32 {
      %mul3A_388 = arith.constant 16 : i32
      %mul3A_389 = arith.muli %while3A_386, %mul3A_388 : i32
      %get3A_390 = arith.index_cast %mul3A_389 : i32 to index
      %get3A_391 = tpu.vector_load %arg5[%get3A_390] {strides = array<i32>} : memref<8192xf32, #tpu.memory_space<vmem>>, vector<16xf32>,
      %gt3A_392 = arith.constant 0xFF800000 : f32
      %gt3A_393 = vector.broadcast %gt3A_392 : f32 to vector<16xf32>
      %gt3A_394 = arith.cmpf ogt, %get3A_391, %gt3A_393 : vector<16xf32>
      %convert_element_type3A_395 = arith.extui %gt3A_394 : vector<16xi1> to vector<16xi32>
      %broadcast_in_dim3A_396 = arith.constant true
      %broadcast_in_dim3A_397 = vector.broadcast %broadcast_in_dim3A_396 : i1 to vector<16xi1>
      %masked_cumsum3A_398 = tpu.scan <sum>, %convert_element_type3A_395 masked %broadcast_in_dim3A_397 : vector<16xi32>, vector<16xi1> -> vector<16xi32>
      %add3A_399 = arith.addi %while3A_387, %masked_cumsum3A_398 : vector<16xi32>
      %sub3A_400 = arith.constant 1 : i32
      %sub3A_401 = vector.broadcast %sub3A_400 : i32 to vector<16xi32>
      %sub3A_402 = arith.subi %add3A_399, %sub3A_401 : vector<16xi32>
      tpu.vector_store_idx %arg6[%sub3A_402], %get3A_391 masked %gt3A_394 : memref<8192xf32, #tpu.memory_space<vmem>>[vector<16xi32>], vector<16xf32>, vector<16xi1>
      %all_reduce_population_count3A_403 = tpu.all_reduce %gt3A_394 {dim = 0 : i64, kind = #tpu.reduction_kind<sum>} : vector<16xi1> -> vector<16xi32>
      %add3A_404 = arith.addi %while3A_387, %all_reduce_population_count3A_403 : vector<16xi32>
      scf.yield %add3A_404 : vector<16xi32>
    }
    %get3A = arith.constant 0 : index
    %get3A_53 = tpu.vector_load %arg6[%get3A] {strides = array<i32>} : memref<8192xf32, #tpu.memory_space<vmem>>, vector<16xf32>,
    %masked_sort3A = arith.constant dense<true> : vector<16xi1>
    %masked_sort3A_54, %masked_sort3A_55, %masked_sort3A_56 = tpu.sort %get3A_53, %iota3A_35 masked %masked_sort3A {descending = true} : (vector<16xf32>, vector<16xi32>, vector<16xi1>) -> (vector<16xi1>, vector<16xf32>, vector<16xi32>)
    %broadcast_in_dim3A_57 = arith.constant true
    %broadcast_in_dim3A_58 = vector.broadcast %broadcast_in_dim3A_57 : i1 to vector<16xi1>
    %masked_cumsum3A = tpu.scan <sum>, %masked_sort3A_55 masked %broadcast_in_dim3A_58 : vector<16xf32>, vector<16xi1> -> vector<16xf32>
    %add3A_59 = arith.constant 1 : i32
    %add3A_60 = vector.broadcast %add3A_59 : i32 to vector<16xi32>
    %add3A_61 = arith.addi %iota3A_35, %add3A_60 : vector<16xi32>
    %convert_element_type3A_62 = arith.sitofp %add3A_61 : vector<16xi32> to vector<16xf32>
    %mul3A_63 = arith.mulf %convert_element_type3A_62, %masked_sort3A_55 : vector<16xf32>
    %sub3A_64 = arith.constant 1.000000e+00 : f32
    %sub3A_65 = vector.broadcast %sub3A_64 : f32 to vector<16xf32>
    %sub3A_66 = arith.subf %masked_cumsum3A, %sub3A_65 : vector<16xf32>
    %gt3A = arith.cmpf ogt, %mul3A_63, %sub3A_66 : vector<16xf32>
    %all_reduce_population_count3A = tpu.all_reduce %gt3A {dim = 0 : i64, kind = #tpu.reduction_kind<sum>} : vector<16xi1> -> vector<16xi32>
    %convert_element_type3A_67 = arith.sitofp %all_reduce_population_count3A : vector<16xi32> to vector<16xf32>
    %jit3A = arith.constant 0.000000e+00 : f32
    %broadcast_in_dim3A_68 = vector.broadcast %jit3A : f32 to vector<16xf32>
    %select_n3A = arith.select %gt3A, %masked_sort3A_55, %broadcast_in_dim3A_68 : vector<16xi1>, vector<16xf32>
    %reduce_sum3A = arith.constant true
    %reduce_sum3A_69 = vector.broadcast %reduce_sum3A : i1 to vector<16xi1>
    %reduce_sum3A_70 = tpu.scan <sum>, %select_n3A masked %reduce_sum3A_69 : vector<16xf32>, vector<16xi1> -> vector<16xf32>
    %reduce_sum3A_71 = vector.extract %reduce_sum3A_70[15] : f32 from vector<16xf32>
    %broadcast_in_dim3A_72 = vector.broadcast %reduce_sum3A_71 : f32 to vector<16xf32>
    %sub3A_73 = arith.constant 2.000000e+00 : f32
    %sub3A_74 = vector.broadcast %sub3A_73 : f32 to vector<16xf32>
    %sub3A_75 = arith.subf %broadcast_in_dim3A_72, %sub3A_74 : vector<16xf32>
    %div3A_76 = arith.divf %sub3A_75, %convert_element_type3A_67 : vector<16xf32>
    %le3A = arith.constant 16 : i32
    %le3A_77 = vector.broadcast %le3A : i32 to vector<16xi32>
    %le3A_78 = arith.cmpi sle, %while3A#1, %le3A_77 : vector<16xi32>
    %select_n3A_79 = arith.select %le3A_78, %div3A_76, %sub3A_34 : vector<16xi1>, vector<16xf32>
    %parallel_loop3A_80 = arith.constant 0 : i32
    %parallel_loop3A_81 = arith.constant 8192 : i32
    %parallel_loop3A_82 = arith.constant 64 : i32
    scf.for %parallel_loop3A_386 = %parallel_loop3A_80 to %parallel_loop3A_81 step %parallel_loop3A_82  : i32 {
      %parallel_loop3A_387 = arith.constant 0 : i32
      %parallel_loop3A_388 = arith.addi %parallel_loop3A_386, %parallel_loop3A_387 : i32
      %parallel_loop3A_389 = arith.constant 0 : i32
      %parallel_loop3A_390 = arith.index_cast %parallel_loop3A_389 : i32 to index
      %parallel_loop3A_391 = arith.index_cast %parallel_loop3A_388 : i32 to index
      %parallel_loop3A_392 = tpu.vector_load %arg4[%parallel_loop3A_390, %parallel_loop3A_391] {strides = array<i32>} : memref<4x8192xf32, #tpu.memory_space<vmem>>, vector<16xf32>,
      %parallel_loop3A_393 = arith.subf %parallel_loop3A_392, %select_n3A_79 : vector<16xf32>
      %parallel_loop3A_394 = arith.constant 0.000000e+00 : f32
      %parallel_loop3A_395 = vector.broadcast %parallel_loop3A_394 : f32 to vector<16xf32>
      %parallel_loop3A_396 = arith.maximumf %parallel_loop3A_393, %parallel_loop3A_395 : vector<16xf32>
      %parallel_loop3A_397 = arith.constant 0 : i32
      %parallel_loop3A_398 = arith.addi %parallel_loop3A_386, %parallel_loop3A_397 : i32
      %parallel_loop3A_399 = arith.constant 0 : i32
      %parallel_loop3A_400 = arith.index_cast %parallel_loop3A_399 : i32 to index
      %parallel_loop3A_401 = arith.index_cast %parallel_loop3A_398 : i32 to index
      %parallel_loop3A_402 = tpu.vector_load %arg4[%parallel_loop3A_400, %parallel_loop3A_401] {strides = array<i32>} : memref<4x8192xf32, #tpu.memory_space<vmem>>, vector<16xf32>,
      tpu.vector_store %arg4[%parallel_loop3A_400, %parallel_loop3A_401], %parallel_loop3A_396 {strides = array<i32>} : memref<4x8192xf32, #tpu.memory_space<vmem>>, vector<16xf32>,
      %parallel_loop3A_403 = arith.constant 16 : i32
      %parallel_loop3A_404 = arith.addi %parallel_loop3A_386, %parallel_loop3A_403 : i32
      %parallel_loop3A_405 = arith.constant 0 : i32
      %parallel_loop3A_406 = arith.index_cast %parallel_loop3A_405 : i32 to index
      %parallel_loop3A_407 = arith.index_cast %parallel_loop3A_404 : i32 to index
      %parallel_loop3A_408 = tpu.vector_load %arg4[%parallel_loop3A_406, %parallel_loop3A_407] {strides = array<i32>} : memref<4x8192xf32, #tpu.memory_space<vmem>>, vector<16xf32>,
      %parallel_loop3A_409 = arith.subf %parallel_loop3A_408, %select_n3A_79 : vector<16xf32>
      %parallel_loop3A_410 = arith.constant 0.000000e+00 : f32
      %parallel_loop3A_411 = vector.broadcast %parallel_loop3A_410 : f32 to vector<16xf32>
      %parallel_loop3A_412 = arith.maximumf %parallel_loop3A_409, %parallel_loop3A_411 : vector<16xf32>
      %parallel_loop3A_413 = arith.constant 16 : i32
      %parallel_loop3A_414 = arith.addi %parallel_loop3A_386, %parallel_loop3A_413 : i32
      %parallel_loop3A_415 = arith.constant 0 : i32
      %parallel_loop3A_416 = arith.index_cast %parallel_loop3A_415 : i32 to index
      %parallel_loop3A_417 = arith.index_cast %parallel_loop3A_414 : i32 to index
      %parallel_loop3A_418 = tpu.vector_load %arg4[%parallel_loop3A_416, %parallel_loop3A_417] {strides = array<i32>} : memref<4x8192xf32, #tpu.memory_space<vmem>>, vector<16xf32>,
      tpu.vector_store %arg4[%parallel_loop3A_416, %parallel_loop3A_417], %parallel_loop3A_412 {strides = array<i32>} : memref<4x8192xf32, #tpu.memory_space<vmem>>, vector<16xf32>,
      %parallel_loop3A_419 = arith.constant 32 : i32
      %parallel_loop3A_420 = arith.addi %parallel_loop3A_386, %parallel_loop3A_419 : i32
      %parallel_loop3A_421 = arith.constant 0 : i32
      %parallel_loop3A_422 = arith.index_cast %parallel_loop3A_421 : i32 to index
      %parallel_loop3A_423 = arith.index_cast %parallel_loop3A_420 : i32 to index
      %parallel_loop3A_424 = tpu.vector_load %arg4[%parallel_loop3A_422, %parallel_loop3A_423] {strides = array<i32>} : memref<4x8192xf32, #tpu.memory_space<vmem>>, vector<16xf32>,
      %parallel_loop3A_425 = arith.subf %parallel_loop3A_424, %select_n3A_79 : vector<16xf32>
      %parallel_loop3A_426 = arith.constant 0.000000e+00 : f32
      %parallel_loop3A_427 = vector.broadcast %parallel_loop3A_426 : f32 to vector<16xf32>
      %parallel_loop3A_428 = arith.maximumf %parallel_loop3A_425, %parallel_loop3A_427 : vector<16xf32>
      %parallel_loop3A_429 = arith.constant 32 : i32
      %parallel_loop3A_430 = arith.addi %parallel_loop3A_386, %parallel_loop3A_429 : i32
      %parallel_loop3A_431 = arith.constant 0 : i32
      %parallel_loop3A_432 = arith.index_cast %parallel_loop3A_431 : i32 to index
      %parallel_loop3A_433 = arith.index_cast %parallel_loop3A_430 : i32 to index
      %parallel_loop3A_434 = tpu.vector_load %arg4[%parallel_loop3A_432, %parallel_loop3A_433] {strides = array<i32>} : memref<4x8192xf32, #tpu.memory_space<vmem>>, vector<16xf32>,
      tpu.vector_store %arg4[%parallel_loop3A_432, %parallel_loop3A_433], %parallel_loop3A_428 {strides = array<i32>} : memref<4x8192xf32, #tpu.memory_space<vmem>>, vector<16xf32>,
      %parallel_loop3A_435 = arith.constant 48 : i32
      %parallel_loop3A_436 = arith.addi %parallel_loop3A_386, %parallel_loop3A_435 : i32
      %parallel_loop3A_437 = arith.constant 0 : i32
      %parallel_loop3A_438 = arith.index_cast %parallel_loop3A_437 : i32 to index
      %parallel_loop3A_439 = arith.index_cast %parallel_loop3A_436 : i32 to index
      %parallel_loop3A_440 = tpu.vector_load %arg4[%parallel_loop3A_438, %parallel_loop3A_439] {strides = array<i32>} : memref<4x8192xf32, #tpu.memory_space<vmem>>, vector<16xf32>,
      %parallel_loop3A_441 = arith.subf %parallel_loop3A_440, %select_n3A_79 : vector<16xf32>
      %parallel_loop3A_442 = arith.constant 0.000000e+00 : f32
      %parallel_loop3A_443 = vector.broadcast %parallel_loop3A_442 : f32 to vector<16xf32>
      %parallel_loop3A_444 = arith.maximumf %parallel_loop3A_441, %parallel_loop3A_443 : vector<16xf32>
      %parallel_loop3A_445 = arith.constant 48 : i32
      %parallel_loop3A_446 = arith.addi %parallel_loop3A_386, %parallel_loop3A_445 : i32
      %parallel_loop3A_447 = arith.constant 0 : i32
      %parallel_loop3A_448 = arith.index_cast %parallel_loop3A_447 : i32 to index
      %parallel_loop3A_449 = arith.index_cast %parallel_loop3A_446 : i32 to index
      %parallel_loop3A_450 = tpu.vector_load %arg4[%parallel_loop3A_448, %parallel_loop3A_449] {strides = array<i32>} : memref<4x8192xf32, #tpu.memory_space<vmem>>, vector<16xf32>,
      tpu.vector_store %arg4[%parallel_loop3A_448, %parallel_loop3A_449], %parallel_loop3A_444 {strides = array<i32>} : memref<4x8192xf32, #tpu.memory_space<vmem>>, vector<16xf32>,
    } {sc.loop_unroll_factor = 2 : i64, sc.parallel_access}
    %broadcast_in_dim3A_83 = arith.constant 0xFF800000 : f32
    %broadcast_in_dim3A_84 = vector.broadcast %broadcast_in_dim3A_83 : f32 to vector<16xf32>
    %parallel_loop3A_85 = arith.constant 0 : i32
    %parallel_loop3A_86 = arith.constant 8192 : i32
    %parallel_loop3A_87 = arith.constant 64 : i32
    %parallel_loop3A_88:2 = scf.for %parallel_loop3A_386 = %parallel_loop3A_85 to %parallel_loop3A_86 step %parallel_loop3A_87 iter_args(%parallel_loop3A_387 = %broadcast_in_dim3A_84, %parallel_loop3A_388 = %broadcast_in_dim3A_84) -> (vector<16xf32>, vector<16xf32>)  : i32 {
      %parallel_loop3A_389 = arith.constant 0 : i32
      %parallel_loop3A_390 = arith.addi %parallel_loop3A_386, %parallel_loop3A_389 : i32
      %parallel_loop3A_391 = arith.constant 1 : i32
      %parallel_loop3A_392 = arith.index_cast %parallel_loop3A_391 : i32 to index
      %parallel_loop3A_393 = arith.index_cast %parallel_loop3A_390 : i32 to index
      %parallel_loop3A_394 = tpu.vector_load %arg4[%parallel_loop3A_392, %parallel_loop3A_393] {strides = array<i32>} : memref<4x8192xf32, #tpu.memory_space<vmem>>, vector<16xf32>,
      %parallel_loop3A_395 = arith.constant 16 : i32
      %parallel_loop3A_396 = arith.addi %parallel_loop3A_386, %parallel_loop3A_395 : i32
      %parallel_loop3A_397 = arith.constant 1 : i32
      %parallel_loop3A_398 = arith.index_cast %parallel_loop3A_397 : i32 to index
      %parallel_loop3A_399 = arith.index_cast %parallel_loop3A_396 : i32 to index
      %parallel_loop3A_400 = tpu.vector_load %arg4[%parallel_loop3A_398, %parallel_loop3A_399] {strides = array<i32>} : memref<4x8192xf32, #tpu.memory_space<vmem>>, vector<16xf32>,
      %parallel_loop3A_401 = arith.constant 32 : i32
      %parallel_loop3A_402 = arith.addi %parallel_loop3A_386, %parallel_loop3A_401 : i32
      %parallel_loop3A_403 = arith.constant 1 : i32
      %parallel_loop3A_404 = arith.index_cast %parallel_loop3A_403 : i32 to index
      %parallel_loop3A_405 = arith.index_cast %parallel_loop3A_402 : i32 to index
      %parallel_loop3A_406 = tpu.vector_load %arg4[%parallel_loop3A_404, %parallel_loop3A_405] {strides = array<i32>} : memref<4x8192xf32, #tpu.memory_space<vmem>>, vector<16xf32>,
      %parallel_loop3A_407 = arith.constant 48 : i32
      %parallel_loop3A_408 = arith.addi %parallel_loop3A_386, %parallel_loop3A_407 : i32
      %parallel_loop3A_409 = arith.constant 1 : i32
      %parallel_loop3A_410 = arith.index_cast %parallel_loop3A_409 : i32 to index
      %parallel_loop3A_411 = arith.index_cast %parallel_loop3A_408 : i32 to index
      %parallel_loop3A_412 = tpu.vector_load %arg4[%parallel_loop3A_410, %parallel_loop3A_411] {strides = array<i32>} : memref<4x8192xf32, #tpu.memory_space<vmem>>, vector<16xf32>,
      %parallel_loop3A_413 = arith.maximumf %parallel_loop3A_394, %parallel_loop3A_400 : vector<16xf32>
      %parallel_loop3A_414 = arith.maximumf %parallel_loop3A_387, %parallel_loop3A_413 : vector<16xf32>
      %parallel_loop3A_415 = arith.maximumf %parallel_loop3A_406, %parallel_loop3A_412 : vector<16xf32>
      %parallel_loop3A_416 = arith.maximumf %parallel_loop3A_388, %parallel_loop3A_415 : vector<16xf32>
      scf.yield %parallel_loop3A_414, %parallel_loop3A_416 : vector<16xf32>, vector<16xf32>
    } {sc.loop_unroll_factor = 2 : i64, sc.parallel_access}
    %max3A_89 = arith.maximumf %parallel_loop3A_88#0, %parallel_loop3A_88#1 : vector<16xf32>
    %reduce_max3A_90 = arith.constant true
    %reduce_max3A_91 = vector.broadcast %reduce_max3A_90 : i1 to vector<16xi1>
    %reduce_max3A_92 = tpu.scan <max>, %max3A_89 masked %reduce_max3A_91 : vector<16xf32>, vector<16xi1> -> vector<16xf32>
    %reduce_max3A_93 = vector.extract %reduce_max3A_92[15] : f32 from vector<16xf32>
    %broadcast_in_dim3A_94 = vector.broadcast %reduce_max3A_93 : f32 to vector<16xf32>
    %sub3A_95 = arith.constant 1.000000e+00 : f32
    %sub3A_96 = vector.broadcast %sub3A_95 : f32 to vector<16xf32>
    %sub3A_97 = arith.subf %broadcast_in_dim3A_94, %sub3A_96 : vector<16xf32>
    %iota3A_98 = tpu.iota {dimensions = array<i32: 0>} : vector<16xi32>
    %broadcast_in_dim3A_99 = arith.constant 0 : i32
    %broadcast_in_dim3A_100 = vector.broadcast %broadcast_in_dim3A_99 : i32 to vector<16xi32>
    %scan3A_101 = arith.constant 0 : i32
    %scan3A_102 = arith.constant 128 : i32
    %scan3A_103 = arith.addi %scan3A_101, %scan3A_102 : i32
    %scan3A_104 = arith.constant 1 : i32
    %scan3A_105 = scf.for %scan3A_386 = %scan3A_101 to %scan3A_103 step %scan3A_104 iter_args(%scan3A_387 = %broadcast_in_dim3A_100) -> (vector<16xi32>)  : i32 {
      %mul3A_388 = arith.constant 64 : i32
      %mul3A_389 = arith.muli %scan3A_386, %mul3A_388 : i32
      %add3A_390 = arith.constant 0 : i32
      %add3A_391 = arith.addi %mul3A_389, %add3A_390 : i32
      %get3A_392 = arith.constant 1 : i32
      %get3A_393 = arith.index_cast %get3A_392 : i32 to index
      %get3A_394 = arith.index_cast %add3A_391 : i32 to index
      %get3A_395 = tpu.vector_load %arg4[%get3A_393, %get3A_394] {strides = array<i32>} : memref<4x8192xf32, #tpu.memory_space<vmem>>, vector<16xf32>,
      %gt3A_396 = arith.cmpf ogt, %get3A_395, %sub3A_97 : vector<16xf32>
      %all_reduce_population_count3A_397 = tpu.all_reduce %gt3A_396 {dim = 0 : i64, kind = #tpu.reduction_kind<sum>} : vector<16xi1> -> vector<16xi32>
      %add3A_398 = arith.addi %scan3A_387, %iota3A_98 : vector<16xi32>
      %jit3A_399 = arith.constant 0xFF800000 : f32
      %broadcast_in_dim3A_400 = vector.broadcast %jit3A_399 : f32 to vector<16xf32>
      %select_n3A_401 = arith.select %gt3A_396, %get3A_395, %broadcast_in_dim3A_400 : vector<16xi1>, vector<16xf32>
      tpu.vector_store_idx %arg5[%add3A_398], %select_n3A_401 : memref<8192xf32, #tpu.memory_space<vmem>>[vector<16xi32>], vector<16xf32>,
      %gt3A_402 = arith.constant 0 : i32
      %gt3A_403 = vector.broadcast %gt3A_402 : i32 to vector<16xi32>
      %gt3A_404 = arith.cmpi sgt, %all_reduce_population_count3A_397, %gt3A_403 : vector<16xi32>
      %jit3A_405 = arith.constant 16 : i32
      %jit3A_406 = arith.constant 0 : i32
      %broadcast_in_dim3A_407 = vector.broadcast %jit3A_405 : i32 to vector<16xi32>
      %broadcast_in_dim3A_408 = vector.broadcast %jit3A_406 : i32 to vector<16xi32>
      %select_n3A_409 = arith.select %gt3A_404, %broadcast_in_dim3A_407, %broadcast_in_dim3A_408 : vector<16xi1>, vector<16xi32>
      %add3A_410 = arith.addi %scan3A_387, %select_n3A_409 : vector<16xi32>
      %add3A_411 = arith.constant 16 : i32
      %add3A_412 = arith.addi %mul3A_389, %add3A_411 : i32
      %get3A_413 = arith.constant 1 : i32
      %get3A_414 = arith.index_cast %get3A_413 : i32 to index
      %get3A_415 = arith.index_cast %add3A_412 : i32 to index
      %get3A_416 = tpu.vector_load %arg4[%get3A_414, %get3A_415] {strides = array<i32>} : memref<4x8192xf32, #tpu.memory_space<vmem>>, vector<16xf32>,
      %gt3A_417 = arith.cmpf ogt, %get3A_416, %sub3A_97 : vector<16xf32>
      %all_reduce_population_count3A_418 = tpu.all_reduce %gt3A_417 {dim = 0 : i64, kind = #tpu.reduction_kind<sum>} : vector<16xi1> -> vector<16xi32>
      %add3A_419 = arith.addi %add3A_410, %iota3A_98 : vector<16xi32>
      %jit3A_420 = arith.constant 0xFF800000 : f32
      %broadcast_in_dim3A_421 = vector.broadcast %jit3A_420 : f32 to vector<16xf32>
      %select_n3A_422 = arith.select %gt3A_417, %get3A_416, %broadcast_in_dim3A_421 : vector<16xi1>, vector<16xf32>
      tpu.vector_store_idx %arg5[%add3A_419], %select_n3A_422 : memref<8192xf32, #tpu.memory_space<vmem>>[vector<16xi32>], vector<16xf32>,
      %gt3A_423 = arith.constant 0 : i32
      %gt3A_424 = vector.broadcast %gt3A_423 : i32 to vector<16xi32>
      %gt3A_425 = arith.cmpi sgt, %all_reduce_population_count3A_418, %gt3A_424 : vector<16xi32>
      %jit3A_426 = arith.constant 16 : i32
      %jit3A_427 = arith.constant 0 : i32
      %broadcast_in_dim3A_428 = vector.broadcast %jit3A_426 : i32 to vector<16xi32>
      %broadcast_in_dim3A_429 = vector.broadcast %jit3A_427 : i32 to vector<16xi32>
      %select_n3A_430 = arith.select %gt3A_425, %broadcast_in_dim3A_428, %broadcast_in_dim3A_429 : vector<16xi1>, vector<16xi32>
      %add3A_431 = arith.addi %add3A_410, %select_n3A_430 : vector<16xi32>
      %add3A_432 = arith.constant 32 : i32
      %add3A_433 = arith.addi %mul3A_389, %add3A_432 : i32
      %get3A_434 = arith.constant 1 : i32
      %get3A_435 = arith.index_cast %get3A_434 : i32 to index
      %get3A_436 = arith.index_cast %add3A_433 : i32 to index
      %get3A_437 = tpu.vector_load %arg4[%get3A_435, %get3A_436] {strides = array<i32>} : memref<4x8192xf32, #tpu.memory_space<vmem>>, vector<16xf32>,
      %gt3A_438 = arith.cmpf ogt, %get3A_437, %sub3A_97 : vector<16xf32>
      %all_reduce_population_count3A_439 = tpu.all_reduce %gt3A_438 {dim = 0 : i64, kind = #tpu.reduction_kind<sum>} : vector<16xi1> -> vector<16xi32>
      %add3A_440 = arith.addi %add3A_431, %iota3A_98 : vector<16xi32>
      %jit3A_441 = arith.constant 0xFF800000 : f32
      %broadcast_in_dim3A_442 = vector.broadcast %jit3A_441 : f32 to vector<16xf32>
      %select_n3A_443 = arith.select %gt3A_438, %get3A_437, %broadcast_in_dim3A_442 : vector<16xi1>, vector<16xf32>
      tpu.vector_store_idx %arg5[%add3A_440], %select_n3A_443 : memref<8192xf32, #tpu.memory_space<vmem>>[vector<16xi32>], vector<16xf32>,
      %gt3A_444 = arith.constant 0 : i32
      %gt3A_445 = vector.broadcast %gt3A_444 : i32 to vector<16xi32>
      %gt3A_446 = arith.cmpi sgt, %all_reduce_population_count3A_439, %gt3A_445 : vector<16xi32>
      %jit3A_447 = arith.constant 16 : i32
      %jit3A_448 = arith.constant 0 : i32
      %broadcast_in_dim3A_449 = vector.broadcast %jit3A_447 : i32 to vector<16xi32>
      %broadcast_in_dim3A_450 = vector.broadcast %jit3A_448 : i32 to vector<16xi32>
      %select_n3A_451 = arith.select %gt3A_446, %broadcast_in_dim3A_449, %broadcast_in_dim3A_450 : vector<16xi1>, vector<16xi32>
      %add3A_452 = arith.addi %add3A_431, %select_n3A_451 : vector<16xi32>
      %add3A_453 = arith.constant 48 : i32
      %add3A_454 = arith.addi %mul3A_389, %add3A_453 : i32
      %get3A_455 = arith.constant 1 : i32
      %get3A_456 = arith.index_cast %get3A_455 : i32 to index
      %get3A_457 = arith.index_cast %add3A_454 : i32 to index
      %get3A_458 = tpu.vector_load %arg4[%get3A_456, %get3A_457] {strides = array<i32>} : memref<4x8192xf32, #tpu.memory_space<vmem>>, vector<16xf32>,
      %gt3A_459 = arith.cmpf ogt, %get3A_458, %sub3A_97 : vector<16xf32>
      %all_reduce_population_count3A_460 = tpu.all_reduce %gt3A_459 {dim = 0 : i64, kind = #tpu.reduction_kind<sum>} : vector<16xi1> -> vector<16xi32>
      %add3A_461 = arith.addi %add3A_452, %iota3A_98 : vector<16xi32>
      %jit3A_462 = arith.constant 0xFF800000 : f32
      %broadcast_in_dim3A_463 = vector.broadcast %jit3A_462 : f32 to vector<16xf32>
      %select_n3A_464 = arith.select %gt3A_459, %get3A_458, %broadcast_in_dim3A_463 : vector<16xi1>, vector<16xf32>
      tpu.vector_store_idx %arg5[%add3A_461], %select_n3A_464 : memref<8192xf32, #tpu.memory_space<vmem>>[vector<16xi32>], vector<16xf32>,
      %gt3A_465 = arith.constant 0 : i32
      %gt3A_466 = vector.broadcast %gt3A_465 : i32 to vector<16xi32>
      %gt3A_467 = arith.cmpi sgt, %all_reduce_population_count3A_460, %gt3A_466 : vector<16xi32>
      %jit3A_468 = arith.constant 16 : i32
      %jit3A_469 = arith.constant 0 : i32
      %broadcast_in_dim3A_470 = vector.broadcast %jit3A_468 : i32 to vector<16xi32>
      %broadcast_in_dim3A_471 = vector.broadcast %jit3A_469 : i32 to vector<16xi32>
      %select_n3A_472 = arith.select %gt3A_467, %broadcast_in_dim3A_470, %broadcast_in_dim3A_471 : vector<16xi1>, vector<16xi32>
      %add3A_473 = arith.addi %add3A_452, %select_n3A_472 : vector<16xi32>
      scf.yield %add3A_473 : vector<16xi32>
    }
    %scan3A_106 = arith.constant 128 : i32
    %reduce_max3A_107 = arith.constant true
    %reduce_max3A_108 = vector.broadcast %reduce_max3A_107 : i1 to vector<16xi1>
    %reduce_max3A_109 = arith.constant -2147483648 : i32
    %reduce_max3A_110 = vector.broadcast %reduce_max3A_109 : i32 to vector<16xi32>
    %reduce_max3A_111 = arith.xori %scan3A_105, %reduce_max3A_110 : vector<16xi32>
    %reduce_max3A_112 = tpu.scan <max>, %reduce_max3A_111 masked %reduce_max3A_108 : vector<16xi32>, vector<16xi1> -> vector<16xi32>
    %reduce_max3A_113 = arith.xori %reduce_max3A_112, %reduce_max3A_110 : vector<16xi32>
    %reduce_max3A_114 = vector.extract %reduce_max3A_113[15] : i32 from vector<16xi32>
    %broadcast_in_dim3A_115 = arith.constant 8192 : i32
    %broadcast_in_dim3A_116 = vector.broadcast %broadcast_in_dim3A_115 : i32 to vector<16xi32>
    %broadcast_in_dim3A_117 = arith.constant -1 : i32
    %broadcast_in_dim3A_118 = vector.broadcast %broadcast_in_dim3A_117 : i32 to vector<16xi32>
    %while3A_119:4 = scf.while (%while3A_386 = %sub3A_97, %while3A_387 = %broadcast_in_dim3A_116, %while3A_388 = %broadcast_in_dim3A_118, %while3A_389 = %reduce_max3A_114) : (vector<16xf32>, vector<16xi32>, vector<16xi32>, i32) -> (vector<16xf32>, vector<16xi32>, vector<16xi32>, i32) {
      %ne3A = arith.cmpi ne, %while3A_387, %while3A_388 : vector<16xi32>
      %reduce_or3A = arith.constant 1.000000e+00 : f32
      %reduce_or3A_390 = arith.constant 0.000000e+00 : f32
      %reduce_or3A_391 = vector.broadcast %reduce_or3A : f32 to vector<16xf32>
      %reduce_or3A_392 = vector.broadcast %reduce_or3A_390 : f32 to vector<16xf32>
      %reduce_or3A_393 = arith.select %ne3A, %reduce_or3A_391, %reduce_or3A_392 : vector<16xi1>, vector<16xf32>
      %reduce_or3A_394 = arith.constant true
      %reduce_or3A_395 = vector.broadcast %reduce_or3A_394 : i1 to vector<16xi1>
      %reduce_or3A_396 = tpu.scan <max>, %reduce_or3A_393 masked %reduce_or3A_395 : vector<16xf32>, vector<16xi1> -> vector<16xf32>
      %reduce_or3A_397 = vector.extract %reduce_or3A_396[15] : f32 from vector<16xf32>
      %reduce_or3A_398 = arith.constant 0.000000e+00 : f32
      %reduce_or3A_399 = arith.cmpf ogt, %reduce_or3A_397, %reduce_or3A_398 : f32
      %gt3A_400 = arith.constant 16 : i32
      %gt3A_401 = vector.broadcast %gt3A_400 : i32 to vector<16xi32>
      %gt3A_402 = arith.cmpi sgt, %while3A_387, %gt3A_401 : vector<16xi32>
      %reduce_or3A_403 = arith.constant 1.000000e+00 : f32
      %reduce_or3A_404 = arith.constant 0.000000e+00 : f32
      %reduce_or3A_405 = vector.broadcast %reduce_or3A_403 : f32 to vector<16xf32>
      %reduce_or3A_406 = vector.broadcast %reduce_or3A_404 : f32 to vector<16xf32>
      %reduce_or3A_407 = arith.select %gt3A_402, %reduce_or3A_405, %reduce_or3A_406 : vector<16xi1>, vector<16xf32>
      %reduce_or3A_408 = arith.constant true
      %reduce_or3A_409 = vector.broadcast %reduce_or3A_408 : i1 to vector<16xi1>
      %reduce_or3A_410 = tpu.scan <max>, %reduce_or3A_407 masked %reduce_or3A_409 : vector<16xf32>, vector<16xi1> -> vector<16xf32>
      %reduce_or3A_411 = vector.extract %reduce_or3A_410[15] : f32 from vector<16xf32>
      %reduce_or3A_412 = arith.constant 0.000000e+00 : f32
      %reduce_or3A_413 = arith.cmpf ogt, %reduce_or3A_411, %reduce_or3A_412 : f32
      %and3A = arith.andi %reduce_or3A_399, %reduce_or3A_413 : i1
      scf.condition(%and3A) %while3A_386, %while3A_387, %while3A_388, %while3A_389 : vector<16xf32>, vector<16xi32>, vector<16xi32>, i32
    } do {
    ^bb0(%while3A_386: vector<16xf32>, %while3A_387: vector<16xi32>, %while3A_388: vector<16xi32>, %while3A_389: i32):
      %shift_right_logical3A_390 = arith.constant 4 : i32
      %shift_right_logical3A_391 = arith.shrui %while3A_389, %shift_right_logical3A_390 : i32
      %iota3A_392 = tpu.iota {dimensions = array<i32: 0>} : vector<16xi32>
      %broadcast_in_dim3A_393 = arith.constant 0 : i32
      %broadcast_in_dim3A_394 = vector.broadcast %broadcast_in_dim3A_393 : i32 to vector<16xi32>
      %broadcast_in_dim3A_395 = arith.constant 0.000000e+00 : f32
      %broadcast_in_dim3A_396 = vector.broadcast %broadcast_in_dim3A_395 : f32 to vector<16xf32>
      %broadcast_in_dim3A_397 = arith.constant 0 : i32
      %broadcast_in_dim3A_398 = vector.broadcast %broadcast_in_dim3A_397 : i32 to vector<16xi32>
      %while3A_399 = arith.constant 0 : i32
      %while3A_400 = arith.subi %shift_right_logical3A_391, %while3A_399 : i32
      %while3A_401 = arith.addi %while3A_399, %while3A_400 : i32
      %while3A_402 = arith.constant 1 : i32
      %while3A_403 = arith.divsi %while3A_400, %while3A_402 : i32
      %while3A_404 = arith.muli %while3A_403, %while3A_402 : i32
      %while3A_405 = arith.addi %while3A_399, %while3A_404 : i32
      %while3A_406 = arith.constant 1 : i32
      %while3A_407:3 = scf.for %while3A_466 = %while3A_399 to %while3A_405 step %while3A_406 iter_args(%while3A_467 = %broadcast_in_dim3A_394, %while3A_468 = %broadcast_in_dim3A_396, %while3A_469 = %broadcast_in_dim3A_398) -> (vector<16xi32>, vector<16xf32>, vector<16xi32>)  : i32 {
        %mul3A_470 = arith.constant 16 : i32
        %mul3A_471 = arith.muli %while3A_466, %mul3A_470 : i32
        %get3A_472 = arith.index_cast %mul3A_471 : i32 to index
        %get3A_473 = tpu.vector_load %arg5[%get3A_472] {strides = array<i32>} : memref<8192xf32, #tpu.memory_space<vmem>>, vector<16xf32>,
        %gt3A_474 = arith.cmpf ogt, %get3A_473, %while3A_386 : vector<16xf32>
        %jit3A_475 = arith.constant 0.000000e+00 : f32
        %broadcast_in_dim3A_476 = vector.broadcast %jit3A_475 : f32 to vector<16xf32>
        %select_n3A_477 = arith.select %gt3A_474, %get3A_473, %broadcast_in_dim3A_476 : vector<16xi1>, vector<16xf32>
        %add3A_478 = arith.addf %while3A_468, %select_n3A_477 : vector<16xf32>
        %all_reduce_population_count3A_479 = tpu.all_reduce %gt3A_474 {dim = 0 : i64, kind = #tpu.reduction_kind<sum>} : vector<16xi1> -> vector<16xi32>
        %add3A_480 = arith.addi %while3A_469, %all_reduce_population_count3A_479 : vector<16xi32>
        %add3A_481 = arith.addi %while3A_467, %iota3A_392 : vector<16xi32>
        %jit3A_482 = arith.constant 0xFF800000 : f32
        %broadcast_in_dim3A_483 = vector.broadcast %jit3A_482 : f32 to vector<16xf32>
        %select_n3A_484 = arith.select %gt3A_474, %get3A_473, %broadcast_in_dim3A_483 : vector<16xi1>, vector<16xf32>
        tpu.vector_store_idx %arg6[%add3A_481], %select_n3A_484 : memref<8192xf32, #tpu.memory_space<vmem>>[vector<16xi32>], vector<16xf32>,
        %gt3A_485 = arith.constant 0 : i32
        %gt3A_486 = vector.broadcast %gt3A_485 : i32 to vector<16xi32>
        %gt3A_487 = arith.cmpi sgt, %all_reduce_population_count3A_479, %gt3A_486 : vector<16xi32>
        %jit3A_488 = arith.constant 16 : i32
        %jit3A_489 = arith.constant 0 : i32
        %broadcast_in_dim3A_490 = vector.broadcast %jit3A_488 : i32 to vector<16xi32>
        %broadcast_in_dim3A_491 = vector.broadcast %jit3A_489 : i32 to vector<16xi32>
        %select_n3A_492 = arith.select %gt3A_487, %broadcast_in_dim3A_490, %broadcast_in_dim3A_491 : vector<16xi1>, vector<16xi32>
        %add3A_493 = arith.addi %while3A_467, %select_n3A_492 : vector<16xi32>
        scf.yield %add3A_493, %add3A_478, %add3A_480 : vector<16xi32>, vector<16xf32>, vector<16xi32>
      }
      %while3A_408 = arith.constant 1 : i32
      %while3A_409:3 = scf.for %while3A_466 = %while3A_405 to %while3A_401 step %while3A_408 iter_args(%while3A_467 = %while3A_407#0, %while3A_468 = %while3A_407#1, %while3A_469 = %while3A_407#2) -> (vector<16xi32>, vector<16xf32>, vector<16xi32>)  : i32 {
        %mul3A_470 = arith.constant 16 : i32
        %mul3A_471 = arith.muli %while3A_466, %mul3A_470 : i32
        %get3A_472 = arith.index_cast %mul3A_471 : i32 to index
        %get3A_473 = tpu.vector_load %arg5[%get3A_472] {strides = array<i32>} : memref<8192xf32, #tpu.memory_space<vmem>>, vector<16xf32>,
        %gt3A_474 = arith.cmpf ogt, %get3A_473, %while3A_386 : vector<16xf32>
        %jit3A_475 = arith.constant 0.000000e+00 : f32
        %broadcast_in_dim3A_476 = vector.broadcast %jit3A_475 : f32 to vector<16xf32>
        %select_n3A_477 = arith.select %gt3A_474, %get3A_473, %broadcast_in_dim3A_476 : vector<16xi1>, vector<16xf32>
        %add3A_478 = arith.addf %while3A_468, %select_n3A_477 : vector<16xf32>
        %all_reduce_population_count3A_479 = tpu.all_reduce %gt3A_474 {dim = 0 : i64, kind = #tpu.reduction_kind<sum>} : vector<16xi1> -> vector<16xi32>
        %add3A_480 = arith.addi %while3A_469, %all_reduce_population_count3A_479 : vector<16xi32>
        %add3A_481 = arith.addi %while3A_467, %iota3A_392 : vector<16xi32>
        %jit3A_482 = arith.constant 0xFF800000 : f32
        %broadcast_in_dim3A_483 = vector.broadcast %jit3A_482 : f32 to vector<16xf32>
        %select_n3A_484 = arith.select %gt3A_474, %get3A_473, %broadcast_in_dim3A_483 : vector<16xi1>, vector<16xf32>
        tpu.vector_store_idx %arg6[%add3A_481], %select_n3A_484 : memref<8192xf32, #tpu.memory_space<vmem>>[vector<16xi32>], vector<16xf32>,
        %gt3A_485 = arith.constant 0 : i32
        %gt3A_486 = vector.broadcast %gt3A_485 : i32 to vector<16xi32>
        %gt3A_487 = arith.cmpi sgt, %all_reduce_population_count3A_479, %gt3A_486 : vector<16xi32>
        %jit3A_488 = arith.constant 16 : i32
        %jit3A_489 = arith.constant 0 : i32
        %broadcast_in_dim3A_490 = vector.broadcast %jit3A_488 : i32 to vector<16xi32>
        %broadcast_in_dim3A_491 = vector.broadcast %jit3A_489 : i32 to vector<16xi32>
        %select_n3A_492 = arith.select %gt3A_487, %broadcast_in_dim3A_490, %broadcast_in_dim3A_491 : vector<16xi1>, vector<16xi32>
        %add3A_493 = arith.addi %while3A_467, %select_n3A_492 : vector<16xi32>
        scf.yield %add3A_493, %add3A_478, %add3A_480 : vector<16xi32>, vector<16xf32>, vector<16xi32>
      }
      %reduce_max3A_410 = arith.constant true
      %reduce_max3A_411 = vector.broadcast %reduce_max3A_410 : i1 to vector<16xi1>
      %reduce_max3A_412 = arith.constant -2147483648 : i32
      %reduce_max3A_413 = vector.broadcast %reduce_max3A_412 : i32 to vector<16xi32>
      %reduce_max3A_414 = arith.xori %while3A_409#0, %reduce_max3A_413 : vector<16xi32>
      %reduce_max3A_415 = tpu.scan <max>, %reduce_max3A_414 masked %reduce_max3A_411 : vector<16xi32>, vector<16xi1> -> vector<16xi32>
      %reduce_max3A_416 = arith.xori %reduce_max3A_415, %reduce_max3A_413 : vector<16xi32>
      %reduce_max3A_417 = vector.extract %reduce_max3A_416[15] : i32 from vector<16xi32>
      %reduce_sum3A_418 = arith.constant true
      %reduce_sum3A_419 = vector.broadcast %reduce_sum3A_418 : i1 to vector<16xi1>
      %reduce_sum3A_420 = tpu.scan <sum>, %while3A_409#1 masked %reduce_sum3A_419 : vector<16xf32>, vector<16xi1> -> vector<16xf32>
      %reduce_sum3A_421 = vector.extract %reduce_sum3A_420[15] : f32 from vector<16xf32>
      %broadcast_in_dim3A_422 = vector.broadcast %reduce_sum3A_421 : f32 to vector<16xf32>
      %sub3A_423 = arith.constant 1.000000e+00 : f32
      %sub3A_424 = vector.broadcast %sub3A_423 : f32 to vector<16xf32>
      %sub3A_425 = arith.subf %broadcast_in_dim3A_422, %sub3A_424 : vector<16xf32>
      %convert_element_type3A_426 = arith.sitofp %while3A_409#2 : vector<16xi32> to vector<16xf32>
      %div3A_427 = arith.divf %sub3A_425, %convert_element_type3A_426 : vector<16xf32>
      %shift_right_logical3A_428 = arith.constant 4 : i32
      %shift_right_logical3A_429 = arith.shrui %reduce_max3A_417, %shift_right_logical3A_428 : i32
      %iota3A_430 = tpu.iota {dimensions = array<i32: 0>} : vector<16xi32>
      %broadcast_in_dim3A_431 = arith.constant 0 : i32
      %broadcast_in_dim3A_432 = vector.broadcast %broadcast_in_dim3A_431 : i32 to vector<16xi32>
      %broadcast_in_dim3A_433 = arith.constant 0.000000e+00 : f32
      %broadcast_in_dim3A_434 = vector.broadcast %broadcast_in_dim3A_433 : f32 to vector<16xf32>
      %broadcast_in_dim3A_435 = arith.constant 0 : i32
      %broadcast_in_dim3A_436 = vector.broadcast %broadcast_in_dim3A_435 : i32 to vector<16xi32>
      %while3A_437 = arith.constant 0 : i32
      %while3A_438 = arith.subi %shift_right_logical3A_429, %while3A_437 : i32
      %while3A_439 = arith.addi %while3A_437, %while3A_438 : i32
      %while3A_440 = arith.constant 1 : i32
      %while3A_441 = arith.divsi %while3A_438, %while3A_440 : i32
      %while3A_442 = arith.muli %while3A_441, %while3A_440 : i32
      %while3A_443 = arith.addi %while3A_437, %while3A_442 : i32
      %while3A_444 = arith.constant 1 : i32
      %while3A_445:3 = scf.for %while3A_466 = %while3A_437 to %while3A_443 step %while3A_444 iter_args(%while3A_467 = %broadcast_in_dim3A_432, %while3A_468 = %broadcast_in_dim3A_434, %while3A_469 = %broadcast_in_dim3A_436) -> (vector<16xi32>, vector<16xf32>, vector<16xi32>)  : i32 {
        %mul3A_470 = arith.constant 16 : i32
        %mul3A_471 = arith.muli %while3A_466, %mul3A_470 : i32
        %get3A_472 = arith.index_cast %mul3A_471 : i32 to index
        %get3A_473 = tpu.vector_load %arg6[%get3A_472] {strides = array<i32>} : memref<8192xf32, #tpu.memory_space<vmem>>, vector<16xf32>,
        %gt3A_474 = arith.cmpf ogt, %get3A_473, %div3A_427 : vector<16xf32>
        %jit3A_475 = arith.constant 0.000000e+00 : f32
        %broadcast_in_dim3A_476 = vector.broadcast %jit3A_475 : f32 to vector<16xf32>
        %select_n3A_477 = arith.select %gt3A_474, %get3A_473, %broadcast_in_dim3A_476 : vector<16xi1>, vector<16xf32>
        %add3A_478 = arith.addf %while3A_468, %select_n3A_477 : vector<16xf32>
        %all_reduce_population_count3A_479 = tpu.all_reduce %gt3A_474 {dim = 0 : i64, kind = #tpu.reduction_kind<sum>} : vector<16xi1> -> vector<16xi32>
        %add3A_480 = arith.addi %while3A_469, %all_reduce_population_count3A_479 : vector<16xi32>
        %add3A_481 = arith.addi %while3A_467, %iota3A_430 : vector<16xi32>
        %jit3A_482 = arith.constant 0xFF800000 : f32
        %broadcast_in_dim3A_483 = vector.broadcast %jit3A_482 : f32 to vector<16xf32>
        %select_n3A_484 = arith.select %gt3A_474, %get3A_473, %broadcast_in_dim3A_483 : vector<16xi1>, vector<16xf32>
        tpu.vector_store_idx %arg5[%add3A_481], %select_n3A_484 : memref<8192xf32, #tpu.memory_space<vmem>>[vector<16xi32>], vector<16xf32>,
        %gt3A_485 = arith.constant 0 : i32
        %gt3A_486 = vector.broadcast %gt3A_485 : i32 to vector<16xi32>
        %gt3A_487 = arith.cmpi sgt, %all_reduce_population_count3A_479, %gt3A_486 : vector<16xi32>
        %jit3A_488 = arith.constant 16 : i32
        %jit3A_489 = arith.constant 0 : i32
        %broadcast_in_dim3A_490 = vector.broadcast %jit3A_488 : i32 to vector<16xi32>
        %broadcast_in_dim3A_491 = vector.broadcast %jit3A_489 : i32 to vector<16xi32>
        %select_n3A_492 = arith.select %gt3A_487, %broadcast_in_dim3A_490, %broadcast_in_dim3A_491 : vector<16xi1>, vector<16xi32>
        %add3A_493 = arith.addi %while3A_467, %select_n3A_492 : vector<16xi32>
        scf.yield %add3A_493, %add3A_478, %add3A_480 : vector<16xi32>, vector<16xf32>, vector<16xi32>
      }
      %while3A_446 = arith.constant 1 : i32
      %while3A_447:3 = scf.for %while3A_466 = %while3A_443 to %while3A_439 step %while3A_446 iter_args(%while3A_467 = %while3A_445#0, %while3A_468 = %while3A_445#1, %while3A_469 = %while3A_445#2) -> (vector<16xi32>, vector<16xf32>, vector<16xi32>)  : i32 {
        %mul3A_470 = arith.constant 16 : i32
        %mul3A_471 = arith.muli %while3A_466, %mul3A_470 : i32
        %get3A_472 = arith.index_cast %mul3A_471 : i32 to index
        %get3A_473 = tpu.vector_load %arg6[%get3A_472] {strides = array<i32>} : memref<8192xf32, #tpu.memory_space<vmem>>, vector<16xf32>,
        %gt3A_474 = arith.cmpf ogt, %get3A_473, %div3A_427 : vector<16xf32>
        %jit3A_475 = arith.constant 0.000000e+00 : f32
        %broadcast_in_dim3A_476 = vector.broadcast %jit3A_475 : f32 to vector<16xf32>
        %select_n3A_477 = arith.select %gt3A_474, %get3A_473, %broadcast_in_dim3A_476 : vector<16xi1>, vector<16xf32>
        %add3A_478 = arith.addf %while3A_468, %select_n3A_477 : vector<16xf32>
        %all_reduce_population_count3A_479 = tpu.all_reduce %gt3A_474 {dim = 0 : i64, kind = #tpu.reduction_kind<sum>} : vector<16xi1> -> vector<16xi32>
        %add3A_480 = arith.addi %while3A_469, %all_reduce_population_count3A_479 : vector<16xi32>
        %add3A_481 = arith.addi %while3A_467, %iota3A_430 : vector<16xi32>
        %jit3A_482 = arith.constant 0xFF800000 : f32
        %broadcast_in_dim3A_483 = vector.broadcast %jit3A_482 : f32 to vector<16xf32>
        %select_n3A_484 = arith.select %gt3A_474, %get3A_473, %broadcast_in_dim3A_483 : vector<16xi1>, vector<16xf32>
        tpu.vector_store_idx %arg5[%add3A_481], %select_n3A_484 : memref<8192xf32, #tpu.memory_space<vmem>>[vector<16xi32>], vector<16xf32>,
        %gt3A_485 = arith.constant 0 : i32
        %gt3A_486 = vector.broadcast %gt3A_485 : i32 to vector<16xi32>
        %gt3A_487 = arith.cmpi sgt, %all_reduce_population_count3A_479, %gt3A_486 : vector<16xi32>
        %jit3A_488 = arith.constant 16 : i32
        %jit3A_489 = arith.constant 0 : i32
        %broadcast_in_dim3A_490 = vector.broadcast %jit3A_488 : i32 to vector<16xi32>
        %broadcast_in_dim3A_491 = vector.broadcast %jit3A_489 : i32 to vector<16xi32>
        %select_n3A_492 = arith.select %gt3A_487, %broadcast_in_dim3A_490, %broadcast_in_dim3A_491 : vector<16xi1>, vector<16xi32>
        %add3A_493 = arith.addi %while3A_467, %select_n3A_492 : vector<16xi32>
        scf.yield %add3A_493, %add3A_478, %add3A_480 : vector<16xi32>, vector<16xf32>, vector<16xi32>
      }
      %reduce_max3A_448 = arith.constant true
      %reduce_max3A_449 = vector.broadcast %reduce_max3A_448 : i1 to vector<16xi1>
      %reduce_max3A_450 = arith.constant -2147483648 : i32
      %reduce_max3A_451 = vector.broadcast %reduce_max3A_450 : i32 to vector<16xi32>
      %reduce_max3A_452 = arith.xori %while3A_447#0, %reduce_max3A_451 : vector<16xi32>
      %reduce_max3A_453 = tpu.scan <max>, %reduce_max3A_452 masked %reduce_max3A_449 : vector<16xi32>, vector<16xi1> -> vector<16xi32>
      %reduce_max3A_454 = arith.xori %reduce_max3A_453, %reduce_max3A_451 : vector<16xi32>
      %reduce_max3A_455 = vector.extract %reduce_max3A_454[15] : i32 from vector<16xi32>
      %reduce_sum3A_456 = arith.constant true
      %reduce_sum3A_457 = vector.broadcast %reduce_sum3A_456 : i1 to vector<16xi1>
      %reduce_sum3A_458 = tpu.scan <sum>, %while3A_447#1 masked %reduce_sum3A_457 : vector<16xf32>, vector<16xi1> -> vector<16xf32>
      %reduce_sum3A_459 = vector.extract %reduce_sum3A_458[15] : f32 from vector<16xf32>
      %broadcast_in_dim3A_460 = vector.broadcast %reduce_sum3A_459 : f32 to vector<16xf32>
      %sub3A_461 = arith.constant 1.000000e+00 : f32
      %sub3A_462 = vector.broadcast %sub3A_461 : f32 to vector<16xf32>
      %sub3A_463 = arith.subf %broadcast_in_dim3A_460, %sub3A_462 : vector<16xf32>
      %convert_element_type3A_464 = arith.sitofp %while3A_447#2 : vector<16xi32> to vector<16xf32>
      %div3A_465 = arith.divf %sub3A_463, %convert_element_type3A_464 : vector<16xf32>
      scf.yield %div3A_465, %while3A_447#2, %while3A_409#2, %reduce_max3A_455 : vector<16xf32>, vector<16xi32>, vector<16xi32>, i32
    }
    %convert_element_type3A_120 = arith.sitofp %while3A_119#1 : vector<16xi32> to vector<16xf32>
    %div3A_121 = arith.constant 1.000000e+00 : f32
    %div3A_122 = vector.broadcast %div3A_121 : f32 to vector<16xf32>
    %div3A_123 = arith.divf %div3A_122, %convert_element_type3A_120 : vector<16xf32>
    %sub3A_124 = arith.subf %while3A_119#0, %div3A_123 : vector<16xf32>
    %iota3A_125 = tpu.iota {dimensions = array<i32: 0>} : vector<16xi32>
    %broadcast_in_dim3A_126 = arith.constant 0xFF800000 : f32
    %broadcast_in_dim3A_127 = vector.broadcast %broadcast_in_dim3A_126 : f32 to vector<16xf32>
    %swap3A_128 = arith.constant 0 : index
    %swap3A_129 = tpu.vector_load %arg6[%swap3A_128] {strides = array<i32>} : memref<8192xf32, #tpu.memory_space<vmem>>, vector<16xf32>,
    tpu.vector_store %arg6[%swap3A_128], %broadcast_in_dim3A_127 {strides = array<i32>} : memref<8192xf32, #tpu.memory_space<vmem>>, vector<16xf32>,
    %shift_right_logical3A_130 = arith.constant 4 : i32
    %shift_right_logical3A_131 = arith.shrui %while3A_119#3, %shift_right_logical3A_130 : i32
    %broadcast_in_dim3A_132 = arith.constant 0 : i32
    %broadcast_in_dim3A_133 = vector.broadcast %broadcast_in_dim3A_132 : i32 to vector<16xi32>
    %while3A_134 = arith.constant 0 : i32
    %while3A_135 = arith.subi %shift_right_logical3A_131, %while3A_134 : i32
    %while3A_136 = arith.addi %while3A_134, %while3A_135 : i32
    %while3A_137 = arith.constant 1 : i32
    %while3A_138 = arith.divsi %while3A_135, %while3A_137 : i32
    %while3A_139 = arith.muli %while3A_138, %while3A_137 : i32
    %while3A_140 = arith.addi %while3A_134, %while3A_139 : i32
    %while3A_141 = arith.constant 1 : i32
    %while3A_142 = scf.for %while3A_386 = %while3A_134 to %while3A_140 step %while3A_141 iter_args(%while3A_387 = %broadcast_in_dim3A_133) -> (vector<16xi32>)  : i32 {
      %mul3A_388 = arith.constant 16 : i32
      %mul3A_389 = arith.muli %while3A_386, %mul3A_388 : i32
      %get3A_390 = arith.index_cast %mul3A_389 : i32 to index
      %get3A_391 = tpu.vector_load %arg5[%get3A_390] {strides = array<i32>} : memref<8192xf32, #tpu.memory_space<vmem>>, vector<16xf32>,
      %gt3A_392 = arith.constant 0xFF800000 : f32
      %gt3A_393 = vector.broadcast %gt3A_392 : f32 to vector<16xf32>
      %gt3A_394 = arith.cmpf ogt, %get3A_391, %gt3A_393 : vector<16xf32>
      %convert_element_type3A_395 = arith.extui %gt3A_394 : vector<16xi1> to vector<16xi32>
      %broadcast_in_dim3A_396 = arith.constant true
      %broadcast_in_dim3A_397 = vector.broadcast %broadcast_in_dim3A_396 : i1 to vector<16xi1>
      %masked_cumsum3A_398 = tpu.scan <sum>, %convert_element_type3A_395 masked %broadcast_in_dim3A_397 : vector<16xi32>, vector<16xi1> -> vector<16xi32>
      %add3A_399 = arith.addi %while3A_387, %masked_cumsum3A_398 : vector<16xi32>
      %sub3A_400 = arith.constant 1 : i32
      %sub3A_401 = vector.broadcast %sub3A_400 : i32 to vector<16xi32>
      %sub3A_402 = arith.subi %add3A_399, %sub3A_401 : vector<16xi32>
      tpu.vector_store_idx %arg6[%sub3A_402], %get3A_391 masked %gt3A_394 : memref<8192xf32, #tpu.memory_space<vmem>>[vector<16xi32>], vector<16xf32>, vector<16xi1>
      %all_reduce_population_count3A_403 = tpu.all_reduce %gt3A_394 {dim = 0 : i64, kind = #tpu.reduction_kind<sum>} : vector<16xi1> -> vector<16xi32>
      %add3A_404 = arith.addi %while3A_387, %all_reduce_population_count3A_403 : vector<16xi32>
      scf.yield %add3A_404 : vector<16xi32>
    }
    %while3A_143 = arith.constant 1 : i32
    %while3A_144 = scf.for %while3A_386 = %while3A_140 to %while3A_136 step %while3A_143 iter_args(%while3A_387 = %while3A_142) -> (vector<16xi32>)  : i32 {
      %mul3A_388 = arith.constant 16 : i32
      %mul3A_389 = arith.muli %while3A_386, %mul3A_388 : i32
      %get3A_390 = arith.index_cast %mul3A_389 : i32 to index
      %get3A_391 = tpu.vector_load %arg5[%get3A_390] {strides = array<i32>} : memref<8192xf32, #tpu.memory_space<vmem>>, vector<16xf32>,
      %gt3A_392 = arith.constant 0xFF800000 : f32
      %gt3A_393 = vector.broadcast %gt3A_392 : f32 to vector<16xf32>
      %gt3A_394 = arith.cmpf ogt, %get3A_391, %gt3A_393 : vector<16xf32>
      %convert_element_type3A_395 = arith.extui %gt3A_394 : vector<16xi1> to vector<16xi32>
      %broadcast_in_dim3A_396 = arith.constant true
      %broadcast_in_dim3A_397 = vector.broadcast %broadcast_in_dim3A_396 : i1 to vector<16xi1>
      %masked_cumsum3A_398 = tpu.scan <sum>, %convert_element_type3A_395 masked %broadcast_in_dim3A_397 : vector<16xi32>, vector<16xi1> -> vector<16xi32>
      %add3A_399 = arith.addi %while3A_387, %masked_cumsum3A_398 : vector<16xi32>
      %sub3A_400 = arith.constant 1 : i32
      %sub3A_401 = vector.broadcast %sub3A_400 : i32 to vector<16xi32>
      %sub3A_402 = arith.subi %add3A_399, %sub3A_401 : vector<16xi32>
      tpu.vector_store_idx %arg6[%sub3A_402], %get3A_391 masked %gt3A_394 : memref<8192xf32, #tpu.memory_space<vmem>>[vector<16xi32>], vector<16xf32>, vector<16xi1>
      %all_reduce_population_count3A_403 = tpu.all_reduce %gt3A_394 {dim = 0 : i64, kind = #tpu.reduction_kind<sum>} : vector<16xi1> -> vector<16xi32>
      %add3A_404 = arith.addi %while3A_387, %all_reduce_population_count3A_403 : vector<16xi32>
      scf.yield %add3A_404 : vector<16xi32>
    }
    %get3A_145 = arith.constant 0 : index
    %get3A_146 = tpu.vector_load %arg6[%get3A_145] {strides = array<i32>} : memref<8192xf32, #tpu.memory_space<vmem>>, vector<16xf32>,
    %masked_sort3A_147 = arith.constant dense<true> : vector<16xi1>
    %masked_sort3A_148, %masked_sort3A_149, %masked_sort3A_150 = tpu.sort %get3A_146, %iota3A_125 masked %masked_sort3A_147 {descending = true} : (vector<16xf32>, vector<16xi32>, vector<16xi1>) -> (vector<16xi1>, vector<16xf32>, vector<16xi32>)
    %broadcast_in_dim3A_151 = arith.constant true
    %broadcast_in_dim3A_152 = vector.broadcast %broadcast_in_dim3A_151 : i1 to vector<16xi1>
    %masked_cumsum3A_153 = tpu.scan <sum>, %masked_sort3A_149 masked %broadcast_in_dim3A_152 : vector<16xf32>, vector<16xi1> -> vector<16xf32>
    %add3A_154 = arith.constant 1 : i32
    %add3A_155 = vector.broadcast %add3A_154 : i32 to vector<16xi32>
    %add3A_156 = arith.addi %iota3A_125, %add3A_155 : vector<16xi32>
    %convert_element_type3A_157 = arith.sitofp %add3A_156 : vector<16xi32> to vector<16xf32>
    %mul3A_158 = arith.mulf %convert_element_type3A_157, %masked_sort3A_149 : vector<16xf32>
    %sub3A_159 = arith.constant 1.000000e+00 : f32
    %sub3A_160 = vector.broadcast %sub3A_159 : f32 to vector<16xf32>
    %sub3A_161 = arith.subf %masked_cumsum3A_153, %sub3A_160 : vector<16xf32>
    %gt3A_162 = arith.cmpf ogt, %mul3A_158, %sub3A_161 : vector<16xf32>
    %all_reduce_population_count3A_163 = tpu.all_reduce %gt3A_162 {dim = 0 : i64, kind = #tpu.reduction_kind<sum>} : vector<16xi1> -> vector<16xi32>
    %convert_element_type3A_164 = arith.sitofp %all_reduce_population_count3A_163 : vector<16xi32> to vector<16xf32>
    %jit3A_165 = arith.constant 0.000000e+00 : f32
    %broadcast_in_dim3A_166 = vector.broadcast %jit3A_165 : f32 to vector<16xf32>
    %select_n3A_167 = arith.select %gt3A_162, %masked_sort3A_149, %broadcast_in_dim3A_166 : vector<16xi1>, vector<16xf32>
    %reduce_sum3A_168 = arith.constant true
    %reduce_sum3A_169 = vector.broadcast %reduce_sum3A_168 : i1 to vector<16xi1>
    %reduce_sum3A_170 = tpu.scan <sum>, %select_n3A_167 masked %reduce_sum3A_169 : vector<16xf32>, vector<16xi1> -> vector<16xf32>
    %reduce_sum3A_171 = vector.extract %reduce_sum3A_170[15] : f32 from vector<16xf32>
    %broadcast_in_dim3A_172 = vector.broadcast %reduce_sum3A_171 : f32 to vector<16xf32>
    %sub3A_173 = arith.constant 2.000000e+00 : f32
    %sub3A_174 = vector.broadcast %sub3A_173 : f32 to vector<16xf32>
    %sub3A_175 = arith.subf %broadcast_in_dim3A_172, %sub3A_174 : vector<16xf32>
    %div3A_176 = arith.divf %sub3A_175, %convert_element_type3A_164 : vector<16xf32>
    %le3A_177 = arith.constant 16 : i32
    %le3A_178 = vector.broadcast %le3A_177 : i32 to vector<16xi32>
    %le3A_179 = arith.cmpi sle, %while3A_119#1, %le3A_178 : vector<16xi32>
    %select_n3A_180 = arith.select %le3A_179, %div3A_176, %sub3A_124 : vector<16xi1>, vector<16xf32>
    %parallel_loop3A_181 = arith.constant 0 : i32
    %parallel_loop3A_182 = arith.constant 8192 : i32
    %parallel_loop3A_183 = arith.constant 64 : i32
    scf.for %parallel_loop3A_386 = %parallel_loop3A_181 to %parallel_loop3A_182 step %parallel_loop3A_183  : i32 {
      %parallel_loop3A_387 = arith.constant 0 : i32
      %parallel_loop3A_388 = arith.addi %parallel_loop3A_386, %parallel_loop3A_387 : i32
      %parallel_loop3A_389 = arith.constant 1 : i32
      %parallel_loop3A_390 = arith.index_cast %parallel_loop3A_389 : i32 to index
      %parallel_loop3A_391 = arith.index_cast %parallel_loop3A_388 : i32 to index
      %parallel_loop3A_392 = tpu.vector_load %arg4[%parallel_loop3A_390, %parallel_loop3A_391] {strides = array<i32>} : memref<4x8192xf32, #tpu.memory_space<vmem>>, vector<16xf32>,
      %parallel_loop3A_393 = arith.subf %parallel_loop3A_392, %select_n3A_180 : vector<16xf32>
      %parallel_loop3A_394 = arith.constant 0.000000e+00 : f32
      %parallel_loop3A_395 = vector.broadcast %parallel_loop3A_394 : f32 to vector<16xf32>
      %parallel_loop3A_396 = arith.maximumf %parallel_loop3A_393, %parallel_loop3A_395 : vector<16xf32>
      %parallel_loop3A_397 = arith.constant 0 : i32
      %parallel_loop3A_398 = arith.addi %parallel_loop3A_386, %parallel_loop3A_397 : i32
      %parallel_loop3A_399 = arith.constant 1 : i32
      %parallel_loop3A_400 = arith.index_cast %parallel_loop3A_399 : i32 to index
      %parallel_loop3A_401 = arith.index_cast %parallel_loop3A_398 : i32 to index
      %parallel_loop3A_402 = tpu.vector_load %arg4[%parallel_loop3A_400, %parallel_loop3A_401] {strides = array<i32>} : memref<4x8192xf32, #tpu.memory_space<vmem>>, vector<16xf32>,
      tpu.vector_store %arg4[%parallel_loop3A_400, %parallel_loop3A_401], %parallel_loop3A_396 {strides = array<i32>} : memref<4x8192xf32, #tpu.memory_space<vmem>>, vector<16xf32>,
      %parallel_loop3A_403 = arith.constant 16 : i32
      %parallel_loop3A_404 = arith.addi %parallel_loop3A_386, %parallel_loop3A_403 : i32
      %parallel_loop3A_405 = arith.constant 1 : i32
      %parallel_loop3A_406 = arith.index_cast %parallel_loop3A_405 : i32 to index
      %parallel_loop3A_407 = arith.index_cast %parallel_loop3A_404 : i32 to index
      %parallel_loop3A_408 = tpu.vector_load %arg4[%parallel_loop3A_406, %parallel_loop3A_407] {strides = array<i32>} : memref<4x8192xf32, #tpu.memory_space<vmem>>, vector<16xf32>,
      %parallel_loop3A_409 = arith.subf %parallel_loop3A_408, %select_n3A_180 : vector<16xf32>
      %parallel_loop3A_410 = arith.constant 0.000000e+00 : f32
      %parallel_loop3A_411 = vector.broadcast %parallel_loop3A_410 : f32 to vector<16xf32>
      %parallel_loop3A_412 = arith.maximumf %parallel_loop3A_409, %parallel_loop3A_411 : vector<16xf32>
      %parallel_loop3A_413 = arith.constant 16 : i32
      %parallel_loop3A_414 = arith.addi %parallel_loop3A_386, %parallel_loop3A_413 : i32
      %parallel_loop3A_415 = arith.constant 1 : i32
      %parallel_loop3A_416 = arith.index_cast %parallel_loop3A_415 : i32 to index
      %parallel_loop3A_417 = arith.index_cast %parallel_loop3A_414 : i32 to index
      %parallel_loop3A_418 = tpu.vector_load %arg4[%parallel_loop3A_416, %parallel_loop3A_417] {strides = array<i32>} : memref<4x8192xf32, #tpu.memory_space<vmem>>, vector<16xf32>,
      tpu.vector_store %arg4[%parallel_loop3A_416, %parallel_loop3A_417], %parallel_loop3A_412 {strides = array<i32>} : memref<4x8192xf32, #tpu.memory_space<vmem>>, vector<16xf32>,
      %parallel_loop3A_419 = arith.constant 32 : i32
      %parallel_loop3A_420 = arith.addi %parallel_loop3A_386, %parallel_loop3A_419 : i32
      %parallel_loop3A_421 = arith.constant 1 : i32
      %parallel_loop3A_422 = arith.index_cast %parallel_loop3A_421 : i32 to index
      %parallel_loop3A_423 = arith.index_cast %parallel_loop3A_420 : i32 to index
      %parallel_loop3A_424 = tpu.vector_load %arg4[%parallel_loop3A_422, %parallel_loop3A_423] {strides = array<i32>} : memref<4x8192xf32, #tpu.memory_space<vmem>>, vector<16xf32>,
      %parallel_loop3A_425 = arith.subf %parallel_loop3A_424, %select_n3A_180 : vector<16xf32>
      %parallel_loop3A_426 = arith.constant 0.000000e+00 : f32
      %parallel_loop3A_427 = vector.broadcast %parallel_loop3A_426 : f32 to vector<16xf32>
      %parallel_loop3A_428 = arith.maximumf %parallel_loop3A_425, %parallel_loop3A_427 : vector<16xf32>
      %parallel_loop3A_429 = arith.constant 32 : i32
      %parallel_loop3A_430 = arith.addi %parallel_loop3A_386, %parallel_loop3A_429 : i32
      %parallel_loop3A_431 = arith.constant 1 : i32
      %parallel_loop3A_432 = arith.index_cast %parallel_loop3A_431 : i32 to index
      %parallel_loop3A_433 = arith.index_cast %parallel_loop3A_430 : i32 to index
      %parallel_loop3A_434 = tpu.vector_load %arg4[%parallel_loop3A_432, %parallel_loop3A_433] {strides = array<i32>} : memref<4x8192xf32, #tpu.memory_space<vmem>>, vector<16xf32>,
      tpu.vector_store %arg4[%parallel_loop3A_432, %parallel_loop3A_433], %parallel_loop3A_428 {strides = array<i32>} : memref<4x8192xf32, #tpu.memory_space<vmem>>, vector<16xf32>,
      %parallel_loop3A_435 = arith.constant 48 : i32
      %parallel_loop3A_436 = arith.addi %parallel_loop3A_386, %parallel_loop3A_435 : i32
      %parallel_loop3A_437 = arith.constant 1 : i32
      %parallel_loop3A_438 = arith.index_cast %parallel_loop3A_437 : i32 to index
      %parallel_loop3A_439 = arith.index_cast %parallel_loop3A_436 : i32 to index
      %parallel_loop3A_440 = tpu.vector_load %arg4[%parallel_loop3A_438, %parallel_loop3A_439] {strides = array<i32>} : memref<4x8192xf32, #tpu.memory_space<vmem>>, vector<16xf32>,
      %parallel_loop3A_441 = arith.subf %parallel_loop3A_440, %select_n3A_180 : vector<16xf32>
      %parallel_loop3A_442 = arith.constant 0.000000e+00 : f32
      %parallel_loop3A_443 = vector.broadcast %parallel_loop3A_442 : f32 to vector<16xf32>
      %parallel_loop3A_444 = arith.maximumf %parallel_loop3A_441, %parallel_loop3A_443 : vector<16xf32>
      %parallel_loop3A_445 = arith.constant 48 : i32
      %parallel_loop3A_446 = arith.addi %parallel_loop3A_386, %parallel_loop3A_445 : i32
      %parallel_loop3A_447 = arith.constant 1 : i32
      %parallel_loop3A_448 = arith.index_cast %parallel_loop3A_447 : i32 to index
      %parallel_loop3A_449 = arith.index_cast %parallel_loop3A_446 : i32 to index
      %parallel_loop3A_450 = tpu.vector_load %arg4[%parallel_loop3A_448, %parallel_loop3A_449] {strides = array<i32>} : memref<4x8192xf32, #tpu.memory_space<vmem>>, vector<16xf32>,
      tpu.vector_store %arg4[%parallel_loop3A_448, %parallel_loop3A_449], %parallel_loop3A_444 {strides = array<i32>} : memref<4x8192xf32, #tpu.memory_space<vmem>>, vector<16xf32>,
    } {sc.loop_unroll_factor = 2 : i64, sc.parallel_access}
    %broadcast_in_dim3A_184 = arith.constant 0xFF800000 : f32
    %broadcast_in_dim3A_185 = vector.broadcast %broadcast_in_dim3A_184 : f32 to vector<16xf32>
    %parallel_loop3A_186 = arith.constant 0 : i32
    %parallel_loop3A_187 = arith.constant 8192 : i32
    %parallel_loop3A_188 = arith.constant 64 : i32
    %parallel_loop3A_189:2 = scf.for %parallel_loop3A_386 = %parallel_loop3A_186 to %parallel_loop3A_187 step %parallel_loop3A_188 iter_args(%parallel_loop3A_387 = %broadcast_in_dim3A_185, %parallel_loop3A_388 = %broadcast_in_dim3A_185) -> (vector<16xf32>, vector<16xf32>)  : i32 {
      %parallel_loop3A_389 = arith.constant 0 : i32
      %parallel_loop3A_390 = arith.addi %parallel_loop3A_386, %parallel_loop3A_389 : i32
      %parallel_loop3A_391 = arith.constant 2 : i32
      %parallel_loop3A_392 = arith.index_cast %parallel_loop3A_391 : i32 to index
      %parallel_loop3A_393 = arith.index_cast %parallel_loop3A_390 : i32 to index
      %parallel_loop3A_394 = tpu.vector_load %arg4[%parallel_loop3A_392, %parallel_loop3A_393] {strides = array<i32>} : memref<4x8192xf32, #tpu.memory_space<vmem>>, vector<16xf32>,
      %parallel_loop3A_395 = arith.constant 16 : i32
      %parallel_loop3A_396 = arith.addi %parallel_loop3A_386, %parallel_loop3A_395 : i32
      %parallel_loop3A_397 = arith.constant 2 : i32
      %parallel_loop3A_398 = arith.index_cast %parallel_loop3A_397 : i32 to index
      %parallel_loop3A_399 = arith.index_cast %parallel_loop3A_396 : i32 to index
      %parallel_loop3A_400 = tpu.vector_load %arg4[%parallel_loop3A_398, %parallel_loop3A_399] {strides = array<i32>} : memref<4x8192xf32, #tpu.memory_space<vmem>>, vector<16xf32>,
      %parallel_loop3A_401 = arith.constant 32 : i32
      %parallel_loop3A_402 = arith.addi %parallel_loop3A_386, %parallel_loop3A_401 : i32
      %parallel_loop3A_403 = arith.constant 2 : i32
      %parallel_loop3A_404 = arith.index_cast %parallel_loop3A_403 : i32 to index
      %parallel_loop3A_405 = arith.index_cast %parallel_loop3A_402 : i32 to index
      %parallel_loop3A_406 = tpu.vector_load %arg4[%parallel_loop3A_404, %parallel_loop3A_405] {strides = array<i32>} : memref<4x8192xf32, #tpu.memory_space<vmem>>, vector<16xf32>,
      %parallel_loop3A_407 = arith.constant 48 : i32
      %parallel_loop3A_408 = arith.addi %parallel_loop3A_386, %parallel_loop3A_407 : i32
      %parallel_loop3A_409 = arith.constant 2 : i32
      %parallel_loop3A_410 = arith.index_cast %parallel_loop3A_409 : i32 to index
      %parallel_loop3A_411 = arith.index_cast %parallel_loop3A_408 : i32 to index
      %parallel_loop3A_412 = tpu.vector_load %arg4[%parallel_loop3A_410, %parallel_loop3A_411] {strides = array<i32>} : memref<4x8192xf32, #tpu.memory_space<vmem>>, vector<16xf32>,
      %parallel_loop3A_413 = arith.maximumf %parallel_loop3A_394, %parallel_loop3A_400 : vector<16xf32>
      %parallel_loop3A_414 = arith.maximumf %parallel_loop3A_387, %parallel_loop3A_413 : vector<16xf32>
      %parallel_loop3A_415 = arith.maximumf %parallel_loop3A_406, %parallel_loop3A_412 : vector<16xf32>
      %parallel_loop3A_416 = arith.maximumf %parallel_loop3A_388, %parallel_loop3A_415 : vector<16xf32>
      scf.yield %parallel_loop3A_414, %parallel_loop3A_416 : vector<16xf32>, vector<16xf32>
    } {sc.loop_unroll_factor = 2 : i64, sc.parallel_access}
    %max3A_190 = arith.maximumf %parallel_loop3A_189#0, %parallel_loop3A_189#1 : vector<16xf32>
    %reduce_max3A_191 = arith.constant true
    %reduce_max3A_192 = vector.broadcast %reduce_max3A_191 : i1 to vector<16xi1>
    %reduce_max3A_193 = tpu.scan <max>, %max3A_190 masked %reduce_max3A_192 : vector<16xf32>, vector<16xi1> -> vector<16xf32>
    %reduce_max3A_194 = vector.extract %reduce_max3A_193[15] : f32 from vector<16xf32>
    %broadcast_in_dim3A_195 = vector.broadcast %reduce_max3A_194 : f32 to vector<16xf32>
    %sub3A_196 = arith.constant 1.000000e+00 : f32
    %sub3A_197 = vector.broadcast %sub3A_196 : f32 to vector<16xf32>
    %sub3A_198 = arith.subf %broadcast_in_dim3A_195, %sub3A_197 : vector<16xf32>
    %iota3A_199 = tpu.iota {dimensions = array<i32: 0>} : vector<16xi32>
    %broadcast_in_dim3A_200 = arith.constant 0 : i32
    %broadcast_in_dim3A_201 = vector.broadcast %broadcast_in_dim3A_200 : i32 to vector<16xi32>
    %scan3A_202 = arith.constant 0 : i32
    %scan3A_203 = arith.constant 128 : i32
    %scan3A_204 = arith.addi %scan3A_202, %scan3A_203 : i32
    %scan3A_205 = arith.constant 1 : i32
    %scan3A_206 = scf.for %scan3A_386 = %scan3A_202 to %scan3A_204 step %scan3A_205 iter_args(%scan3A_387 = %broadcast_in_dim3A_201) -> (vector<16xi32>)  : i32 {
      %mul3A_388 = arith.constant 64 : i32
      %mul3A_389 = arith.muli %scan3A_386, %mul3A_388 : i32
      %add3A_390 = arith.constant 0 : i32
      %add3A_391 = arith.addi %mul3A_389, %add3A_390 : i32
      %get3A_392 = arith.constant 2 : i32
      %get3A_393 = arith.index_cast %get3A_392 : i32 to index
      %get3A_394 = arith.index_cast %add3A_391 : i32 to index
      %get3A_395 = tpu.vector_load %arg4[%get3A_393, %get3A_394] {strides = array<i32>} : memref<4x8192xf32, #tpu.memory_space<vmem>>, vector<16xf32>,
      %gt3A_396 = arith.cmpf ogt, %get3A_395, %sub3A_198 : vector<16xf32>
      %all_reduce_population_count3A_397 = tpu.all_reduce %gt3A_396 {dim = 0 : i64, kind = #tpu.reduction_kind<sum>} : vector<16xi1> -> vector<16xi32>
      %add3A_398 = arith.addi %scan3A_387, %iota3A_199 : vector<16xi32>
      %jit3A_399 = arith.constant 0xFF800000 : f32
      %broadcast_in_dim3A_400 = vector.broadcast %jit3A_399 : f32 to vector<16xf32>
      %select_n3A_401 = arith.select %gt3A_396, %get3A_395, %broadcast_in_dim3A_400 : vector<16xi1>, vector<16xf32>
      tpu.vector_store_idx %arg5[%add3A_398], %select_n3A_401 : memref<8192xf32, #tpu.memory_space<vmem>>[vector<16xi32>], vector<16xf32>,
      %gt3A_402 = arith.constant 0 : i32
      %gt3A_403 = vector.broadcast %gt3A_402 : i32 to vector<16xi32>
      %gt3A_404 = arith.cmpi sgt, %all_reduce_population_count3A_397, %gt3A_403 : vector<16xi32>
      %jit3A_405 = arith.constant 16 : i32
      %jit3A_406 = arith.constant 0 : i32
      %broadcast_in_dim3A_407 = vector.broadcast %jit3A_405 : i32 to vector<16xi32>
      %broadcast_in_dim3A_408 = vector.broadcast %jit3A_406 : i32 to vector<16xi32>
      %select_n3A_409 = arith.select %gt3A_404, %broadcast_in_dim3A_407, %broadcast_in_dim3A_408 : vector<16xi1>, vector<16xi32>
      %add3A_410 = arith.addi %scan3A_387, %select_n3A_409 : vector<16xi32>
      %add3A_411 = arith.constant 16 : i32
      %add3A_412 = arith.addi %mul3A_389, %add3A_411 : i32
      %get3A_413 = arith.constant 2 : i32
      %get3A_414 = arith.index_cast %get3A_413 : i32 to index
      %get3A_415 = arith.index_cast %add3A_412 : i32 to index
      %get3A_416 = tpu.vector_load %arg4[%get3A_414, %get3A_415] {strides = array<i32>} : memref<4x8192xf32, #tpu.memory_space<vmem>>, vector<16xf32>,
      %gt3A_417 = arith.cmpf ogt, %get3A_416, %sub3A_198 : vector<16xf32>
      %all_reduce_population_count3A_418 = tpu.all_reduce %gt3A_417 {dim = 0 : i64, kind = #tpu.reduction_kind<sum>} : vector<16xi1> -> vector<16xi32>
      %add3A_419 = arith.addi %add3A_410, %iota3A_199 : vector<16xi32>
      %jit3A_420 = arith.constant 0xFF800000 : f32
      %broadcast_in_dim3A_421 = vector.broadcast %jit3A_420 : f32 to vector<16xf32>
      %select_n3A_422 = arith.select %gt3A_417, %get3A_416, %broadcast_in_dim3A_421 : vector<16xi1>, vector<16xf32>
      tpu.vector_store_idx %arg5[%add3A_419], %select_n3A_422 : memref<8192xf32, #tpu.memory_space<vmem>>[vector<16xi32>], vector<16xf32>,
      %gt3A_423 = arith.constant 0 : i32
      %gt3A_424 = vector.broadcast %gt3A_423 : i32 to vector<16xi32>
      %gt3A_425 = arith.cmpi sgt, %all_reduce_population_count3A_418, %gt3A_424 : vector<16xi32>
      %jit3A_426 = arith.constant 16 : i32
      %jit3A_427 = arith.constant 0 : i32
      %broadcast_in_dim3A_428 = vector.broadcast %jit3A_426 : i32 to vector<16xi32>
      %broadcast_in_dim3A_429 = vector.broadcast %jit3A_427 : i32 to vector<16xi32>
      %select_n3A_430 = arith.select %gt3A_425, %broadcast_in_dim3A_428, %broadcast_in_dim3A_429 : vector<16xi1>, vector<16xi32>
      %add3A_431 = arith.addi %add3A_410, %select_n3A_430 : vector<16xi32>
      %add3A_432 = arith.constant 32 : i32
      %add3A_433 = arith.addi %mul3A_389, %add3A_432 : i32
      %get3A_434 = arith.constant 2 : i32
      %get3A_435 = arith.index_cast %get3A_434 : i32 to index
      %get3A_436 = arith.index_cast %add3A_433 : i32 to index
      %get3A_437 = tpu.vector_load %arg4[%get3A_435, %get3A_436] {strides = array<i32>} : memref<4x8192xf32, #tpu.memory_space<vmem>>, vector<16xf32>,
      %gt3A_438 = arith.cmpf ogt, %get3A_437, %sub3A_198 : vector<16xf32>
      %all_reduce_population_count3A_439 = tpu.all_reduce %gt3A_438 {dim = 0 : i64, kind = #tpu.reduction_kind<sum>} : vector<16xi1> -> vector<16xi32>
      %add3A_440 = arith.addi %add3A_431, %iota3A_199 : vector<16xi32>
      %jit3A_441 = arith.constant 0xFF800000 : f32
      %broadcast_in_dim3A_442 = vector.broadcast %jit3A_441 : f32 to vector<16xf32>
      %select_n3A_443 = arith.select %gt3A_438, %get3A_437, %broadcast_in_dim3A_442 : vector<16xi1>, vector<16xf32>
      tpu.vector_store_idx %arg5[%add3A_440], %select_n3A_443 : memref<8192xf32, #tpu.memory_space<vmem>>[vector<16xi32>], vector<16xf32>,
      %gt3A_444 = arith.constant 0 : i32
      %gt3A_445 = vector.broadcast %gt3A_444 : i32 to vector<16xi32>
      %gt3A_446 = arith.cmpi sgt, %all_reduce_population_count3A_439, %gt3A_445 : vector<16xi32>
      %jit3A_447 = arith.constant 16 : i32
      %jit3A_448 = arith.constant 0 : i32
      %broadcast_in_dim3A_449 = vector.broadcast %jit3A_447 : i32 to vector<16xi32>
      %broadcast_in_dim3A_450 = vector.broadcast %jit3A_448 : i32 to vector<16xi32>
      %select_n3A_451 = arith.select %gt3A_446, %broadcast_in_dim3A_449, %broadcast_in_dim3A_450 : vector<16xi1>, vector<16xi32>
      %add3A_452 = arith.addi %add3A_431, %select_n3A_451 : vector<16xi32>
      %add3A_453 = arith.constant 48 : i32
      %add3A_454 = arith.addi %mul3A_389, %add3A_453 : i32
      %get3A_455 = arith.constant 2 : i32
      %get3A_456 = arith.index_cast %get3A_455 : i32 to index
      %get3A_457 = arith.index_cast %add3A_454 : i32 to index
      %get3A_458 = tpu.vector_load %arg4[%get3A_456, %get3A_457] {strides = array<i32>} : memref<4x8192xf32, #tpu.memory_space<vmem>>, vector<16xf32>,
      %gt3A_459 = arith.cmpf ogt, %get3A_458, %sub3A_198 : vector<16xf32>
      %all_reduce_population_count3A_460 = tpu.all_reduce %gt3A_459 {dim = 0 : i64, kind = #tpu.reduction_kind<sum>} : vector<16xi1> -> vector<16xi32>
      %add3A_461 = arith.addi %add3A_452, %iota3A_199 : vector<16xi32>
      %jit3A_462 = arith.constant 0xFF800000 : f32
      %broadcast_in_dim3A_463 = vector.broadcast %jit3A_462 : f32 to vector<16xf32>
      %select_n3A_464 = arith.select %gt3A_459, %get3A_458, %broadcast_in_dim3A_463 : vector<16xi1>, vector<16xf32>
      tpu.vector_store_idx %arg5[%add3A_461], %select_n3A_464 : memref<8192xf32, #tpu.memory_space<vmem>>[vector<16xi32>], vector<16xf32>,
      %gt3A_465 = arith.constant 0 : i32
      %gt3A_466 = vector.broadcast %gt3A_465 : i32 to vector<16xi32>
      %gt3A_467 = arith.cmpi sgt, %all_reduce_population_count3A_460, %gt3A_466 : vector<16xi32>
      %jit3A_468 = arith.constant 16 : i32
      %jit3A_469 = arith.constant 0 : i32
      %broadcast_in_dim3A_470 = vector.broadcast %jit3A_468 : i32 to vector<16xi32>
      %broadcast_in_dim3A_471 = vector.broadcast %jit3A_469 : i32 to vector<16xi32>
      %select_n3A_472 = arith.select %gt3A_467, %broadcast_in_dim3A_470, %broadcast_in_dim3A_471 : vector<16xi1>, vector<16xi32>
      %add3A_473 = arith.addi %add3A_452, %select_n3A_472 : vector<16xi32>
      scf.yield %add3A_473 : vector<16xi32>
    }
    %scan3A_207 = arith.constant 128 : i32
    %reduce_max3A_208 = arith.constant true
    %reduce_max3A_209 = vector.broadcast %reduce_max3A_208 : i1 to vector<16xi1>
    %reduce_max3A_210 = arith.constant -2147483648 : i32
    %reduce_max3A_211 = vector.broadcast %reduce_max3A_210 : i32 to vector<16xi32>
    %reduce_max3A_212 = arith.xori %scan3A_206, %reduce_max3A_211 : vector<16xi32>
    %reduce_max3A_213 = tpu.scan <max>, %reduce_max3A_212 masked %reduce_max3A_209 : vector<16xi32>, vector<16xi1> -> vector<16xi32>
    %reduce_max3A_214 = arith.xori %reduce_max3A_213, %reduce_max3A_211 : vector<16xi32>
    %reduce_max3A_215 = vector.extract %reduce_max3A_214[15] : i32 from vector<16xi32>
    %broadcast_in_dim3A_216 = arith.constant 8192 : i32
    %broadcast_in_dim3A_217 = vector.broadcast %broadcast_in_dim3A_216 : i32 to vector<16xi32>
    %broadcast_in_dim3A_218 = arith.constant -1 : i32
    %broadcast_in_dim3A_219 = vector.broadcast %broadcast_in_dim3A_218 : i32 to vector<16xi32>
    %while3A_220:4 = scf.while (%while3A_386 = %sub3A_198, %while3A_387 = %broadcast_in_dim3A_217, %while3A_388 = %broadcast_in_dim3A_219, %while3A_389 = %reduce_max3A_215) : (vector<16xf32>, vector<16xi32>, vector<16xi32>, i32) -> (vector<16xf32>, vector<16xi32>, vector<16xi32>, i32) {
      %ne3A = arith.cmpi ne, %while3A_387, %while3A_388 : vector<16xi32>
      %reduce_or3A = arith.constant 1.000000e+00 : f32
      %reduce_or3A_390 = arith.constant 0.000000e+00 : f32
      %reduce_or3A_391 = vector.broadcast %reduce_or3A : f32 to vector<16xf32>
      %reduce_or3A_392 = vector.broadcast %reduce_or3A_390 : f32 to vector<16xf32>
      %reduce_or3A_393 = arith.select %ne3A, %reduce_or3A_391, %reduce_or3A_392 : vector<16xi1>, vector<16xf32>
      %reduce_or3A_394 = arith.constant true
      %reduce_or3A_395 = vector.broadcast %reduce_or3A_394 : i1 to vector<16xi1>
      %reduce_or3A_396 = tpu.scan <max>, %reduce_or3A_393 masked %reduce_or3A_395 : vector<16xf32>, vector<16xi1> -> vector<16xf32>
      %reduce_or3A_397 = vector.extract %reduce_or3A_396[15] : f32 from vector<16xf32>
      %reduce_or3A_398 = arith.constant 0.000000e+00 : f32
      %reduce_or3A_399 = arith.cmpf ogt, %reduce_or3A_397, %reduce_or3A_398 : f32
      %gt3A_400 = arith.constant 16 : i32
      %gt3A_401 = vector.broadcast %gt3A_400 : i32 to vector<16xi32>
      %gt3A_402 = arith.cmpi sgt, %while3A_387, %gt3A_401 : vector<16xi32>
      %reduce_or3A_403 = arith.constant 1.000000e+00 : f32
      %reduce_or3A_404 = arith.constant 0.000000e+00 : f32
      %reduce_or3A_405 = vector.broadcast %reduce_or3A_403 : f32 to vector<16xf32>
      %reduce_or3A_406 = vector.broadcast %reduce_or3A_404 : f32 to vector<16xf32>
      %reduce_or3A_407 = arith.select %gt3A_402, %reduce_or3A_405, %reduce_or3A_406 : vector<16xi1>, vector<16xf32>
      %reduce_or3A_408 = arith.constant true
      %reduce_or3A_409 = vector.broadcast %reduce_or3A_408 : i1 to vector<16xi1>
      %reduce_or3A_410 = tpu.scan <max>, %reduce_or3A_407 masked %reduce_or3A_409 : vector<16xf32>, vector<16xi1> -> vector<16xf32>
      %reduce_or3A_411 = vector.extract %reduce_or3A_410[15] : f32 from vector<16xf32>
      %reduce_or3A_412 = arith.constant 0.000000e+00 : f32
      %reduce_or3A_413 = arith.cmpf ogt, %reduce_or3A_411, %reduce_or3A_412 : f32
      %and3A = arith.andi %reduce_or3A_399, %reduce_or3A_413 : i1
      scf.condition(%and3A) %while3A_386, %while3A_387, %while3A_388, %while3A_389 : vector<16xf32>, vector<16xi32>, vector<16xi32>, i32
    } do {
    ^bb0(%while3A_386: vector<16xf32>, %while3A_387: vector<16xi32>, %while3A_388: vector<16xi32>, %while3A_389: i32):
      %shift_right_logical3A_390 = arith.constant 4 : i32
      %shift_right_logical3A_391 = arith.shrui %while3A_389, %shift_right_logical3A_390 : i32
      %iota3A_392 = tpu.iota {dimensions = array<i32: 0>} : vector<16xi32>
      %broadcast_in_dim3A_393 = arith.constant 0 : i32
      %broadcast_in_dim3A_394 = vector.broadcast %broadcast_in_dim3A_393 : i32 to vector<16xi32>
      %broadcast_in_dim3A_395 = arith.constant 0.000000e+00 : f32
      %broadcast_in_dim3A_396 = vector.broadcast %broadcast_in_dim3A_395 : f32 to vector<16xf32>
      %broadcast_in_dim3A_397 = arith.constant 0 : i32
      %broadcast_in_dim3A_398 = vector.broadcast %broadcast_in_dim3A_397 : i32 to vector<16xi32>
      %while3A_399 = arith.constant 0 : i32
      %while3A_400 = arith.subi %shift_right_logical3A_391, %while3A_399 : i32
      %while3A_401 = arith.addi %while3A_399, %while3A_400 : i32
      %while3A_402 = arith.constant 1 : i32
      %while3A_403 = arith.divsi %while3A_400, %while3A_402 : i32
      %while3A_404 = arith.muli %while3A_403, %while3A_402 : i32
      %while3A_405 = arith.addi %while3A_399, %while3A_404 : i32
      %while3A_406 = arith.constant 1 : i32
      %while3A_407:3 = scf.for %while3A_466 = %while3A_399 to %while3A_405 step %while3A_406 iter_args(%while3A_467 = %broadcast_in_dim3A_394, %while3A_468 = %broadcast_in_dim3A_396, %while3A_469 = %broadcast_in_dim3A_398) -> (vector<16xi32>, vector<16xf32>, vector<16xi32>)  : i32 {
        %mul3A_470 = arith.constant 16 : i32
        %mul3A_471 = arith.muli %while3A_466, %mul3A_470 : i32
        %get3A_472 = arith.index_cast %mul3A_471 : i32 to index
        %get3A_473 = tpu.vector_load %arg5[%get3A_472] {strides = array<i32>} : memref<8192xf32, #tpu.memory_space<vmem>>, vector<16xf32>,
        %gt3A_474 = arith.cmpf ogt, %get3A_473, %while3A_386 : vector<16xf32>
        %jit3A_475 = arith.constant 0.000000e+00 : f32
        %broadcast_in_dim3A_476 = vector.broadcast %jit3A_475 : f32 to vector<16xf32>
        %select_n3A_477 = arith.select %gt3A_474, %get3A_473, %broadcast_in_dim3A_476 : vector<16xi1>, vector<16xf32>
        %add3A_478 = arith.addf %while3A_468, %select_n3A_477 : vector<16xf32>
        %all_reduce_population_count3A_479 = tpu.all_reduce %gt3A_474 {dim = 0 : i64, kind = #tpu.reduction_kind<sum>} : vector<16xi1> -> vector<16xi32>
        %add3A_480 = arith.addi %while3A_469, %all_reduce_population_count3A_479 : vector<16xi32>
        %add3A_481 = arith.addi %while3A_467, %iota3A_392 : vector<16xi32>
        %jit3A_482 = arith.constant 0xFF800000 : f32
        %broadcast_in_dim3A_483 = vector.broadcast %jit3A_482 : f32 to vector<16xf32>
        %select_n3A_484 = arith.select %gt3A_474, %get3A_473, %broadcast_in_dim3A_483 : vector<16xi1>, vector<16xf32>
        tpu.vector_store_idx %arg6[%add3A_481], %select_n3A_484 : memref<8192xf32, #tpu.memory_space<vmem>>[vector<16xi32>], vector<16xf32>,
        %gt3A_485 = arith.constant 0 : i32
        %gt3A_486 = vector.broadcast %gt3A_485 : i32 to vector<16xi32>
        %gt3A_487 = arith.cmpi sgt, %all_reduce_population_count3A_479, %gt3A_486 : vector<16xi32>
        %jit3A_488 = arith.constant 16 : i32
        %jit3A_489 = arith.constant 0 : i32
        %broadcast_in_dim3A_490 = vector.broadcast %jit3A_488 : i32 to vector<16xi32>
        %broadcast_in_dim3A_491 = vector.broadcast %jit3A_489 : i32 to vector<16xi32>
        %select_n3A_492 = arith.select %gt3A_487, %broadcast_in_dim3A_490, %broadcast_in_dim3A_491 : vector<16xi1>, vector<16xi32>
        %add3A_493 = arith.addi %while3A_467, %select_n3A_492 : vector<16xi32>
        scf.yield %add3A_493, %add3A_478, %add3A_480 : vector<16xi32>, vector<16xf32>, vector<16xi32>
      }
      %while3A_408 = arith.constant 1 : i32
      %while3A_409:3 = scf.for %while3A_466 = %while3A_405 to %while3A_401 step %while3A_408 iter_args(%while3A_467 = %while3A_407#0, %while3A_468 = %while3A_407#1, %while3A_469 = %while3A_407#2) -> (vector<16xi32>, vector<16xf32>, vector<16xi32>)  : i32 {
        %mul3A_470 = arith.constant 16 : i32
        %mul3A_471 = arith.muli %while3A_466, %mul3A_470 : i32
        %get3A_472 = arith.index_cast %mul3A_471 : i32 to index
        %get3A_473 = tpu.vector_load %arg5[%get3A_472] {strides = array<i32>} : memref<8192xf32, #tpu.memory_space<vmem>>, vector<16xf32>,
        %gt3A_474 = arith.cmpf ogt, %get3A_473, %while3A_386 : vector<16xf32>
        %jit3A_475 = arith.constant 0.000000e+00 : f32
        %broadcast_in_dim3A_476 = vector.broadcast %jit3A_475 : f32 to vector<16xf32>
        %select_n3A_477 = arith.select %gt3A_474, %get3A_473, %broadcast_in_dim3A_476 : vector<16xi1>, vector<16xf32>
        %add3A_478 = arith.addf %while3A_468, %select_n3A_477 : vector<16xf32>
        %all_reduce_population_count3A_479 = tpu.all_reduce %gt3A_474 {dim = 0 : i64, kind = #tpu.reduction_kind<sum>} : vector<16xi1> -> vector<16xi32>
        %add3A_480 = arith.addi %while3A_469, %all_reduce_population_count3A_479 : vector<16xi32>
        %add3A_481 = arith.addi %while3A_467, %iota3A_392 : vector<16xi32>
        %jit3A_482 = arith.constant 0xFF800000 : f32
        %broadcast_in_dim3A_483 = vector.broadcast %jit3A_482 : f32 to vector<16xf32>
        %select_n3A_484 = arith.select %gt3A_474, %get3A_473, %broadcast_in_dim3A_483 : vector<16xi1>, vector<16xf32>
        tpu.vector_store_idx %arg6[%add3A_481], %select_n3A_484 : memref<8192xf32, #tpu.memory_space<vmem>>[vector<16xi32>], vector<16xf32>,
        %gt3A_485 = arith.constant 0 : i32
        %gt3A_486 = vector.broadcast %gt3A_485 : i32 to vector<16xi32>
        %gt3A_487 = arith.cmpi sgt, %all_reduce_population_count3A_479, %gt3A_486 : vector<16xi32>
        %jit3A_488 = arith.constant 16 : i32
        %jit3A_489 = arith.constant 0 : i32
        %broadcast_in_dim3A_490 = vector.broadcast %jit3A_488 : i32 to vector<16xi32>
        %broadcast_in_dim3A_491 = vector.broadcast %jit3A_489 : i32 to vector<16xi32>
        %select_n3A_492 = arith.select %gt3A_487, %broadcast_in_dim3A_490, %broadcast_in_dim3A_491 : vector<16xi1>, vector<16xi32>
        %add3A_493 = arith.addi %while3A_467, %select_n3A_492 : vector<16xi32>
        scf.yield %add3A_493, %add3A_478, %add3A_480 : vector<16xi32>, vector<16xf32>, vector<16xi32>
      }
      %reduce_max3A_410 = arith.constant true
      %reduce_max3A_411 = vector.broadcast %reduce_max3A_410 : i1 to vector<16xi1>
      %reduce_max3A_412 = arith.constant -2147483648 : i32
      %reduce_max3A_413 = vector.broadcast %reduce_max3A_412 : i32 to vector<16xi32>
      %reduce_max3A_414 = arith.xori %while3A_409#0, %reduce_max3A_413 : vector<16xi32>
      %reduce_max3A_415 = tpu.scan <max>, %reduce_max3A_414 masked %reduce_max3A_411 : vector<16xi32>, vector<16xi1> -> vector<16xi32>
      %reduce_max3A_416 = arith.xori %reduce_max3A_415, %reduce_max3A_413 : vector<16xi32>
      %reduce_max3A_417 = vector.extract %reduce_max3A_416[15] : i32 from vector<16xi32>
      %reduce_sum3A_418 = arith.constant true
      %reduce_sum3A_419 = vector.broadcast %reduce_sum3A_418 : i1 to vector<16xi1>
      %reduce_sum3A_420 = tpu.scan <sum>, %while3A_409#1 masked %reduce_sum3A_419 : vector<16xf32>, vector<16xi1> -> vector<16xf32>
      %reduce_sum3A_421 = vector.extract %reduce_sum3A_420[15] : f32 from vector<16xf32>
      %broadcast_in_dim3A_422 = vector.broadcast %reduce_sum3A_421 : f32 to vector<16xf32>
      %sub3A_423 = arith.constant 1.000000e+00 : f32
      %sub3A_424 = vector.broadcast %sub3A_423 : f32 to vector<16xf32>
      %sub3A_425 = arith.subf %broadcast_in_dim3A_422, %sub3A_424 : vector<16xf32>
      %convert_element_type3A_426 = arith.sitofp %while3A_409#2 : vector<16xi32> to vector<16xf32>
      %div3A_427 = arith.divf %sub3A_425, %convert_element_type3A_426 : vector<16xf32>
      %shift_right_logical3A_428 = arith.constant 4 : i32
      %shift_right_logical3A_429 = arith.shrui %reduce_max3A_417, %shift_right_logical3A_428 : i32
      %iota3A_430 = tpu.iota {dimensions = array<i32: 0>} : vector<16xi32>
      %broadcast_in_dim3A_431 = arith.constant 0 : i32
      %broadcast_in_dim3A_432 = vector.broadcast %broadcast_in_dim3A_431 : i32 to vector<16xi32>
      %broadcast_in_dim3A_433 = arith.constant 0.000000e+00 : f32
      %broadcast_in_dim3A_434 = vector.broadcast %broadcast_in_dim3A_433 : f32 to vector<16xf32>
      %broadcast_in_dim3A_435 = arith.constant 0 : i32
      %broadcast_in_dim3A_436 = vector.broadcast %broadcast_in_dim3A_435 : i32 to vector<16xi32>
      %while3A_437 = arith.constant 0 : i32
      %while3A_438 = arith.subi %shift_right_logical3A_429, %while3A_437 : i32
      %while3A_439 = arith.addi %while3A_437, %while3A_438 : i32
      %while3A_440 = arith.constant 1 : i32
      %while3A_441 = arith.divsi %while3A_438, %while3A_440 : i32
      %while3A_442 = arith.muli %while3A_441, %while3A_440 : i32
      %while3A_443 = arith.addi %while3A_437, %while3A_442 : i32
      %while3A_444 = arith.constant 1 : i32
      %while3A_445:3 = scf.for %while3A_466 = %while3A_437 to %while3A_443 step %while3A_444 iter_args(%while3A_467 = %broadcast_in_dim3A_432, %while3A_468 = %broadcast_in_dim3A_434, %while3A_469 = %broadcast_in_dim3A_436) -> (vector<16xi32>, vector<16xf32>, vector<16xi32>)  : i32 {
        %mul3A_470 = arith.constant 16 : i32
        %mul3A_471 = arith.muli %while3A_466, %mul3A_470 : i32
        %get3A_472 = arith.index_cast %mul3A_471 : i32 to index
        %get3A_473 = tpu.vector_load %arg6[%get3A_472] {strides = array<i32>} : memref<8192xf32, #tpu.memory_space<vmem>>, vector<16xf32>,
        %gt3A_474 = arith.cmpf ogt, %get3A_473, %div3A_427 : vector<16xf32>
        %jit3A_475 = arith.constant 0.000000e+00 : f32
        %broadcast_in_dim3A_476 = vector.broadcast %jit3A_475 : f32 to vector<16xf32>
        %select_n3A_477 = arith.select %gt3A_474, %get3A_473, %broadcast_in_dim3A_476 : vector<16xi1>, vector<16xf32>
        %add3A_478 = arith.addf %while3A_468, %select_n3A_477 : vector<16xf32>
        %all_reduce_population_count3A_479 = tpu.all_reduce %gt3A_474 {dim = 0 : i64, kind = #tpu.reduction_kind<sum>} : vector<16xi1> -> vector<16xi32>
        %add3A_480 = arith.addi %while3A_469, %all_reduce_population_count3A_479 : vector<16xi32>
        %add3A_481 = arith.addi %while3A_467, %iota3A_430 : vector<16xi32>
        %jit3A_482 = arith.constant 0xFF800000 : f32
        %broadcast_in_dim3A_483 = vector.broadcast %jit3A_482 : f32 to vector<16xf32>
        %select_n3A_484 = arith.select %gt3A_474, %get3A_473, %broadcast_in_dim3A_483 : vector<16xi1>, vector<16xf32>
        tpu.vector_store_idx %arg5[%add3A_481], %select_n3A_484 : memref<8192xf32, #tpu.memory_space<vmem>>[vector<16xi32>], vector<16xf32>,
        %gt3A_485 = arith.constant 0 : i32
        %gt3A_486 = vector.broadcast %gt3A_485 : i32 to vector<16xi32>
        %gt3A_487 = arith.cmpi sgt, %all_reduce_population_count3A_479, %gt3A_486 : vector<16xi32>
        %jit3A_488 = arith.constant 16 : i32
        %jit3A_489 = arith.constant 0 : i32
        %broadcast_in_dim3A_490 = vector.broadcast %jit3A_488 : i32 to vector<16xi32>
        %broadcast_in_dim3A_491 = vector.broadcast %jit3A_489 : i32 to vector<16xi32>
        %select_n3A_492 = arith.select %gt3A_487, %broadcast_in_dim3A_490, %broadcast_in_dim3A_491 : vector<16xi1>, vector<16xi32>
        %add3A_493 = arith.addi %while3A_467, %select_n3A_492 : vector<16xi32>
        scf.yield %add3A_493, %add3A_478, %add3A_480 : vector<16xi32>, vector<16xf32>, vector<16xi32>
      }
      %while3A_446 = arith.constant 1 : i32
      %while3A_447:3 = scf.for %while3A_466 = %while3A_443 to %while3A_439 step %while3A_446 iter_args(%while3A_467 = %while3A_445#0, %while3A_468 = %while3A_445#1, %while3A_469 = %while3A_445#2) -> (vector<16xi32>, vector<16xf32>, vector<16xi32>)  : i32 {
        %mul3A_470 = arith.constant 16 : i32
        %mul3A_471 = arith.muli %while3A_466, %mul3A_470 : i32
        %get3A_472 = arith.index_cast %mul3A_471 : i32 to index
        %get3A_473 = tpu.vector_load %arg6[%get3A_472] {strides = array<i32>} : memref<8192xf32, #tpu.memory_space<vmem>>, vector<16xf32>,
        %gt3A_474 = arith.cmpf ogt, %get3A_473, %div3A_427 : vector<16xf32>
        %jit3A_475 = arith.constant 0.000000e+00 : f32
        %broadcast_in_dim3A_476 = vector.broadcast %jit3A_475 : f32 to vector<16xf32>
        %select_n3A_477 = arith.select %gt3A_474, %get3A_473, %broadcast_in_dim3A_476 : vector<16xi1>, vector<16xf32>
        %add3A_478 = arith.addf %while3A_468, %select_n3A_477 : vector<16xf32>
        %all_reduce_population_count3A_479 = tpu.all_reduce %gt3A_474 {dim = 0 : i64, kind = #tpu.reduction_kind<sum>} : vector<16xi1> -> vector<16xi32>
        %add3A_480 = arith.addi %while3A_469, %all_reduce_population_count3A_479 : vector<16xi32>
        %add3A_481 = arith.addi %while3A_467, %iota3A_430 : vector<16xi32>
        %jit3A_482 = arith.constant 0xFF800000 : f32
        %broadcast_in_dim3A_483 = vector.broadcast %jit3A_482 : f32 to vector<16xf32>
        %select_n3A_484 = arith.select %gt3A_474, %get3A_473, %broadcast_in_dim3A_483 : vector<16xi1>, vector<16xf32>
        tpu.vector_store_idx %arg5[%add3A_481], %select_n3A_484 : memref<8192xf32, #tpu.memory_space<vmem>>[vector<16xi32>], vector<16xf32>,
        %gt3A_485 = arith.constant 0 : i32
        %gt3A_486 = vector.broadcast %gt3A_485 : i32 to vector<16xi32>
        %gt3A_487 = arith.cmpi sgt, %all_reduce_population_count3A_479, %gt3A_486 : vector<16xi32>
        %jit3A_488 = arith.constant 16 : i32
        %jit3A_489 = arith.constant 0 : i32
        %broadcast_in_dim3A_490 = vector.broadcast %jit3A_488 : i32 to vector<16xi32>
        %broadcast_in_dim3A_491 = vector.broadcast %jit3A_489 : i32 to vector<16xi32>
        %select_n3A_492 = arith.select %gt3A_487, %broadcast_in_dim3A_490, %broadcast_in_dim3A_491 : vector<16xi1>, vector<16xi32>
        %add3A_493 = arith.addi %while3A_467, %select_n3A_492 : vector<16xi32>
        scf.yield %add3A_493, %add3A_478, %add3A_480 : vector<16xi32>, vector<16xf32>, vector<16xi32>
      }
      %reduce_max3A_448 = arith.constant true
      %reduce_max3A_449 = vector.broadcast %reduce_max3A_448 : i1 to vector<16xi1>
      %reduce_max3A_450 = arith.constant -2147483648 : i32
      %reduce_max3A_451 = vector.broadcast %reduce_max3A_450 : i32 to vector<16xi32>
      %reduce_max3A_452 = arith.xori %while3A_447#0, %reduce_max3A_451 : vector<16xi32>
      %reduce_max3A_453 = tpu.scan <max>, %reduce_max3A_452 masked %reduce_max3A_449 : vector<16xi32>, vector<16xi1> -> vector<16xi32>
      %reduce_max3A_454 = arith.xori %reduce_max3A_453, %reduce_max3A_451 : vector<16xi32>
      %reduce_max3A_455 = vector.extract %reduce_max3A_454[15] : i32 from vector<16xi32>
      %reduce_sum3A_456 = arith.constant true
      %reduce_sum3A_457 = vector.broadcast %reduce_sum3A_456 : i1 to vector<16xi1>
      %reduce_sum3A_458 = tpu.scan <sum>, %while3A_447#1 masked %reduce_sum3A_457 : vector<16xf32>, vector<16xi1> -> vector<16xf32>
      %reduce_sum3A_459 = vector.extract %reduce_sum3A_458[15] : f32 from vector<16xf32>
      %broadcast_in_dim3A_460 = vector.broadcast %reduce_sum3A_459 : f32 to vector<16xf32>
      %sub3A_461 = arith.constant 1.000000e+00 : f32
      %sub3A_462 = vector.broadcast %sub3A_461 : f32 to vector<16xf32>
      %sub3A_463 = arith.subf %broadcast_in_dim3A_460, %sub3A_462 : vector<16xf32>
      %convert_element_type3A_464 = arith.sitofp %while3A_447#2 : vector<16xi32> to vector<16xf32>
      %div3A_465 = arith.divf %sub3A_463, %convert_element_type3A_464 : vector<16xf32>
      scf.yield %div3A_465, %while3A_447#2, %while3A_409#2, %reduce_max3A_455 : vector<16xf32>, vector<16xi32>, vector<16xi32>, i32
    }
    %convert_element_type3A_221 = arith.sitofp %while3A_220#1 : vector<16xi32> to vector<16xf32>
    %div3A_222 = arith.constant 1.000000e+00 : f32
    %div3A_223 = vector.broadcast %div3A_222 : f32 to vector<16xf32>
    %div3A_224 = arith.divf %div3A_223, %convert_element_type3A_221 : vector<16xf32>
    %sub3A_225 = arith.subf %while3A_220#0, %div3A_224 : vector<16xf32>
    %iota3A_226 = tpu.iota {dimensions = array<i32: 0>} : vector<16xi32>
    %broadcast_in_dim3A_227 = arith.constant 0xFF800000 : f32
    %broadcast_in_dim3A_228 = vector.broadcast %broadcast_in_dim3A_227 : f32 to vector<16xf32>
    %swap3A_229 = arith.constant 0 : index
    %swap3A_230 = tpu.vector_load %arg6[%swap3A_229] {strides = array<i32>} : memref<8192xf32, #tpu.memory_space<vmem>>, vector<16xf32>,
    tpu.vector_store %arg6[%swap3A_229], %broadcast_in_dim3A_228 {strides = array<i32>} : memref<8192xf32, #tpu.memory_space<vmem>>, vector<16xf32>,
    %shift_right_logical3A_231 = arith.constant 4 : i32
    %shift_right_logical3A_232 = arith.shrui %while3A_220#3, %shift_right_logical3A_231 : i32
    %broadcast_in_dim3A_233 = arith.constant 0 : i32
    %broadcast_in_dim3A_234 = vector.broadcast %broadcast_in_dim3A_233 : i32 to vector<16xi32>
    %while3A_235 = arith.constant 0 : i32
    %while3A_236 = arith.subi %shift_right_logical3A_232, %while3A_235 : i32
    %while3A_237 = arith.addi %while3A_235, %while3A_236 : i32
    %while3A_238 = arith.constant 1 : i32
    %while3A_239 = arith.divsi %while3A_236, %while3A_238 : i32
    %while3A_240 = arith.muli %while3A_239, %while3A_238 : i32
    %while3A_241 = arith.addi %while3A_235, %while3A_240 : i32
    %while3A_242 = arith.constant 1 : i32
    %while3A_243 = scf.for %while3A_386 = %while3A_235 to %while3A_241 step %while3A_242 iter_args(%while3A_387 = %broadcast_in_dim3A_234) -> (vector<16xi32>)  : i32 {
      %mul3A_388 = arith.constant 16 : i32
      %mul3A_389 = arith.muli %while3A_386, %mul3A_388 : i32
      %get3A_390 = arith.index_cast %mul3A_389 : i32 to index
      %get3A_391 = tpu.vector_load %arg5[%get3A_390] {strides = array<i32>} : memref<8192xf32, #tpu.memory_space<vmem>>, vector<16xf32>,
      %gt3A_392 = arith.constant 0xFF800000 : f32
      %gt3A_393 = vector.broadcast %gt3A_392 : f32 to vector<16xf32>
      %gt3A_394 = arith.cmpf ogt, %get3A_391, %gt3A_393 : vector<16xf32>
      %convert_element_type3A_395 = arith.extui %gt3A_394 : vector<16xi1> to vector<16xi32>
      %broadcast_in_dim3A_396 = arith.constant true
      %broadcast_in_dim3A_397 = vector.broadcast %broadcast_in_dim3A_396 : i1 to vector<16xi1>
      %masked_cumsum3A_398 = tpu.scan <sum>, %convert_element_type3A_395 masked %broadcast_in_dim3A_397 : vector<16xi32>, vector<16xi1> -> vector<16xi32>
      %add3A_399 = arith.addi %while3A_387, %masked_cumsum3A_398 : vector<16xi32>
      %sub3A_400 = arith.constant 1 : i32
      %sub3A_401 = vector.broadcast %sub3A_400 : i32 to vector<16xi32>
      %sub3A_402 = arith.subi %add3A_399, %sub3A_401 : vector<16xi32>
      tpu.vector_store_idx %arg6[%sub3A_402], %get3A_391 masked %gt3A_394 : memref<8192xf32, #tpu.memory_space<vmem>>[vector<16xi32>], vector<16xf32>, vector<16xi1>
      %all_reduce_population_count3A_403 = tpu.all_reduce %gt3A_394 {dim = 0 : i64, kind = #tpu.reduction_kind<sum>} : vector<16xi1> -> vector<16xi32>
      %add3A_404 = arith.addi %while3A_387, %all_reduce_population_count3A_403 : vector<16xi32>
      scf.yield %add3A_404 : vector<16xi32>
    }
    %while3A_244 = arith.constant 1 : i32
    %while3A_245 = scf.for %while3A_386 = %while3A_241 to %while3A_237 step %while3A_244 iter_args(%while3A_387 = %while3A_243) -> (vector<16xi32>)  : i32 {
      %mul3A_388 = arith.constant 16 : i32
      %mul3A_389 = arith.muli %while3A_386, %mul3A_388 : i32
      %get3A_390 = arith.index_cast %mul3A_389 : i32 to index
      %get3A_391 = tpu.vector_load %arg5[%get3A_390] {strides = array<i32>} : memref<8192xf32, #tpu.memory_space<vmem>>, vector<16xf32>,
      %gt3A_392 = arith.constant 0xFF800000 : f32
      %gt3A_393 = vector.broadcast %gt3A_392 : f32 to vector<16xf32>
      %gt3A_394 = arith.cmpf ogt, %get3A_391, %gt3A_393 : vector<16xf32>
      %convert_element_type3A_395 = arith.extui %gt3A_394 : vector<16xi1> to vector<16xi32>
      %broadcast_in_dim3A_396 = arith.constant true
      %broadcast_in_dim3A_397 = vector.broadcast %broadcast_in_dim3A_396 : i1 to vector<16xi1>
      %masked_cumsum3A_398 = tpu.scan <sum>, %convert_element_type3A_395 masked %broadcast_in_dim3A_397 : vector<16xi32>, vector<16xi1> -> vector<16xi32>
      %add3A_399 = arith.addi %while3A_387, %masked_cumsum3A_398 : vector<16xi32>
      %sub3A_400 = arith.constant 1 : i32
      %sub3A_401 = vector.broadcast %sub3A_400 : i32 to vector<16xi32>
      %sub3A_402 = arith.subi %add3A_399, %sub3A_401 : vector<16xi32>
      tpu.vector_store_idx %arg6[%sub3A_402], %get3A_391 masked %gt3A_394 : memref<8192xf32, #tpu.memory_space<vmem>>[vector<16xi32>], vector<16xf32>, vector<16xi1>
      %all_reduce_population_count3A_403 = tpu.all_reduce %gt3A_394 {dim = 0 : i64, kind = #tpu.reduction_kind<sum>} : vector<16xi1> -> vector<16xi32>
      %add3A_404 = arith.addi %while3A_387, %all_reduce_population_count3A_403 : vector<16xi32>
      scf.yield %add3A_404 : vector<16xi32>
    }
    %get3A_246 = arith.constant 0 : index
    %get3A_247 = tpu.vector_load %arg6[%get3A_246] {strides = array<i32>} : memref<8192xf32, #tpu.memory_space<vmem>>, vector<16xf32>,
    %masked_sort3A_248 = arith.constant dense<true> : vector<16xi1>
    %masked_sort3A_249, %masked_sort3A_250, %masked_sort3A_251 = tpu.sort %get3A_247, %iota3A_226 masked %masked_sort3A_248 {descending = true} : (vector<16xf32>, vector<16xi32>, vector<16xi1>) -> (vector<16xi1>, vector<16xf32>, vector<16xi32>)
    %broadcast_in_dim3A_252 = arith.constant true
    %broadcast_in_dim3A_253 = vector.broadcast %broadcast_in_dim3A_252 : i1 to vector<16xi1>
    %masked_cumsum3A_254 = tpu.scan <sum>, %masked_sort3A_250 masked %broadcast_in_dim3A_253 : vector<16xf32>, vector<16xi1> -> vector<16xf32>
    %add3A_255 = arith.constant 1 : i32
    %add3A_256 = vector.broadcast %add3A_255 : i32 to vector<16xi32>
    %add3A_257 = arith.addi %iota3A_226, %add3A_256 : vector<16xi32>
    %convert_element_type3A_258 = arith.sitofp %add3A_257 : vector<16xi32> to vector<16xf32>
    %mul3A_259 = arith.mulf %convert_element_type3A_258, %masked_sort3A_250 : vector<16xf32>
    %sub3A_260 = arith.constant 1.000000e+00 : f32
    %sub3A_261 = vector.broadcast %sub3A_260 : f32 to vector<16xf32>
    %sub3A_262 = arith.subf %masked_cumsum3A_254, %sub3A_261 : vector<16xf32>
    %gt3A_263 = arith.cmpf ogt, %mul3A_259, %sub3A_262 : vector<16xf32>
    %all_reduce_population_count3A_264 = tpu.all_reduce %gt3A_263 {dim = 0 : i64, kind = #tpu.reduction_kind<sum>} : vector<16xi1> -> vector<16xi32>
    %convert_element_type3A_265 = arith.sitofp %all_reduce_population_count3A_264 : vector<16xi32> to vector<16xf32>
    %jit3A_266 = arith.constant 0.000000e+00 : f32
    %broadcast_in_dim3A_267 = vector.broadcast %jit3A_266 : f32 to vector<16xf32>
    %select_n3A_268 = arith.select %gt3A_263, %masked_sort3A_250, %broadcast_in_dim3A_267 : vector<16xi1>, vector<16xf32>
    %reduce_sum3A_269 = arith.constant true
    %reduce_sum3A_270 = vector.broadcast %reduce_sum3A_269 : i1 to vector<16xi1>
    %reduce_sum3A_271 = tpu.scan <sum>, %select_n3A_268 masked %reduce_sum3A_270 : vector<16xf32>, vector<16xi1> -> vector<16xf32>
    %reduce_sum3A_272 = vector.extract %reduce_sum3A_271[15] : f32 from vector<16xf32>
    %broadcast_in_dim3A_273 = vector.broadcast %reduce_sum3A_272 : f32 to vector<16xf32>
    %sub3A_274 = arith.constant 2.000000e+00 : f32
    %sub3A_275 = vector.broadcast %sub3A_274 : f32 to vector<16xf32>
    %sub3A_276 = arith.subf %broadcast_in_dim3A_273, %sub3A_275 : vector<16xf32>
    %div3A_277 = arith.divf %sub3A_276, %convert_element_type3A_265 : vector<16xf32>
    %le3A_278 = arith.constant 16 : i32
    %le3A_279 = vector.broadcast %le3A_278 : i32 to vector<16xi32>
    %le3A_280 = arith.cmpi sle, %while3A_220#1, %le3A_279 : vector<16xi32>
    %select_n3A_281 = arith.select %le3A_280, %div3A_277, %sub3A_225 : vector<16xi1>, vector<16xf32>
    %parallel_loop3A_282 = arith.constant 0 : i32
    %parallel_loop3A_283 = arith.constant 8192 : i32
    %parallel_loop3A_284 = arith.constant 64 : i32
    scf.for %parallel_loop3A_386 = %parallel_loop3A_282 to %parallel_loop3A_283 step %parallel_loop3A_284  : i32 {
      %parallel_loop3A_387 = arith.constant 0 : i32
      %parallel_loop3A_388 = arith.addi %parallel_loop3A_386, %parallel_loop3A_387 : i32
      %parallel_loop3A_389 = arith.constant 2 : i32
      %parallel_loop3A_390 = arith.index_cast %parallel_loop3A_389 : i32 to index
      %parallel_loop3A_391 = arith.index_cast %parallel_loop3A_388 : i32 to index
      %parallel_loop3A_392 = tpu.vector_load %arg4[%parallel_loop3A_390, %parallel_loop3A_391] {strides = array<i32>} : memref<4x8192xf32, #tpu.memory_space<vmem>>, vector<16xf32>,
      %parallel_loop3A_393 = arith.subf %parallel_loop3A_392, %select_n3A_281 : vector<16xf32>
      %parallel_loop3A_394 = arith.constant 0.000000e+00 : f32
      %parallel_loop3A_395 = vector.broadcast %parallel_loop3A_394 : f32 to vector<16xf32>
      %parallel_loop3A_396 = arith.maximumf %parallel_loop3A_393, %parallel_loop3A_395 : vector<16xf32>
      %parallel_loop3A_397 = arith.constant 0 : i32
      %parallel_loop3A_398 = arith.addi %parallel_loop3A_386, %parallel_loop3A_397 : i32
      %parallel_loop3A_399 = arith.constant 2 : i32
      %parallel_loop3A_400 = arith.index_cast %parallel_loop3A_399 : i32 to index
      %parallel_loop3A_401 = arith.index_cast %parallel_loop3A_398 : i32 to index
      %parallel_loop3A_402 = tpu.vector_load %arg4[%parallel_loop3A_400, %parallel_loop3A_401] {strides = array<i32>} : memref<4x8192xf32, #tpu.memory_space<vmem>>, vector<16xf32>,
      tpu.vector_store %arg4[%parallel_loop3A_400, %parallel_loop3A_401], %parallel_loop3A_396 {strides = array<i32>} : memref<4x8192xf32, #tpu.memory_space<vmem>>, vector<16xf32>,
      %parallel_loop3A_403 = arith.constant 16 : i32
      %parallel_loop3A_404 = arith.addi %parallel_loop3A_386, %parallel_loop3A_403 : i32
      %parallel_loop3A_405 = arith.constant 2 : i32
      %parallel_loop3A_406 = arith.index_cast %parallel_loop3A_405 : i32 to index
      %parallel_loop3A_407 = arith.index_cast %parallel_loop3A_404 : i32 to index
      %parallel_loop3A_408 = tpu.vector_load %arg4[%parallel_loop3A_406, %parallel_loop3A_407] {strides = array<i32>} : memref<4x8192xf32, #tpu.memory_space<vmem>>, vector<16xf32>,
      %parallel_loop3A_409 = arith.subf %parallel_loop3A_408, %select_n3A_281 : vector<16xf32>
      %parallel_loop3A_410 = arith.constant 0.000000e+00 : f32
      %parallel_loop3A_411 = vector.broadcast %parallel_loop3A_410 : f32 to vector<16xf32>
      %parallel_loop3A_412 = arith.maximumf %parallel_loop3A_409, %parallel_loop3A_411 : vector<16xf32>
      %parallel_loop3A_413 = arith.constant 16 : i32
      %parallel_loop3A_414 = arith.addi %parallel_loop3A_386, %parallel_loop3A_413 : i32
      %parallel_loop3A_415 = arith.constant 2 : i32
      %parallel_loop3A_416 = arith.index_cast %parallel_loop3A_415 : i32 to index
      %parallel_loop3A_417 = arith.index_cast %parallel_loop3A_414 : i32 to index
      %parallel_loop3A_418 = tpu.vector_load %arg4[%parallel_loop3A_416, %parallel_loop3A_417] {strides = array<i32>} : memref<4x8192xf32, #tpu.memory_space<vmem>>, vector<16xf32>,
      tpu.vector_store %arg4[%parallel_loop3A_416, %parallel_loop3A_417], %parallel_loop3A_412 {strides = array<i32>} : memref<4x8192xf32, #tpu.memory_space<vmem>>, vector<16xf32>,
      %parallel_loop3A_419 = arith.constant 32 : i32
      %parallel_loop3A_420 = arith.addi %parallel_loop3A_386, %parallel_loop3A_419 : i32
      %parallel_loop3A_421 = arith.constant 2 : i32
      %parallel_loop3A_422 = arith.index_cast %parallel_loop3A_421 : i32 to index
      %parallel_loop3A_423 = arith.index_cast %parallel_loop3A_420 : i32 to index
      %parallel_loop3A_424 = tpu.vector_load %arg4[%parallel_loop3A_422, %parallel_loop3A_423] {strides = array<i32>} : memref<4x8192xf32, #tpu.memory_space<vmem>>, vector<16xf32>,
      %parallel_loop3A_425 = arith.subf %parallel_loop3A_424, %select_n3A_281 : vector<16xf32>
      %parallel_loop3A_426 = arith.constant 0.000000e+00 : f32
      %parallel_loop3A_427 = vector.broadcast %parallel_loop3A_426 : f32 to vector<16xf32>
      %parallel_loop3A_428 = arith.maximumf %parallel_loop3A_425, %parallel_loop3A_427 : vector<16xf32>
      %parallel_loop3A_429 = arith.constant 32 : i32
      %parallel_loop3A_430 = arith.addi %parallel_loop3A_386, %parallel_loop3A_429 : i32
      %parallel_loop3A_431 = arith.constant 2 : i32
      %parallel_loop3A_432 = arith.index_cast %parallel_loop3A_431 : i32 to index
      %parallel_loop3A_433 = arith.index_cast %parallel_loop3A_430 : i32 to index
      %parallel_loop3A_434 = tpu.vector_load %arg4[%parallel_loop3A_432, %parallel_loop3A_433] {strides = array<i32>} : memref<4x8192xf32, #tpu.memory_space<vmem>>, vector<16xf32>,
      tpu.vector_store %arg4[%parallel_loop3A_432, %parallel_loop3A_433], %parallel_loop3A_428 {strides = array<i32>} : memref<4x8192xf32, #tpu.memory_space<vmem>>, vector<16xf32>,
      %parallel_loop3A_435 = arith.constant 48 : i32
      %parallel_loop3A_436 = arith.addi %parallel_loop3A_386, %parallel_loop3A_435 : i32
      %parallel_loop3A_437 = arith.constant 2 : i32
      %parallel_loop3A_438 = arith.index_cast %parallel_loop3A_437 : i32 to index
      %parallel_loop3A_439 = arith.index_cast %parallel_loop3A_436 : i32 to index
      %parallel_loop3A_440 = tpu.vector_load %arg4[%parallel_loop3A_438, %parallel_loop3A_439] {strides = array<i32>} : memref<4x8192xf32, #tpu.memory_space<vmem>>, vector<16xf32>,
      %parallel_loop3A_441 = arith.subf %parallel_loop3A_440, %select_n3A_281 : vector<16xf32>
      %parallel_loop3A_442 = arith.constant 0.000000e+00 : f32
      %parallel_loop3A_443 = vector.broadcast %parallel_loop3A_442 : f32 to vector<16xf32>
      %parallel_loop3A_444 = arith.maximumf %parallel_loop3A_441, %parallel_loop3A_443 : vector<16xf32>
      %parallel_loop3A_445 = arith.constant 48 : i32
      %parallel_loop3A_446 = arith.addi %parallel_loop3A_386, %parallel_loop3A_445 : i32
      %parallel_loop3A_447 = arith.constant 2 : i32
      %parallel_loop3A_448 = arith.index_cast %parallel_loop3A_447 : i32 to index
      %parallel_loop3A_449 = arith.index_cast %parallel_loop3A_446 : i32 to index
      %parallel_loop3A_450 = tpu.vector_load %arg4[%parallel_loop3A_448, %parallel_loop3A_449] {strides = array<i32>} : memref<4x8192xf32, #tpu.memory_space<vmem>>, vector<16xf32>,
      tpu.vector_store %arg4[%parallel_loop3A_448, %parallel_loop3A_449], %parallel_loop3A_444 {strides = array<i32>} : memref<4x8192xf32, #tpu.memory_space<vmem>>, vector<16xf32>,
    } {sc.loop_unroll_factor = 2 : i64, sc.parallel_access}
    %broadcast_in_dim3A_285 = arith.constant 0xFF800000 : f32
    %broadcast_in_dim3A_286 = vector.broadcast %broadcast_in_dim3A_285 : f32 to vector<16xf32>
    %parallel_loop3A_287 = arith.constant 0 : i32
    %parallel_loop3A_288 = arith.constant 8192 : i32
    %parallel_loop3A_289 = arith.constant 64 : i32
    %parallel_loop3A_290:2 = scf.for %parallel_loop3A_386 = %parallel_loop3A_287 to %parallel_loop3A_288 step %parallel_loop3A_289 iter_args(%parallel_loop3A_387 = %broadcast_in_dim3A_286, %parallel_loop3A_388 = %broadcast_in_dim3A_286) -> (vector<16xf32>, vector<16xf32>)  : i32 {
      %parallel_loop3A_389 = arith.constant 0 : i32
      %parallel_loop3A_390 = arith.addi %parallel_loop3A_386, %parallel_loop3A_389 : i32
      %parallel_loop3A_391 = arith.constant 3 : i32
      %parallel_loop3A_392 = arith.index_cast %parallel_loop3A_391 : i32 to index
      %parallel_loop3A_393 = arith.index_cast %parallel_loop3A_390 : i32 to index
      %parallel_loop3A_394 = tpu.vector_load %arg4[%parallel_loop3A_392, %parallel_loop3A_393] {strides = array<i32>} : memref<4x8192xf32, #tpu.memory_space<vmem>>, vector<16xf32>,
      %parallel_loop3A_395 = arith.constant 16 : i32
      %parallel_loop3A_396 = arith.addi %parallel_loop3A_386, %parallel_loop3A_395 : i32
      %parallel_loop3A_397 = arith.constant 3 : i32
      %parallel_loop3A_398 = arith.index_cast %parallel_loop3A_397 : i32 to index
      %parallel_loop3A_399 = arith.index_cast %parallel_loop3A_396 : i32 to index
      %parallel_loop3A_400 = tpu.vector_load %arg4[%parallel_loop3A_398, %parallel_loop3A_399] {strides = array<i32>} : memref<4x8192xf32, #tpu.memory_space<vmem>>, vector<16xf32>,
      %parallel_loop3A_401 = arith.constant 32 : i32
      %parallel_loop3A_402 = arith.addi %parallel_loop3A_386, %parallel_loop3A_401 : i32
      %parallel_loop3A_403 = arith.constant 3 : i32
      %parallel_loop3A_404 = arith.index_cast %parallel_loop3A_403 : i32 to index
      %parallel_loop3A_405 = arith.index_cast %parallel_loop3A_402 : i32 to index
      %parallel_loop3A_406 = tpu.vector_load %arg4[%parallel_loop3A_404, %parallel_loop3A_405] {strides = array<i32>} : memref<4x8192xf32, #tpu.memory_space<vmem>>, vector<16xf32>,
      %parallel_loop3A_407 = arith.constant 48 : i32
      %parallel_loop3A_408 = arith.addi %parallel_loop3A_386, %parallel_loop3A_407 : i32
      %parallel_loop3A_409 = arith.constant 3 : i32
      %parallel_loop3A_410 = arith.index_cast %parallel_loop3A_409 : i32 to index
      %parallel_loop3A_411 = arith.index_cast %parallel_loop3A_408 : i32 to index
      %parallel_loop3A_412 = tpu.vector_load %arg4[%parallel_loop3A_410, %parallel_loop3A_411] {strides = array<i32>} : memref<4x8192xf32, #tpu.memory_space<vmem>>, vector<16xf32>,
      %parallel_loop3A_413 = arith.maximumf %parallel_loop3A_394, %parallel_loop3A_400 : vector<16xf32>
      %parallel_loop3A_414 = arith.maximumf %parallel_loop3A_387, %parallel_loop3A_413 : vector<16xf32>
      %parallel_loop3A_415 = arith.maximumf %parallel_loop3A_406, %parallel_loop3A_412 : vector<16xf32>
      %parallel_loop3A_416 = arith.maximumf %parallel_loop3A_388, %parallel_loop3A_415 : vector<16xf32>
      scf.yield %parallel_loop3A_414, %parallel_loop3A_416 : vector<16xf32>, vector<16xf32>
    } {sc.loop_unroll_factor = 2 : i64, sc.parallel_access}
    %max3A_291 = arith.maximumf %parallel_loop3A_290#0, %parallel_loop3A_290#1 : vector<16xf32>
    %reduce_max3A_292 = arith.constant true
    %reduce_max3A_293 = vector.broadcast %reduce_max3A_292 : i1 to vector<16xi1>
    %reduce_max3A_294 = tpu.scan <max>, %max3A_291 masked %reduce_max3A_293 : vector<16xf32>, vector<16xi1> -> vector<16xf32>
    %reduce_max3A_295 = vector.extract %reduce_max3A_294[15] : f32 from vector<16xf32>
    %broadcast_in_dim3A_296 = vector.broadcast %reduce_max3A_295 : f32 to vector<16xf32>
    %sub3A_297 = arith.constant 1.000000e+00 : f32
    %sub3A_298 = vector.broadcast %sub3A_297 : f32 to vector<16xf32>
    %sub3A_299 = arith.subf %broadcast_in_dim3A_296, %sub3A_298 : vector<16xf32>
    %iota3A_300 = tpu.iota {dimensions = array<i32: 0>} : vector<16xi32>
    %broadcast_in_dim3A_301 = arith.constant 0 : i32
    %broadcast_in_dim3A_302 = vector.broadcast %broadcast_in_dim3A_301 : i32 to vector<16xi32>
    %scan3A_303 = arith.constant 0 : i32
    %scan3A_304 = arith.constant 128 : i32
    %scan3A_305 = arith.addi %scan3A_303, %scan3A_304 : i32
    %scan3A_306 = arith.constant 1 : i32
    %scan3A_307 = scf.for %scan3A_386 = %scan3A_303 to %scan3A_305 step %scan3A_306 iter_args(%scan3A_387 = %broadcast_in_dim3A_302) -> (vector<16xi32>)  : i32 {
      %mul3A_388 = arith.constant 64 : i32
      %mul3A_389 = arith.muli %scan3A_386, %mul3A_388 : i32
      %add3A_390 = arith.constant 0 : i32
      %add3A_391 = arith.addi %mul3A_389, %add3A_390 : i32
      %get3A_392 = arith.constant 3 : i32
      %get3A_393 = arith.index_cast %get3A_392 : i32 to index
      %get3A_394 = arith.index_cast %add3A_391 : i32 to index
      %get3A_395 = tpu.vector_load %arg4[%get3A_393, %get3A_394] {strides = array<i32>} : memref<4x8192xf32, #tpu.memory_space<vmem>>, vector<16xf32>,
      %gt3A_396 = arith.cmpf ogt, %get3A_395, %sub3A_299 : vector<16xf32>
      %all_reduce_population_count3A_397 = tpu.all_reduce %gt3A_396 {dim = 0 : i64, kind = #tpu.reduction_kind<sum>} : vector<16xi1> -> vector<16xi32>
      %add3A_398 = arith.addi %scan3A_387, %iota3A_300 : vector<16xi32>
      %jit3A_399 = arith.constant 0xFF800000 : f32
      %broadcast_in_dim3A_400 = vector.broadcast %jit3A_399 : f32 to vector<16xf32>
      %select_n3A_401 = arith.select %gt3A_396, %get3A_395, %broadcast_in_dim3A_400 : vector<16xi1>, vector<16xf32>
      tpu.vector_store_idx %arg5[%add3A_398], %select_n3A_401 : memref<8192xf32, #tpu.memory_space<vmem>>[vector<16xi32>], vector<16xf32>,
      %gt3A_402 = arith.constant 0 : i32
      %gt3A_403 = vector.broadcast %gt3A_402 : i32 to vector<16xi32>
      %gt3A_404 = arith.cmpi sgt, %all_reduce_population_count3A_397, %gt3A_403 : vector<16xi32>
      %jit3A_405 = arith.constant 16 : i32
      %jit3A_406 = arith.constant 0 : i32
      %broadcast_in_dim3A_407 = vector.broadcast %jit3A_405 : i32 to vector<16xi32>
      %broadcast_in_dim3A_408 = vector.broadcast %jit3A_406 : i32 to vector<16xi32>
      %select_n3A_409 = arith.select %gt3A_404, %broadcast_in_dim3A_407, %broadcast_in_dim3A_408 : vector<16xi1>, vector<16xi32>
      %add3A_410 = arith.addi %scan3A_387, %select_n3A_409 : vector<16xi32>
      %add3A_411 = arith.constant 16 : i32
      %add3A_412 = arith.addi %mul3A_389, %add3A_411 : i32
      %get3A_413 = arith.constant 3 : i32
      %get3A_414 = arith.index_cast %get3A_413 : i32 to index
      %get3A_415 = arith.index_cast %add3A_412 : i32 to index
      %get3A_416 = tpu.vector_load %arg4[%get3A_414, %get3A_415] {strides = array<i32>} : memref<4x8192xf32, #tpu.memory_space<vmem>>, vector<16xf32>,
      %gt3A_417 = arith.cmpf ogt, %get3A_416, %sub3A_299 : vector<16xf32>
      %all_reduce_population_count3A_418 = tpu.all_reduce %gt3A_417 {dim = 0 : i64, kind = #tpu.reduction_kind<sum>} : vector<16xi1> -> vector<16xi32>
      %add3A_419 = arith.addi %add3A_410, %iota3A_300 : vector<16xi32>
      %jit3A_420 = arith.constant 0xFF800000 : f32
      %broadcast_in_dim3A_421 = vector.broadcast %jit3A_420 : f32 to vector<16xf32>
      %select_n3A_422 = arith.select %gt3A_417, %get3A_416, %broadcast_in_dim3A_421 : vector<16xi1>, vector<16xf32>
      tpu.vector_store_idx %arg5[%add3A_419], %select_n3A_422 : memref<8192xf32, #tpu.memory_space<vmem>>[vector<16xi32>], vector<16xf32>,
      %gt3A_423 = arith.constant 0 : i32
      %gt3A_424 = vector.broadcast %gt3A_423 : i32 to vector<16xi32>
      %gt3A_425 = arith.cmpi sgt, %all_reduce_population_count3A_418, %gt3A_424 : vector<16xi32>
      %jit3A_426 = arith.constant 16 : i32
      %jit3A_427 = arith.constant 0 : i32
      %broadcast_in_dim3A_428 = vector.broadcast %jit3A_426 : i32 to vector<16xi32>
      %broadcast_in_dim3A_429 = vector.broadcast %jit3A_427 : i32 to vector<16xi32>
      %select_n3A_430 = arith.select %gt3A_425, %broadcast_in_dim3A_428, %broadcast_in_dim3A_429 : vector<16xi1>, vector<16xi32>
      %add3A_431 = arith.addi %add3A_410, %select_n3A_430 : vector<16xi32>
      %add3A_432 = arith.constant 32 : i32
      %add3A_433 = arith.addi %mul3A_389, %add3A_432 : i32
      %get3A_434 = arith.constant 3 : i32
      %get3A_435 = arith.index_cast %get3A_434 : i32 to index
      %get3A_436 = arith.index_cast %add3A_433 : i32 to index
      %get3A_437 = tpu.vector_load %arg4[%get3A_435, %get3A_436] {strides = array<i32>} : memref<4x8192xf32, #tpu.memory_space<vmem>>, vector<16xf32>,
      %gt3A_438 = arith.cmpf ogt, %get3A_437, %sub3A_299 : vector<16xf32>
      %all_reduce_population_count3A_439 = tpu.all_reduce %gt3A_438 {dim = 0 : i64, kind = #tpu.reduction_kind<sum>} : vector<16xi1> -> vector<16xi32>
      %add3A_440 = arith.addi %add3A_431, %iota3A_300 : vector<16xi32>
      %jit3A_441 = arith.constant 0xFF800000 : f32
      %broadcast_in_dim3A_442 = vector.broadcast %jit3A_441 : f32 to vector<16xf32>
      %select_n3A_443 = arith.select %gt3A_438, %get3A_437, %broadcast_in_dim3A_442 : vector<16xi1>, vector<16xf32>
      tpu.vector_store_idx %arg5[%add3A_440], %select_n3A_443 : memref<8192xf32, #tpu.memory_space<vmem>>[vector<16xi32>], vector<16xf32>,
      %gt3A_444 = arith.constant 0 : i32
      %gt3A_445 = vector.broadcast %gt3A_444 : i32 to vector<16xi32>
      %gt3A_446 = arith.cmpi sgt, %all_reduce_population_count3A_439, %gt3A_445 : vector<16xi32>
      %jit3A_447 = arith.constant 16 : i32
      %jit3A_448 = arith.constant 0 : i32
      %broadcast_in_dim3A_449 = vector.broadcast %jit3A_447 : i32 to vector<16xi32>
      %broadcast_in_dim3A_450 = vector.broadcast %jit3A_448 : i32 to vector<16xi32>
      %select_n3A_451 = arith.select %gt3A_446, %broadcast_in_dim3A_449, %broadcast_in_dim3A_450 : vector<16xi1>, vector<16xi32>
      %add3A_452 = arith.addi %add3A_431, %select_n3A_451 : vector<16xi32>
      %add3A_453 = arith.constant 48 : i32
      %add3A_454 = arith.addi %mul3A_389, %add3A_453 : i32
      %get3A_455 = arith.constant 3 : i32
      %get3A_456 = arith.index_cast %get3A_455 : i32 to index
      %get3A_457 = arith.index_cast %add3A_454 : i32 to index
      %get3A_458 = tpu.vector_load %arg4[%get3A_456, %get3A_457] {strides = array<i32>} : memref<4x8192xf32, #tpu.memory_space<vmem>>, vector<16xf32>,
      %gt3A_459 = arith.cmpf ogt, %get3A_458, %sub3A_299 : vector<16xf32>
      %all_reduce_population_count3A_460 = tpu.all_reduce %gt3A_459 {dim = 0 : i64, kind = #tpu.reduction_kind<sum>} : vector<16xi1> -> vector<16xi32>
      %add3A_461 = arith.addi %add3A_452, %iota3A_300 : vector<16xi32>
      %jit3A_462 = arith.constant 0xFF800000 : f32
      %broadcast_in_dim3A_463 = vector.broadcast %jit3A_462 : f32 to vector<16xf32>
      %select_n3A_464 = arith.select %gt3A_459, %get3A_458, %broadcast_in_dim3A_463 : vector<16xi1>, vector<16xf32>
      tpu.vector_store_idx %arg5[%add3A_461], %select_n3A_464 : memref<8192xf32, #tpu.memory_space<vmem>>[vector<16xi32>], vector<16xf32>,
      %gt3A_465 = arith.constant 0 : i32
      %gt3A_466 = vector.broadcast %gt3A_465 : i32 to vector<16xi32>
      %gt3A_467 = arith.cmpi sgt, %all_reduce_population_count3A_460, %gt3A_466 : vector<16xi32>
      %jit3A_468 = arith.constant 16 : i32
      %jit3A_469 = arith.constant 0 : i32
      %broadcast_in_dim3A_470 = vector.broadcast %jit3A_468 : i32 to vector<16xi32>
      %broadcast_in_dim3A_471 = vector.broadcast %jit3A_469 : i32 to vector<16xi32>
      %select_n3A_472 = arith.select %gt3A_467, %broadcast_in_dim3A_470, %broadcast_in_dim3A_471 : vector<16xi1>, vector<16xi32>
      %add3A_473 = arith.addi %add3A_452, %select_n3A_472 : vector<16xi32>
      scf.yield %add3A_473 : vector<16xi32>
    }
    %scan3A_308 = arith.constant 128 : i32
    %reduce_max3A_309 = arith.constant true
    %reduce_max3A_310 = vector.broadcast %reduce_max3A_309 : i1 to vector<16xi1>
    %reduce_max3A_311 = arith.constant -2147483648 : i32
    %reduce_max3A_312 = vector.broadcast %reduce_max3A_311 : i32 to vector<16xi32>
    %reduce_max3A_313 = arith.xori %scan3A_307, %reduce_max3A_312 : vector<16xi32>
    %reduce_max3A_314 = tpu.scan <max>, %reduce_max3A_313 masked %reduce_max3A_310 : vector<16xi32>, vector<16xi1> -> vector<16xi32>
    %reduce_max3A_315 = arith.xori %reduce_max3A_314, %reduce_max3A_312 : vector<16xi32>
    %reduce_max3A_316 = vector.extract %reduce_max3A_315[15] : i32 from vector<16xi32>
    %broadcast_in_dim3A_317 = arith.constant 8192 : i32
    %broadcast_in_dim3A_318 = vector.broadcast %broadcast_in_dim3A_317 : i32 to vector<16xi32>
    %broadcast_in_dim3A_319 = arith.constant -1 : i32
    %broadcast_in_dim3A_320 = vector.broadcast %broadcast_in_dim3A_319 : i32 to vector<16xi32>
    %while3A_321:4 = scf.while (%while3A_386 = %sub3A_299, %while3A_387 = %broadcast_in_dim3A_318, %while3A_388 = %broadcast_in_dim3A_320, %while3A_389 = %reduce_max3A_316) : (vector<16xf32>, vector<16xi32>, vector<16xi32>, i32) -> (vector<16xf32>, vector<16xi32>, vector<16xi32>, i32) {
      %ne3A = arith.cmpi ne, %while3A_387, %while3A_388 : vector<16xi32>
      %reduce_or3A = arith.constant 1.000000e+00 : f32
      %reduce_or3A_390 = arith.constant 0.000000e+00 : f32
      %reduce_or3A_391 = vector.broadcast %reduce_or3A : f32 to vector<16xf32>
      %reduce_or3A_392 = vector.broadcast %reduce_or3A_390 : f32 to vector<16xf32>
      %reduce_or3A_393 = arith.select %ne3A, %reduce_or3A_391, %reduce_or3A_392 : vector<16xi1>, vector<16xf32>
      %reduce_or3A_394 = arith.constant true
      %reduce_or3A_395 = vector.broadcast %reduce_or3A_394 : i1 to vector<16xi1>
      %reduce_or3A_396 = tpu.scan <max>, %reduce_or3A_393 masked %reduce_or3A_395 : vector<16xf32>, vector<16xi1> -> vector<16xf32>
      %reduce_or3A_397 = vector.extract %reduce_or3A_396[15] : f32 from vector<16xf32>
      %reduce_or3A_398 = arith.constant 0.000000e+00 : f32
      %reduce_or3A_399 = arith.cmpf ogt, %reduce_or3A_397, %reduce_or3A_398 : f32
      %gt3A_400 = arith.constant 16 : i32
      %gt3A_401 = vector.broadcast %gt3A_400 : i32 to vector<16xi32>
      %gt3A_402 = arith.cmpi sgt, %while3A_387, %gt3A_401 : vector<16xi32>
      %reduce_or3A_403 = arith.constant 1.000000e+00 : f32
      %reduce_or3A_404 = arith.constant 0.000000e+00 : f32
      %reduce_or3A_405 = vector.broadcast %reduce_or3A_403 : f32 to vector<16xf32>
      %reduce_or3A_406 = vector.broadcast %reduce_or3A_404 : f32 to vector<16xf32>
      %reduce_or3A_407 = arith.select %gt3A_402, %reduce_or3A_405, %reduce_or3A_406 : vector<16xi1>, vector<16xf32>
      %reduce_or3A_408 = arith.constant true
      %reduce_or3A_409 = vector.broadcast %reduce_or3A_408 : i1 to vector<16xi1>
      %reduce_or3A_410 = tpu.scan <max>, %reduce_or3A_407 masked %reduce_or3A_409 : vector<16xf32>, vector<16xi1> -> vector<16xf32>
      %reduce_or3A_411 = vector.extract %reduce_or3A_410[15] : f32 from vector<16xf32>
      %reduce_or3A_412 = arith.constant 0.000000e+00 : f32
      %reduce_or3A_413 = arith.cmpf ogt, %reduce_or3A_411, %reduce_or3A_412 : f32
      %and3A = arith.andi %reduce_or3A_399, %reduce_or3A_413 : i1
      scf.condition(%and3A) %while3A_386, %while3A_387, %while3A_388, %while3A_389 : vector<16xf32>, vector<16xi32>, vector<16xi32>, i32
    } do {
    ^bb0(%while3A_386: vector<16xf32>, %while3A_387: vector<16xi32>, %while3A_388: vector<16xi32>, %while3A_389: i32):
      %shift_right_logical3A_390 = arith.constant 4 : i32
      %shift_right_logical3A_391 = arith.shrui %while3A_389, %shift_right_logical3A_390 : i32
      %iota3A_392 = tpu.iota {dimensions = array<i32: 0>} : vector<16xi32>
      %broadcast_in_dim3A_393 = arith.constant 0 : i32
      %broadcast_in_dim3A_394 = vector.broadcast %broadcast_in_dim3A_393 : i32 to vector<16xi32>
      %broadcast_in_dim3A_395 = arith.constant 0.000000e+00 : f32
      %broadcast_in_dim3A_396 = vector.broadcast %broadcast_in_dim3A_395 : f32 to vector<16xf32>
      %broadcast_in_dim3A_397 = arith.constant 0 : i32
      %broadcast_in_dim3A_398 = vector.broadcast %broadcast_in_dim3A_397 : i32 to vector<16xi32>
      %while3A_399 = arith.constant 0 : i32
      %while3A_400 = arith.subi %shift_right_logical3A_391, %while3A_399 : i32
      %while3A_401 = arith.addi %while3A_399, %while3A_400 : i32
      %while3A_402 = arith.constant 1 : i32
      %while3A_403 = arith.divsi %while3A_400, %while3A_402 : i32
      %while3A_404 = arith.muli %while3A_403, %while3A_402 : i32
      %while3A_405 = arith.addi %while3A_399, %while3A_404 : i32
      %while3A_406 = arith.constant 1 : i32
      %while3A_407:3 = scf.for %while3A_466 = %while3A_399 to %while3A_405 step %while3A_406 iter_args(%while3A_467 = %broadcast_in_dim3A_394, %while3A_468 = %broadcast_in_dim3A_396, %while3A_469 = %broadcast_in_dim3A_398) -> (vector<16xi32>, vector<16xf32>, vector<16xi32>)  : i32 {
        %mul3A_470 = arith.constant 16 : i32
        %mul3A_471 = arith.muli %while3A_466, %mul3A_470 : i32
        %get3A_472 = arith.index_cast %mul3A_471 : i32 to index
        %get3A_473 = tpu.vector_load %arg5[%get3A_472] {strides = array<i32>} : memref<8192xf32, #tpu.memory_space<vmem>>, vector<16xf32>,
        %gt3A_474 = arith.cmpf ogt, %get3A_473, %while3A_386 : vector<16xf32>
        %jit3A_475 = arith.constant 0.000000e+00 : f32
        %broadcast_in_dim3A_476 = vector.broadcast %jit3A_475 : f32 to vector<16xf32>
        %select_n3A_477 = arith.select %gt3A_474, %get3A_473, %broadcast_in_dim3A_476 : vector<16xi1>, vector<16xf32>
        %add3A_478 = arith.addf %while3A_468, %select_n3A_477 : vector<16xf32>
        %all_reduce_population_count3A_479 = tpu.all_reduce %gt3A_474 {dim = 0 : i64, kind = #tpu.reduction_kind<sum>} : vector<16xi1> -> vector<16xi32>
        %add3A_480 = arith.addi %while3A_469, %all_reduce_population_count3A_479 : vector<16xi32>
        %add3A_481 = arith.addi %while3A_467, %iota3A_392 : vector<16xi32>
        %jit3A_482 = arith.constant 0xFF800000 : f32
        %broadcast_in_dim3A_483 = vector.broadcast %jit3A_482 : f32 to vector<16xf32>
        %select_n3A_484 = arith.select %gt3A_474, %get3A_473, %broadcast_in_dim3A_483 : vector<16xi1>, vector<16xf32>
        tpu.vector_store_idx %arg6[%add3A_481], %select_n3A_484 : memref<8192xf32, #tpu.memory_space<vmem>>[vector<16xi32>], vector<16xf32>,
        %gt3A_485 = arith.constant 0 : i32
        %gt3A_486 = vector.broadcast %gt3A_485 : i32 to vector<16xi32>
        %gt3A_487 = arith.cmpi sgt, %all_reduce_population_count3A_479, %gt3A_486 : vector<16xi32>
        %jit3A_488 = arith.constant 16 : i32
        %jit3A_489 = arith.constant 0 : i32
        %broadcast_in_dim3A_490 = vector.broadcast %jit3A_488 : i32 to vector<16xi32>
        %broadcast_in_dim3A_491 = vector.broadcast %jit3A_489 : i32 to vector<16xi32>
        %select_n3A_492 = arith.select %gt3A_487, %broadcast_in_dim3A_490, %broadcast_in_dim3A_491 : vector<16xi1>, vector<16xi32>
        %add3A_493 = arith.addi %while3A_467, %select_n3A_492 : vector<16xi32>
        scf.yield %add3A_493, %add3A_478, %add3A_480 : vector<16xi32>, vector<16xf32>, vector<16xi32>
      }
      %while3A_408 = arith.constant 1 : i32
      %while3A_409:3 = scf.for %while3A_466 = %while3A_405 to %while3A_401 step %while3A_408 iter_args(%while3A_467 = %while3A_407#0, %while3A_468 = %while3A_407#1, %while3A_469 = %while3A_407#2) -> (vector<16xi32>, vector<16xf32>, vector<16xi32>)  : i32 {
        %mul3A_470 = arith.constant 16 : i32
        %mul3A_471 = arith.muli %while3A_466, %mul3A_470 : i32
        %get3A_472 = arith.index_cast %mul3A_471 : i32 to index
        %get3A_473 = tpu.vector_load %arg5[%get3A_472] {strides = array<i32>} : memref<8192xf32, #tpu.memory_space<vmem>>, vector<16xf32>,
        %gt3A_474 = arith.cmpf ogt, %get3A_473, %while3A_386 : vector<16xf32>
        %jit3A_475 = arith.constant 0.000000e+00 : f32
        %broadcast_in_dim3A_476 = vector.broadcast %jit3A_475 : f32 to vector<16xf32>
        %select_n3A_477 = arith.select %gt3A_474, %get3A_473, %broadcast_in_dim3A_476 : vector<16xi1>, vector<16xf32>
        %add3A_478 = arith.addf %while3A_468, %select_n3A_477 : vector<16xf32>
        %all_reduce_population_count3A_479 = tpu.all_reduce %gt3A_474 {dim = 0 : i64, kind = #tpu.reduction_kind<sum>} : vector<16xi1> -> vector<16xi32>
        %add3A_480 = arith.addi %while3A_469, %all_reduce_population_count3A_479 : vector<16xi32>
        %add3A_481 = arith.addi %while3A_467, %iota3A_392 : vector<16xi32>
        %jit3A_482 = arith.constant 0xFF800000 : f32
        %broadcast_in_dim3A_483 = vector.broadcast %jit3A_482 : f32 to vector<16xf32>
        %select_n3A_484 = arith.select %gt3A_474, %get3A_473, %broadcast_in_dim3A_483 : vector<16xi1>, vector<16xf32>
        tpu.vector_store_idx %arg6[%add3A_481], %select_n3A_484 : memref<8192xf32, #tpu.memory_space<vmem>>[vector<16xi32>], vector<16xf32>,
        %gt3A_485 = arith.constant 0 : i32
        %gt3A_486 = vector.broadcast %gt3A_485 : i32 to vector<16xi32>
        %gt3A_487 = arith.cmpi sgt, %all_reduce_population_count3A_479, %gt3A_486 : vector<16xi32>
        %jit3A_488 = arith.constant 16 : i32
        %jit3A_489 = arith.constant 0 : i32
        %broadcast_in_dim3A_490 = vector.broadcast %jit3A_488 : i32 to vector<16xi32>
        %broadcast_in_dim3A_491 = vector.broadcast %jit3A_489 : i32 to vector<16xi32>
        %select_n3A_492 = arith.select %gt3A_487, %broadcast_in_dim3A_490, %broadcast_in_dim3A_491 : vector<16xi1>, vector<16xi32>
        %add3A_493 = arith.addi %while3A_467, %select_n3A_492 : vector<16xi32>
        scf.yield %add3A_493, %add3A_478, %add3A_480 : vector<16xi32>, vector<16xf32>, vector<16xi32>
      }
      %reduce_max3A_410 = arith.constant true
      %reduce_max3A_411 = vector.broadcast %reduce_max3A_410 : i1 to vector<16xi1>
      %reduce_max3A_412 = arith.constant -2147483648 : i32
      %reduce_max3A_413 = vector.broadcast %reduce_max3A_412 : i32 to vector<16xi32>
      %reduce_max3A_414 = arith.xori %while3A_409#0, %reduce_max3A_413 : vector<16xi32>
      %reduce_max3A_415 = tpu.scan <max>, %reduce_max3A_414 masked %reduce_max3A_411 : vector<16xi32>, vector<16xi1> -> vector<16xi32>
      %reduce_max3A_416 = arith.xori %reduce_max3A_415, %reduce_max3A_413 : vector<16xi32>
      %reduce_max3A_417 = vector.extract %reduce_max3A_416[15] : i32 from vector<16xi32>
      %reduce_sum3A_418 = arith.constant true
      %reduce_sum3A_419 = vector.broadcast %reduce_sum3A_418 : i1 to vector<16xi1>
      %reduce_sum3A_420 = tpu.scan <sum>, %while3A_409#1 masked %reduce_sum3A_419 : vector<16xf32>, vector<16xi1> -> vector<16xf32>
      %reduce_sum3A_421 = vector.extract %reduce_sum3A_420[15] : f32 from vector<16xf32>
      %broadcast_in_dim3A_422 = vector.broadcast %reduce_sum3A_421 : f32 to vector<16xf32>
      %sub3A_423 = arith.constant 1.000000e+00 : f32
      %sub3A_424 = vector.broadcast %sub3A_423 : f32 to vector<16xf32>
      %sub3A_425 = arith.subf %broadcast_in_dim3A_422, %sub3A_424 : vector<16xf32>
      %convert_element_type3A_426 = arith.sitofp %while3A_409#2 : vector<16xi32> to vector<16xf32>
      %div3A_427 = arith.divf %sub3A_425, %convert_element_type3A_426 : vector<16xf32>
      %shift_right_logical3A_428 = arith.constant 4 : i32
      %shift_right_logical3A_429 = arith.shrui %reduce_max3A_417, %shift_right_logical3A_428 : i32
      %iota3A_430 = tpu.iota {dimensions = array<i32: 0>} : vector<16xi32>
      %broadcast_in_dim3A_431 = arith.constant 0 : i32
      %broadcast_in_dim3A_432 = vector.broadcast %broadcast_in_dim3A_431 : i32 to vector<16xi32>
      %broadcast_in_dim3A_433 = arith.constant 0.000000e+00 : f32
      %broadcast_in_dim3A_434 = vector.broadcast %broadcast_in_dim3A_433 : f32 to vector<16xf32>
      %broadcast_in_dim3A_435 = arith.constant 0 : i32
      %broadcast_in_dim3A_436 = vector.broadcast %broadcast_in_dim3A_435 : i32 to vector<16xi32>
      %while3A_437 = arith.constant 0 : i32
      %while3A_438 = arith.subi %shift_right_logical3A_429, %while3A_437 : i32
      %while3A_439 = arith.addi %while3A_437, %while3A_438 : i32
      %while3A_440 = arith.constant 1 : i32
      %while3A_441 = arith.divsi %while3A_438, %while3A_440 : i32
      %while3A_442 = arith.muli %while3A_441, %while3A_440 : i32
      %while3A_443 = arith.addi %while3A_437, %while3A_442 : i32
      %while3A_444 = arith.constant 1 : i32
      %while3A_445:3 = scf.for %while3A_466 = %while3A_437 to %while3A_443 step %while3A_444 iter_args(%while3A_467 = %broadcast_in_dim3A_432, %while3A_468 = %broadcast_in_dim3A_434, %while3A_469 = %broadcast_in_dim3A_436) -> (vector<16xi32>, vector<16xf32>, vector<16xi32>)  : i32 {
        %mul3A_470 = arith.constant 16 : i32
        %mul3A_471 = arith.muli %while3A_466, %mul3A_470 : i32
        %get3A_472 = arith.index_cast %mul3A_471 : i32 to index
        %get3A_473 = tpu.vector_load %arg6[%get3A_472] {strides = array<i32>} : memref<8192xf32, #tpu.memory_space<vmem>>, vector<16xf32>,
        %gt3A_474 = arith.cmpf ogt, %get3A_473, %div3A_427 : vector<16xf32>
        %jit3A_475 = arith.constant 0.000000e+00 : f32
        %broadcast_in_dim3A_476 = vector.broadcast %jit3A_475 : f32 to vector<16xf32>
        %select_n3A_477 = arith.select %gt3A_474, %get3A_473, %broadcast_in_dim3A_476 : vector<16xi1>, vector<16xf32>
        %add3A_478 = arith.addf %while3A_468, %select_n3A_477 : vector<16xf32>
        %all_reduce_population_count3A_479 = tpu.all_reduce %gt3A_474 {dim = 0 : i64, kind = #tpu.reduction_kind<sum>} : vector<16xi1> -> vector<16xi32>
        %add3A_480 = arith.addi %while3A_469, %all_reduce_population_count3A_479 : vector<16xi32>
        %add3A_481 = arith.addi %while3A_467, %iota3A_430 : vector<16xi32>
        %jit3A_482 = arith.constant 0xFF800000 : f32
        %broadcast_in_dim3A_483 = vector.broadcast %jit3A_482 : f32 to vector<16xf32>
        %select_n3A_484 = arith.select %gt3A_474, %get3A_473, %broadcast_in_dim3A_483 : vector<16xi1>, vector<16xf32>
        tpu.vector_store_idx %arg5[%add3A_481], %select_n3A_484 : memref<8192xf32, #tpu.memory_space<vmem>>[vector<16xi32>], vector<16xf32>,
        %gt3A_485 = arith.constant 0 : i32
        %gt3A_486 = vector.broadcast %gt3A_485 : i32 to vector<16xi32>
        %gt3A_487 = arith.cmpi sgt, %all_reduce_population_count3A_479, %gt3A_486 : vector<16xi32>
        %jit3A_488 = arith.constant 16 : i32
        %jit3A_489 = arith.constant 0 : i32
        %broadcast_in_dim3A_490 = vector.broadcast %jit3A_488 : i32 to vector<16xi32>
        %broadcast_in_dim3A_491 = vector.broadcast %jit3A_489 : i32 to vector<16xi32>
        %select_n3A_492 = arith.select %gt3A_487, %broadcast_in_dim3A_490, %broadcast_in_dim3A_491 : vector<16xi1>, vector<16xi32>
        %add3A_493 = arith.addi %while3A_467, %select_n3A_492 : vector<16xi32>
        scf.yield %add3A_493, %add3A_478, %add3A_480 : vector<16xi32>, vector<16xf32>, vector<16xi32>
      }
      %while3A_446 = arith.constant 1 : i32
      %while3A_447:3 = scf.for %while3A_466 = %while3A_443 to %while3A_439 step %while3A_446 iter_args(%while3A_467 = %while3A_445#0, %while3A_468 = %while3A_445#1, %while3A_469 = %while3A_445#2) -> (vector<16xi32>, vector<16xf32>, vector<16xi32>)  : i32 {
        %mul3A_470 = arith.constant 16 : i32
        %mul3A_471 = arith.muli %while3A_466, %mul3A_470 : i32
        %get3A_472 = arith.index_cast %mul3A_471 : i32 to index
        %get3A_473 = tpu.vector_load %arg6[%get3A_472] {strides = array<i32>} : memref<8192xf32, #tpu.memory_space<vmem>>, vector<16xf32>,
        %gt3A_474 = arith.cmpf ogt, %get3A_473, %div3A_427 : vector<16xf32>
        %jit3A_475 = arith.constant 0.000000e+00 : f32
        %broadcast_in_dim3A_476 = vector.broadcast %jit3A_475 : f32 to vector<16xf32>
        %select_n3A_477 = arith.select %gt3A_474, %get3A_473, %broadcast_in_dim3A_476 : vector<16xi1>, vector<16xf32>
        %add3A_478 = arith.addf %while3A_468, %select_n3A_477 : vector<16xf32>
        %all_reduce_population_count3A_479 = tpu.all_reduce %gt3A_474 {dim = 0 : i64, kind = #tpu.reduction_kind<sum>} : vector<16xi1> -> vector<16xi32>
        %add3A_480 = arith.addi %while3A_469, %all_reduce_population_count3A_479 : vector<16xi32>
        %add3A_481 = arith.addi %while3A_467, %iota3A_430 : vector<16xi32>
        %jit3A_482 = arith.constant 0xFF800000 : f32
        %broadcast_in_dim3A_483 = vector.broadcast %jit3A_482 : f32 to vector<16xf32>
        %select_n3A_484 = arith.select %gt3A_474, %get3A_473, %broadcast_in_dim3A_483 : vector<16xi1>, vector<16xf32>
        tpu.vector_store_idx %arg5[%add3A_481], %select_n3A_484 : memref<8192xf32, #tpu.memory_space<vmem>>[vector<16xi32>], vector<16xf32>,
        %gt3A_485 = arith.constant 0 : i32
        %gt3A_486 = vector.broadcast %gt3A_485 : i32 to vector<16xi32>
        %gt3A_487 = arith.cmpi sgt, %all_reduce_population_count3A_479, %gt3A_486 : vector<16xi32>
        %jit3A_488 = arith.constant 16 : i32
        %jit3A_489 = arith.constant 0 : i32
        %broadcast_in_dim3A_490 = vector.broadcast %jit3A_488 : i32 to vector<16xi32>
        %broadcast_in_dim3A_491 = vector.broadcast %jit3A_489 : i32 to vector<16xi32>
        %select_n3A_492 = arith.select %gt3A_487, %broadcast_in_dim3A_490, %broadcast_in_dim3A_491 : vector<16xi1>, vector<16xi32>
        %add3A_493 = arith.addi %while3A_467, %select_n3A_492 : vector<16xi32>
        scf.yield %add3A_493, %add3A_478, %add3A_480 : vector<16xi32>, vector<16xf32>, vector<16xi32>
      }
      %reduce_max3A_448 = arith.constant true
      %reduce_max3A_449 = vector.broadcast %reduce_max3A_448 : i1 to vector<16xi1>
      %reduce_max3A_450 = arith.constant -2147483648 : i32
      %reduce_max3A_451 = vector.broadcast %reduce_max3A_450 : i32 to vector<16xi32>
      %reduce_max3A_452 = arith.xori %while3A_447#0, %reduce_max3A_451 : vector<16xi32>
      %reduce_max3A_453 = tpu.scan <max>, %reduce_max3A_452 masked %reduce_max3A_449 : vector<16xi32>, vector<16xi1> -> vector<16xi32>
      %reduce_max3A_454 = arith.xori %reduce_max3A_453, %reduce_max3A_451 : vector<16xi32>
      %reduce_max3A_455 = vector.extract %reduce_max3A_454[15] : i32 from vector<16xi32>
      %reduce_sum3A_456 = arith.constant true
      %reduce_sum3A_457 = vector.broadcast %reduce_sum3A_456 : i1 to vector<16xi1>
      %reduce_sum3A_458 = tpu.scan <sum>, %while3A_447#1 masked %reduce_sum3A_457 : vector<16xf32>, vector<16xi1> -> vector<16xf32>
      %reduce_sum3A_459 = vector.extract %reduce_sum3A_458[15] : f32 from vector<16xf32>
      %broadcast_in_dim3A_460 = vector.broadcast %reduce_sum3A_459 : f32 to vector<16xf32>
      %sub3A_461 = arith.constant 1.000000e+00 : f32
      %sub3A_462 = vector.broadcast %sub3A_461 : f32 to vector<16xf32>
      %sub3A_463 = arith.subf %broadcast_in_dim3A_460, %sub3A_462 : vector<16xf32>
      %convert_element_type3A_464 = arith.sitofp %while3A_447#2 : vector<16xi32> to vector<16xf32>
      %div3A_465 = arith.divf %sub3A_463, %convert_element_type3A_464 : vector<16xf32>
      scf.yield %div3A_465, %while3A_447#2, %while3A_409#2, %reduce_max3A_455 : vector<16xf32>, vector<16xi32>, vector<16xi32>, i32
    }
    %convert_element_type3A_322 = arith.sitofp %while3A_321#1 : vector<16xi32> to vector<16xf32>
    %div3A_323 = arith.constant 1.000000e+00 : f32
    %div3A_324 = vector.broadcast %div3A_323 : f32 to vector<16xf32>
    %div3A_325 = arith.divf %div3A_324, %convert_element_type3A_322 : vector<16xf32>
    %sub3A_326 = arith.subf %while3A_321#0, %div3A_325 : vector<16xf32>
    %iota3A_327 = tpu.iota {dimensions = array<i32: 0>} : vector<16xi32>
    %broadcast_in_dim3A_328 = arith.constant 0xFF800000 : f32
    %broadcast_in_dim3A_329 = vector.broadcast %broadcast_in_dim3A_328 : f32 to vector<16xf32>
    %swap3A_330 = arith.constant 0 : index
    %swap3A_331 = tpu.vector_load %arg6[%swap3A_330] {strides = array<i32>} : memref<8192xf32, #tpu.memory_space<vmem>>, vector<16xf32>,
    tpu.vector_store %arg6[%swap3A_330], %broadcast_in_dim3A_329 {strides = array<i32>} : memref<8192xf32, #tpu.memory_space<vmem>>, vector<16xf32>,
    %shift_right_logical3A_332 = arith.constant 4 : i32
    %shift_right_logical3A_333 = arith.shrui %while3A_321#3, %shift_right_logical3A_332 : i32
    %broadcast_in_dim3A_334 = arith.constant 0 : i32
    %broadcast_in_dim3A_335 = vector.broadcast %broadcast_in_dim3A_334 : i32 to vector<16xi32>
    %while3A_336 = arith.constant 0 : i32
    %while3A_337 = arith.subi %shift_right_logical3A_333, %while3A_336 : i32
    %while3A_338 = arith.addi %while3A_336, %while3A_337 : i32
    %while3A_339 = arith.constant 1 : i32
    %while3A_340 = arith.divsi %while3A_337, %while3A_339 : i32
    %while3A_341 = arith.muli %while3A_340, %while3A_339 : i32
    %while3A_342 = arith.addi %while3A_336, %while3A_341 : i32
    %while3A_343 = arith.constant 1 : i32
    %while3A_344 = scf.for %while3A_386 = %while3A_336 to %while3A_342 step %while3A_343 iter_args(%while3A_387 = %broadcast_in_dim3A_335) -> (vector<16xi32>)  : i32 {
      %mul3A_388 = arith.constant 16 : i32
      %mul3A_389 = arith.muli %while3A_386, %mul3A_388 : i32
      %get3A_390 = arith.index_cast %mul3A_389 : i32 to index
      %get3A_391 = tpu.vector_load %arg5[%get3A_390] {strides = array<i32>} : memref<8192xf32, #tpu.memory_space<vmem>>, vector<16xf32>,
      %gt3A_392 = arith.constant 0xFF800000 : f32
      %gt3A_393 = vector.broadcast %gt3A_392 : f32 to vector<16xf32>
      %gt3A_394 = arith.cmpf ogt, %get3A_391, %gt3A_393 : vector<16xf32>
      %convert_element_type3A_395 = arith.extui %gt3A_394 : vector<16xi1> to vector<16xi32>
      %broadcast_in_dim3A_396 = arith.constant true
      %broadcast_in_dim3A_397 = vector.broadcast %broadcast_in_dim3A_396 : i1 to vector<16xi1>
      %masked_cumsum3A_398 = tpu.scan <sum>, %convert_element_type3A_395 masked %broadcast_in_dim3A_397 : vector<16xi32>, vector<16xi1> -> vector<16xi32>
      %add3A_399 = arith.addi %while3A_387, %masked_cumsum3A_398 : vector<16xi32>
      %sub3A_400 = arith.constant 1 : i32
      %sub3A_401 = vector.broadcast %sub3A_400 : i32 to vector<16xi32>
      %sub3A_402 = arith.subi %add3A_399, %sub3A_401 : vector<16xi32>
      tpu.vector_store_idx %arg6[%sub3A_402], %get3A_391 masked %gt3A_394 : memref<8192xf32, #tpu.memory_space<vmem>>[vector<16xi32>], vector<16xf32>, vector<16xi1>
      %all_reduce_population_count3A_403 = tpu.all_reduce %gt3A_394 {dim = 0 : i64, kind = #tpu.reduction_kind<sum>} : vector<16xi1> -> vector<16xi32>
      %add3A_404 = arith.addi %while3A_387, %all_reduce_population_count3A_403 : vector<16xi32>
      scf.yield %add3A_404 : vector<16xi32>
    }
    %while3A_345 = arith.constant 1 : i32
    %while3A_346 = scf.for %while3A_386 = %while3A_342 to %while3A_338 step %while3A_345 iter_args(%while3A_387 = %while3A_344) -> (vector<16xi32>)  : i32 {
      %mul3A_388 = arith.constant 16 : i32
      %mul3A_389 = arith.muli %while3A_386, %mul3A_388 : i32
      %get3A_390 = arith.index_cast %mul3A_389 : i32 to index
      %get3A_391 = tpu.vector_load %arg5[%get3A_390] {strides = array<i32>} : memref<8192xf32, #tpu.memory_space<vmem>>, vector<16xf32>,
      %gt3A_392 = arith.constant 0xFF800000 : f32
      %gt3A_393 = vector.broadcast %gt3A_392 : f32 to vector<16xf32>
      %gt3A_394 = arith.cmpf ogt, %get3A_391, %gt3A_393 : vector<16xf32>
      %convert_element_type3A_395 = arith.extui %gt3A_394 : vector<16xi1> to vector<16xi32>
      %broadcast_in_dim3A_396 = arith.constant true
      %broadcast_in_dim3A_397 = vector.broadcast %broadcast_in_dim3A_396 : i1 to vector<16xi1>
      %masked_cumsum3A_398 = tpu.scan <sum>, %convert_element_type3A_395 masked %broadcast_in_dim3A_397 : vector<16xi32>, vector<16xi1> -> vector<16xi32>
      %add3A_399 = arith.addi %while3A_387, %masked_cumsum3A_398 : vector<16xi32>
      %sub3A_400 = arith.constant 1 : i32
      %sub3A_401 = vector.broadcast %sub3A_400 : i32 to vector<16xi32>
      %sub3A_402 = arith.subi %add3A_399, %sub3A_401 : vector<16xi32>
      tpu.vector_store_idx %arg6[%sub3A_402], %get3A_391 masked %gt3A_394 : memref<8192xf32, #tpu.memory_space<vmem>>[vector<16xi32>], vector<16xf32>, vector<16xi1>
      %all_reduce_population_count3A_403 = tpu.all_reduce %gt3A_394 {dim = 0 : i64, kind = #tpu.reduction_kind<sum>} : vector<16xi1> -> vector<16xi32>
      %add3A_404 = arith.addi %while3A_387, %all_reduce_population_count3A_403 : vector<16xi32>
      scf.yield %add3A_404 : vector<16xi32>
    }
    %get3A_347 = arith.constant 0 : index
    %get3A_348 = tpu.vector_load %arg6[%get3A_347] {strides = array<i32>} : memref<8192xf32, #tpu.memory_space<vmem>>, vector<16xf32>,
    %masked_sort3A_349 = arith.constant dense<true> : vector<16xi1>
    %masked_sort3A_350, %masked_sort3A_351, %masked_sort3A_352 = tpu.sort %get3A_348, %iota3A_327 masked %masked_sort3A_349 {descending = true} : (vector<16xf32>, vector<16xi32>, vector<16xi1>) -> (vector<16xi1>, vector<16xf32>, vector<16xi32>)
    %broadcast_in_dim3A_353 = arith.constant true
    %broadcast_in_dim3A_354 = vector.broadcast %broadcast_in_dim3A_353 : i1 to vector<16xi1>
    %masked_cumsum3A_355 = tpu.scan <sum>, %masked_sort3A_351 masked %broadcast_in_dim3A_354 : vector<16xf32>, vector<16xi1> -> vector<16xf32>
    %add3A_356 = arith.constant 1 : i32
    %add3A_357 = vector.broadcast %add3A_356 : i32 to vector<16xi32>
    %add3A_358 = arith.addi %iota3A_327, %add3A_357 : vector<16xi32>
    %convert_element_type3A_359 = arith.sitofp %add3A_358 : vector<16xi32> to vector<16xf32>
    %mul3A_360 = arith.mulf %convert_element_type3A_359, %masked_sort3A_351 : vector<16xf32>
    %sub3A_361 = arith.constant 1.000000e+00 : f32
    %sub3A_362 = vector.broadcast %sub3A_361 : f32 to vector<16xf32>
    %sub3A_363 = arith.subf %masked_cumsum3A_355, %sub3A_362 : vector<16xf32>
    %gt3A_364 = arith.cmpf ogt, %mul3A_360, %sub3A_363 : vector<16xf32>
    %all_reduce_population_count3A_365 = tpu.all_reduce %gt3A_364 {dim = 0 : i64, kind = #tpu.reduction_kind<sum>} : vector<16xi1> -> vector<16xi32>
    %convert_element_type3A_366 = arith.sitofp %all_reduce_population_count3A_365 : vector<16xi32> to vector<16xf32>
    %jit3A_367 = arith.constant 0.000000e+00 : f32
    %broadcast_in_dim3A_368 = vector.broadcast %jit3A_367 : f32 to vector<16xf32>
    %select_n3A_369 = arith.select %gt3A_364, %masked_sort3A_351, %broadcast_in_dim3A_368 : vector<16xi1>, vector<16xf32>
    %reduce_sum3A_370 = arith.constant true
    %reduce_sum3A_371 = vector.broadcast %reduce_sum3A_370 : i1 to vector<16xi1>
    %reduce_sum3A_372 = tpu.scan <sum>, %select_n3A_369 masked %reduce_sum3A_371 : vector<16xf32>, vector<16xi1> -> vector<16xf32>
    %reduce_sum3A_373 = vector.extract %reduce_sum3A_372[15] : f32 from vector<16xf32>
    %broadcast_in_dim3A_374 = vector.broadcast %reduce_sum3A_373 : f32 to vector<16xf32>
    %sub3A_375 = arith.constant 2.000000e+00 : f32
    %sub3A_376 = vector.broadcast %sub3A_375 : f32 to vector<16xf32>
    %sub3A_377 = arith.subf %broadcast_in_dim3A_374, %sub3A_376 : vector<16xf32>
    %div3A_378 = arith.divf %sub3A_377, %convert_element_type3A_366 : vector<16xf32>
    %le3A_379 = arith.constant 16 : i32
    %le3A_380 = vector.broadcast %le3A_379 : i32 to vector<16xi32>
    %le3A_381 = arith.cmpi sle, %while3A_321#1, %le3A_380 : vector<16xi32>
    %select_n3A_382 = arith.select %le3A_381, %div3A_378, %sub3A_326 : vector<16xi1>, vector<16xf32>
    %parallel_loop3A_383 = arith.constant 0 : i32
    %parallel_loop3A_384 = arith.constant 8192 : i32
    %parallel_loop3A_385 = arith.constant 64 : i32
    scf.for %parallel_loop3A_386 = %parallel_loop3A_383 to %parallel_loop3A_384 step %parallel_loop3A_385  : i32 {
      %parallel_loop3A_387 = arith.constant 0 : i32
      %parallel_loop3A_388 = arith.addi %parallel_loop3A_386, %parallel_loop3A_387 : i32
      %parallel_loop3A_389 = arith.constant 3 : i32
      %parallel_loop3A_390 = arith.index_cast %parallel_loop3A_389 : i32 to index
      %parallel_loop3A_391 = arith.index_cast %parallel_loop3A_388 : i32 to index
      %parallel_loop3A_392 = tpu.vector_load %arg4[%parallel_loop3A_390, %parallel_loop3A_391] {strides = array<i32>} : memref<4x8192xf32, #tpu.memory_space<vmem>>, vector<16xf32>,
      %parallel_loop3A_393 = arith.subf %parallel_loop3A_392, %select_n3A_382 : vector<16xf32>
      %parallel_loop3A_394 = arith.constant 0.000000e+00 : f32
      %parallel_loop3A_395 = vector.broadcast %parallel_loop3A_394 : f32 to vector<16xf32>
      %parallel_loop3A_396 = arith.maximumf %parallel_loop3A_393, %parallel_loop3A_395 : vector<16xf32>
      %parallel_loop3A_397 = arith.constant 0 : i32
      %parallel_loop3A_398 = arith.addi %parallel_loop3A_386, %parallel_loop3A_397 : i32
      %parallel_loop3A_399 = arith.constant 3 : i32
      %parallel_loop3A_400 = arith.index_cast %parallel_loop3A_399 : i32 to index
      %parallel_loop3A_401 = arith.index_cast %parallel_loop3A_398 : i32 to index
      %parallel_loop3A_402 = tpu.vector_load %arg4[%parallel_loop3A_400, %parallel_loop3A_401] {strides = array<i32>} : memref<4x8192xf32, #tpu.memory_space<vmem>>, vector<16xf32>,
      tpu.vector_store %arg4[%parallel_loop3A_400, %parallel_loop3A_401], %parallel_loop3A_396 {strides = array<i32>} : memref<4x8192xf32, #tpu.memory_space<vmem>>, vector<16xf32>,
      %parallel_loop3A_403 = arith.constant 16 : i32
      %parallel_loop3A_404 = arith.addi %parallel_loop3A_386, %parallel_loop3A_403 : i32
      %parallel_loop3A_405 = arith.constant 3 : i32
      %parallel_loop3A_406 = arith.index_cast %parallel_loop3A_405 : i32 to index
      %parallel_loop3A_407 = arith.index_cast %parallel_loop3A_404 : i32 to index
      %parallel_loop3A_408 = tpu.vector_load %arg4[%parallel_loop3A_406, %parallel_loop3A_407] {strides = array<i32>} : memref<4x8192xf32, #tpu.memory_space<vmem>>, vector<16xf32>,
      %parallel_loop3A_409 = arith.subf %parallel_loop3A_408, %select_n3A_382 : vector<16xf32>
      %parallel_loop3A_410 = arith.constant 0.000000e+00 : f32
      %parallel_loop3A_411 = vector.broadcast %parallel_loop3A_410 : f32 to vector<16xf32>
      %parallel_loop3A_412 = arith.maximumf %parallel_loop3A_409, %parallel_loop3A_411 : vector<16xf32>
      %parallel_loop3A_413 = arith.constant 16 : i32
      %parallel_loop3A_414 = arith.addi %parallel_loop3A_386, %parallel_loop3A_413 : i32
      %parallel_loop3A_415 = arith.constant 3 : i32
      %parallel_loop3A_416 = arith.index_cast %parallel_loop3A_415 : i32 to index
      %parallel_loop3A_417 = arith.index_cast %parallel_loop3A_414 : i32 to index
      %parallel_loop3A_418 = tpu.vector_load %arg4[%parallel_loop3A_416, %parallel_loop3A_417] {strides = array<i32>} : memref<4x8192xf32, #tpu.memory_space<vmem>>, vector<16xf32>,
      tpu.vector_store %arg4[%parallel_loop3A_416, %parallel_loop3A_417], %parallel_loop3A_412 {strides = array<i32>} : memref<4x8192xf32, #tpu.memory_space<vmem>>, vector<16xf32>,
      %parallel_loop3A_419 = arith.constant 32 : i32
      %parallel_loop3A_420 = arith.addi %parallel_loop3A_386, %parallel_loop3A_419 : i32
      %parallel_loop3A_421 = arith.constant 3 : i32
      %parallel_loop3A_422 = arith.index_cast %parallel_loop3A_421 : i32 to index
      %parallel_loop3A_423 = arith.index_cast %parallel_loop3A_420 : i32 to index
      %parallel_loop3A_424 = tpu.vector_load %arg4[%parallel_loop3A_422, %parallel_loop3A_423] {strides = array<i32>} : memref<4x8192xf32, #tpu.memory_space<vmem>>, vector<16xf32>,
      %parallel_loop3A_425 = arith.subf %parallel_loop3A_424, %select_n3A_382 : vector<16xf32>
      %parallel_loop3A_426 = arith.constant 0.000000e+00 : f32
      %parallel_loop3A_427 = vector.broadcast %parallel_loop3A_426 : f32 to vector<16xf32>
      %parallel_loop3A_428 = arith.maximumf %parallel_loop3A_425, %parallel_loop3A_427 : vector<16xf32>
      %parallel_loop3A_429 = arith.constant 32 : i32
      %parallel_loop3A_430 = arith.addi %parallel_loop3A_386, %parallel_loop3A_429 : i32
      %parallel_loop3A_431 = arith.constant 3 : i32
      %parallel_loop3A_432 = arith.index_cast %parallel_loop3A_431 : i32 to index
      %parallel_loop3A_433 = arith.index_cast %parallel_loop3A_430 : i32 to index
      %parallel_loop3A_434 = tpu.vector_load %arg4[%parallel_loop3A_432, %parallel_loop3A_433] {strides = array<i32>} : memref<4x8192xf32, #tpu.memory_space<vmem>>, vector<16xf32>,
      tpu.vector_store %arg4[%parallel_loop3A_432, %parallel_loop3A_433], %parallel_loop3A_428 {strides = array<i32>} : memref<4x8192xf32, #tpu.memory_space<vmem>>, vector<16xf32>,
      %parallel_loop3A_435 = arith.constant 48 : i32
      %parallel_loop3A_436 = arith.addi %parallel_loop3A_386, %parallel_loop3A_435 : i32
      %parallel_loop3A_437 = arith.constant 3 : i32
      %parallel_loop3A_438 = arith.index_cast %parallel_loop3A_437 : i32 to index
      %parallel_loop3A_439 = arith.index_cast %parallel_loop3A_436 : i32 to index
      %parallel_loop3A_440 = tpu.vector_load %arg4[%parallel_loop3A_438, %parallel_loop3A_439] {strides = array<i32>} : memref<4x8192xf32, #tpu.memory_space<vmem>>, vector<16xf32>,
      %parallel_loop3A_441 = arith.subf %parallel_loop3A_440, %select_n3A_382 : vector<16xf32>
      %parallel_loop3A_442 = arith.constant 0.000000e+00 : f32
      %parallel_loop3A_443 = vector.broadcast %parallel_loop3A_442 : f32 to vector<16xf32>
      %parallel_loop3A_444 = arith.maximumf %parallel_loop3A_441, %parallel_loop3A_443 : vector<16xf32>
      %parallel_loop3A_445 = arith.constant 48 : i32
      %parallel_loop3A_446 = arith.addi %parallel_loop3A_386, %parallel_loop3A_445 : i32
      %parallel_loop3A_447 = arith.constant 3 : i32
      %parallel_loop3A_448 = arith.index_cast %parallel_loop3A_447 : i32 to index
      %parallel_loop3A_449 = arith.index_cast %parallel_loop3A_446 : i32 to index
      %parallel_loop3A_450 = tpu.vector_load %arg4[%parallel_loop3A_448, %parallel_loop3A_449] {strides = array<i32>} : memref<4x8192xf32, #tpu.memory_space<vmem>>, vector<16xf32>,
      tpu.vector_store %arg4[%parallel_loop3A_448, %parallel_loop3A_449], %parallel_loop3A_444 {strides = array<i32>} : memref<4x8192xf32, #tpu.memory_space<vmem>>, vector<16xf32>,
    } {sc.loop_unroll_factor = 2 : i64, sc.parallel_access}
    "tpu.region"() ({
      %run_scoped3A = tpu.sem_alloc : memref<!tpu.dma_semaphore, #tpu.memory_space<semaphore_mem>>
      %dma_start3A = arith.constant 0 : i32
      %dma_start3A_386 = tpu.memref_slice %arg3[%mul3A_2, %dma_start3A] : memref<128x8192xf32, #tpu.memory_space<hbm>> -> memref<4x8192xf32, #tpu.memory_space<hbm>>
      %dma_start3A_387 = arith.constant 0 : i32
      %dma_start3A_388 = tpu.memref_slice %arg3[%mul3A_2, %dma_start3A_387] : memref<128x8192xf32, #tpu.memory_space<hbm>> -> memref<4x8192xf32, #tpu.memory_space<hbm>>
      tpu.enqueue_dma source(%arg4 : memref<4x8192xf32, #tpu.memory_space<vmem>>) target(%dma_start3A_388 : memref<4x8192xf32, #tpu.memory_space<hbm>>) target_semaphore(%run_scoped3A : memref<!tpu.dma_semaphore, #tpu.memory_space<semaphore_mem>>)
      %dma_wait3A = arith.constant 0 : i32
      %dma_wait3A_389 = tpu.memref_slice %arg3[%mul3A_2, %dma_wait3A] : memref<128x8192xf32, #tpu.memory_space<hbm>> -> memref<4x8192xf32, #tpu.memory_space<hbm>>
      %dma_wait3A_390 = arith.constant 0 : i32
      %dma_wait3A_391 = tpu.memref_slice %arg3[%mul3A_2, %dma_wait3A_390] : memref<128x8192xf32, #tpu.memory_space<hbm>> -> memref<4x8192xf32, #tpu.memory_space<hbm>>
      tpu.wait_dma2 semaphore(%run_scoped3A : memref<!tpu.dma_semaphore, #tpu.memory_space<semaphore_mem>>) src(%arg4 : memref<4x8192xf32, #tpu.memory_space<vmem>>) dst(%dma_wait3A_391 : memref<4x8192xf32, #tpu.memory_space<hbm>>)
      tpu.yield
    }) : () -> ()
    return
  }
}

</mosaic_0001>

<sc_bundles>
// kernel: kernel.3.cloned.1.call-start
scs
__scs_entry_jumppad:
0x0: {  	(pc) =	sbr.rel $0x88, $3  }
0x1: {  	(tag) =	ssettag $0x0;
	lr =	simm.s32 $0x1  }
0x2: {  	[smem:$0x3FA0] =	sst lr;
	_ =	strace $0xD0000000  }
0x3: {  	_ = 	snop  }
0x4: {  	_ = 	snop  }
0x5: {  	_ = 	snop  }
0x6: {  	_ = 	snop  }
0x7: {  	_ = 	snop  }
__scs_overlays_trampoline_lowered:
0x8: {  	[smem:$0x3FAF] =	sst s0  }
0x9: {  	[smem:$0x3FB0] =	sst s1  }
0xa: {  	[smem:$0x3FB1] =	sst s2  }
0xb: {  	[smem:$0x3FB2] =	sst s3  }
0xc: {  	[smem:$0x3FB3] =	sst s4  }
0xd: {  	[smem:$0x3FB4] =	sst s5  }
0xe: {  	[smem:$0x3FB5] =	sst s6  }
0xf: {  	[smem:$0x3FB6] =	sst s7  }
0x10: {  	[smem:$0x3FB7] =	sst s8  }
0x11: {  	[smem:$0x3FB8] =	sst s9;
	s0 =	simm.s32 @!p0 $0x0  }
0x12: {  	s1 =	sld [smem:$0x3F9E];
	s0 =	simm.s32 @p0 $0x1  }
0x13: {  	[smem:$0x3FB9] =	sst s0;
	s0 =	simm.s32 @!p1 $0x0  }
0x14: {  	s2 =	sld [smem:$0x3F9D];
	s0 =	simm.s32 @p1 $0x1  }
0x15: {  	[smem:$0x3FBA] =	sst s0;
	s0 =	simm.s32 @!p2 $0x0  }
0x16: {  	s3 =	sld [smem:$0x3FDB];
	s0 =	simm.s32 @p2 $0x1  }
0x17: {  	s4 =	simm.s32 $0x1BF5;
	[smem:$0x3FBC] =	sst s0  }
0x18: {  	s0 =	sld [smem:$0x3F9F];
	_ =	swait.ge [sflag:s4], $0x0  }
0x19: {  	s7 =	sld [smem:$0x3FA0]  }
0x1a: {  	s8 =	sadd.s32 $0xFFFFE003, lr  }
0x1b: {  	s9 =	sadd.s32 $0xFFFFFEF7, lr;
	s5 =	simm.s32 $0xFFFFFFFF;
	p2 =	slt.u32 s8, $0xFFFFF086  }
0x1c: {  	p1 =	slt.u32 s9, $0xF7A;
	s5 =	simm.s32 @!p2 $0x0  }
0x1d: {  	s5 =	simm.s32 @p1 $0x1;
	p0 =	seq.s32 s7, s2  }
0x1e: {  	s7 =	smul.u32 @!p0 $0xF7A, s2;
	p2 =	seq.s32 @!p0 s5, $0x0  }
0x1f: {  	s9 =	smul.u32 $0xF7A, s1;
	s8 =	simm.s32 @!p0 $0x1BF5;
	p2 =	por !p2, p0  }
0x20: {  	[sflag:s8] =	ssyncset.s32 @!p0 $0xFFFFF086;
	s6 =	sadd.s32 @!p0 s3, s7;
	s7 =	simm.s32 @!p0 $0x108  }
0x21: {  	s3 =	sadd.s32 s3, s9;
	s6 =	sadd.s32 @!p0 $0x88, s6;
	s7 =	simm.s32 @p2 $0x1082  }
0x22: {  	[simem:s7], [sflag:s8] =	dma.local @!p0 [hbm:s6], $0xF7A  }
0x23: {  	s9 =	sor.u32 $0xD0000000, s2;
	s6 =	simm.s32 $0x108;
	_ =	swait.ge @!p0 [sflag:s8], $0x0  }
0x24: {  	s3 =	sadd.s32 $0x88, s3;
	s6 =	simm.s32 @!p1 $0x1082;
	[sflag:s4] =	ssyncset.s32 $0xFFFFF086  }
0x25: {  	[simem:s6], [sflag:s4] =	dma.local [hbm:s3], $0xF7A  }
0x26: {  	[smem:$0x3FA0] =	sst s1;
	(tag) =	ssettag s2;
	_ =	strace s9  }
0x27: {  	s1 =	sld [smem:$0x3FB0]  }
0x28: {  	s2 =	sld [smem:$0x3FB1]  }
0x29: {  	s4 =	sld [smem:$0x3FB3]  }
0x2a: {  	p0 =	seq.s32 s5, $0x0;
	s5 =	sld [smem:$0x3FB4]  }
0x2b: {  	s6 =	sld [smem:$0x3FB5]  }
0x2c: {  	s7 =	sld [smem:$0x3FB6]  }
0x2d: {  	s3 =	simm.s32 $0x108;
	s8 =	sld [smem:$0x3FB7]  }
0x2e: {  	s3 =	simm.s32 @!p0 $0x1082;
	s9 =	sld [smem:$0x3FB8]  }
0x2f: {  	lr =	sadd.s32 s0, s3;
	s0 =	sld [smem:$0x3FAF]  }
0x30: {  	s3 =	sld [smem:$0x3FB2]  }
0x31: {  	[smem:$0x3FBB] =	sst s10  }
0x32: {  	s10 =	sld [smem:$0x3FB9];
	_ =	sdelay $0x3  }
0x33: {  	p0 =	seq.s32 s10, $0x1;
	s10 =	sld [smem:$0x3FBB];
	_ =	sdelay $0x3  }
0x34: {  	[smem:$0x3FBB] =	sst s10  }
0x35: {  	s10 =	sld [smem:$0x3FBA];
	_ =	sdelay $0x3  }
0x36: {  	p1 =	seq.s32 s10, $0x1;
	s10 =	sld [smem:$0x3FBB];
	_ =	sdelay $0x3  }
0x37: {  	[smem:$0x3FBB] =	sst s10  }
0x38: {  	s10 =	sld [smem:$0x3FBC]  }
0x39: {  	_ = 	snop;
	(pc) =	sbr.ind lr, $3  }
0x3a: {  	_ = 	snop  }
0x3b: {  	_ = 	snop  }
0x3c: {  	p2 =	seq.s32 s10, $0x1;
	s10 =	sld [smem:$0x3FBB]  }
0x3d: {  	_ =	shalt  }
0x3e: {  	_ =	shalt  }
0x3f: {  	_ =	shalt  }
0x40: {  	_ =	shalt  }
0x41: {  	_ =	shalt  }
0x42: {  	_ =	shalt  }
0x43: {  	_ =	shalt  }
0x44: {  	_ =	shalt  }
0x45: {  	_ =	shalt  }
0x46: {  	_ =	shalt  }
0x47: {  	_ =	shalt  }
0x48: {  	_ =	shalt  }
0x49: {  	_ =	shalt  }
0x4a: {  	_ =	shalt  }
0x4b: {  	_ =	shalt  }
0x4c: {  	_ =	shalt  }
0x4d: {  	_ =	shalt  }
0x4e: {  	_ =	shalt  }
0x4f: {  	_ =	shalt  }
0x50: {  	_ =	shalt  }
0x51: {  	_ =	shalt  }
0x52: {  	_ =	shalt  }
0x53: {  	_ =	shalt  }
0x54: {  	_ =	shalt  }
0x55: {  	_ =	shalt  }
0x56: {  	_ =	shalt  }
0x57: {  	_ =	shalt  }
0x58: {  	_ =	shalt  }
0x59: {  	_ =	shalt  }
0x5a: {  	_ =	shalt  }
0x5b: {  	_ =	shalt  }
0x5c: {  	_ =	shalt  }
0x5d: {  	_ =	shalt  }
0x5e: {  	_ =	shalt  }
0x5f: {  	_ =	shalt  }
0x60: {  	_ =	shalt  }
0x61: {  	_ =	shalt  }
0x62: {  	_ =	shalt  }
0x63: {  	_ =	shalt  }
0x64: {  	_ =	shalt  }
0x65: {  	_ =	shalt  }
0x66: {  	_ =	shalt  }
0x67: {  	_ =	shalt  }
0x68: {  	_ =	shalt  }
0x69: {  	_ =	shalt  }
0x6a: {  	_ =	shalt  }
0x6b: {  	_ =	shalt  }
0x6c: {  	_ =	shalt  }
0x6d: {  	_ =	shalt  }
0x6e: {  	_ =	shalt  }
0x6f: {  	_ =	shalt  }
0x70: {  	_ =	shalt  }
0x71: {  	_ =	shalt  }
0x72: {  	_ =	shalt  }
0x73: {  	_ =	shalt  }
0x74: {  	_ =	shalt  }
0x75: {  	_ =	shalt  }
0x76: {  	_ =	shalt  }
0x77: {  	_ =	shalt  }
0x78: {  	_ =	shalt  }
0x79: {  	_ =	shalt  }
0x7a: {  	_ =	shalt  }
0x7b: {  	_ =	shalt  }
0x7c: {  	_ =	shalt  }
0x7d: {  	_ =	shalt  }
0x7e: {  	_ =	shalt  }
0x7f: {  	_ =	shalt  }
0x80: {  	_ =	shalt  }
0x81: {  	_ =	shalt  }
0x82: {  	_ =	shalt  }
0x83: {  	_ =	shalt  }
0x84: {  	_ =	shalt  }
0x85: {  	_ =	shalt  }
0x86: {  	_ =	shalt  }
0x87: {  	_ =	shalt  }
.Lfunc_end0:
.L_simem_size_0:
called_computation_lowered:
.L_overlay_start_0:
0x88: {  	s2 =	sld [smem:$0x3FD9]  }
0x89: {  	s3 =	sld [smem:$0x3FFE];
	_ =	sdelay $0x1  }
0x8a: {  	s1 =	srdreg.scid  }
0x8b: {  	s0 =	sand.u32 $0x1, s1  }
0x8c: {  	s18 =	sshll.u32 s0, $0xA;
	s2 =	sadd.s32 s3, s2  }
0x8d: {  	s2 =	sadd.s32 s2, s18  }
0x8e: {  	[smem:$0x3FC7] =	sst s2  }
0x8f: {  	_ = 	snop  }
0x90: {  	s2 =	sld [smem:$0x3FC9]  }
0x91: {  	s19 =	sld [smem:$0x3FD0];
	(tm) =	ssettm $0x1  }
0x92: {  	s4 =	sld [smem:$0x3FFB];
	_ =	sdelay $0x3  }
0x93: {  	_ =	strace s4  }
0x94: {  	s4 =	sld [smem:$0x3FFC];
	_ =	sdelay $0x3  }
0x95: {  	_ =	strace s4  }
0x96: {  	s4 =	sld [smem:$0x3FFD];
	_ =	sdelay $0x3  }
0x97: {  	_ =	strace s4  }
0x98: {  	_ =	strace $0x8FFFFFFF  }
0x99: {  	s20 =	sld [smem:$0x3FDB];
	_ =	sdelay $0x1  }
0x9a: {  	s5 =	simm.s32 $_scs_section_size  }
0x9b: {  	s6 =	simm.s32 $_size__tile_overlayer_lowered;
	s7 =	simm.s32 $_tile_overlayer_lowered  }
0x9c: {  	s23 =	simm.s32 $0x1BFF;
	s22 =	sshll.u32 s7, $0x1;
	s4 =	sadd.s32 s5, s20  }
0x9d: {  	s8 =	simm.s32 $0x0;
	s21 =	sshll.u32 s6, $0x1;
	s6 =	sadd.s32 s22, s4  }
0x9e: {  	[timem:s8], [sflag:s23] =	dma.local [hbm:s6], s21  }
0x9f: {  	_ =	swait.ge [sflag:s23], s21  }
0xa0: {  	s5 =	ssub.s32 $0x0, s21;
	[sflag:s23] =	ssyncset.done $0x0  }
0xa1: {  	[sflag:s23] =	ssyncadd.s32 s5;
	_ =	sdelay $0x1  }
0xa2: {  	s24 =	simm.s32 $0x1B8B  }
0xa3: {  	_ =	swait.ge [sflag:s24], $0x1  }
0xa4: {  	[sflag:s24] =	ssyncset.done $0x0  }
0xa5: {  	s25 =	simm.s32 $0x1B8E;
	[sflag:s24] =	ssyncadd.s32 $0xFFFFFFFF  }
0xa6: {  	s26 =	simm.s32 $execute0_lowered;
	[smem:$0x3FD2] =	sst s25  }
0xa7: {  	s5 =	sshll.u32 s26, $0x1;
	_ =	strace $0x80000046;
	[dreg:$0x1] =	wrdreg $0xFFFFFFFF  }
0xa8: {  	s28 =	simm.s32 $_size_execute0_lowered;
	s4 =	sadd.s32 s4, s5;
	[dreg:$0x0] =	wrdreg $0x0  }
0xa9: {  	s5 =	sshll.u32 s28, $0x1;
	[dreg:$0x2] =	wrdreg s4  }
0xaa: {  	[dreg:$0x3] =	wrdreg s5  }
0xab: {  	[dreg:$0x4] =	wrdreg $0xC0  }
0xac: {  	_ =	task [dreg:s8], $0x5FFFF  }
0xad: {  	[dreg:$0x1] =	wrdreg $0xFFFFFFFF  }
0xae: {  	[dreg:$0x0] =	wrdreg $0x60  }
0xaf: {  	[dreg:$0x2] =	wrdreg s2  }
0xb0: {  	[dreg:$0x3] =	wrdreg s19  }
0xb1: {  	[dreg:$0x4] =	wrdreg $0x9  }
0xb2: {  	_ =	task.clear_ibuf [dreg:s8], $0x5FFFF;
	_ =	strace $0x90000046  }
0xb3: {  	s29 =	simm.s32 $0x9;
	_ =	strace $0x80000048  }
0xb4: {  	_ =	swait.ge [sflag:s29], $0x1  }
0xb5: {  	[sflag:s29] =	ssyncadd.s32 $0xFFFFFFFF  }
0xb6: {  	_ =	strace $0x90000048  }
0xb7: {  	_ =	sfence  }
0xb8: {  	s30 =	sld [smem:$0x0];
	_ =	sdelay $0x2  }
0xb9: {  	s31 =	sshll.u32 s1, $0xD;
	s1 =	sshrl.u32 s1, $0x2  }
0xba: {  	s3 =	sand.u32 $0x4000, s31;
	s1 =	sadd.s32 s1, s30  }
0xbb: {  	s0 =	sor.u32 s3, s0;
	s1 =	sshll.u32 s1, $0x11  }
0xbc: {  	s0 =	sor.u32 s1, s0  }
0xbd: {  	s0 =	sadd.s32 $0x8F2B, s0  }
0xbe: {  	[sflag:s0] =	ssyncadd.remote.s32 $0x1  }
0xbf: {  	_ =	sfence.sel $0xFFFF  }
0xc0: {  	[dreg:$0x0] =	wrdreg $0xFFFFFFFF;
	(pc) =	sbr.abs _section_cstart, $3  }
0xc1: {  	[dreg:$0x1] =	wrdreg $0xFFFFFFFF  }
0xc2: {  	_ =	task.clear_ibuf [dreg:s8], $0x2FFFF;
	_ =	strace $0x9FFFFFFF  }
0xc3: {  	(tm) =	ssettm $0x7FFFFFFF  }
tec
execute0_lowered:
.L_overlay_start_1:
0x0: {  	(tag) =	ssettag $0x1  }
0x1: {  	s3 =	rddreg [dreg:$0x0]  }
0x2: {  	s4 =	rddreg [dreg:$0x1];
	s1 =	simm.s32 $0x0  }
0x3: {  	[smem:$0x7FF] =	sst s1  }
0x4: {  	s0 =	rddreg [dreg:$0x2];
	v0 =	vimm.f32 $1.000000000e+00;
	_ =	strace $0x80000047  }
0x5: {  	(xrf0) =	vmax.scan.msk.f32 $0xffff, v0;
	_ =	sdelay $0x5  }
0x6: {  	v1, _, _ =	vpop (xrf0)  }
0x7: {  	(v2sf) =	vpush v1, $0xF  }
0x8: {  	vm0 =	vcmask $0x300;
	v1 =	vimm.f32 $1.600000000e+01  }
0x9: {  	vm14 =	vcmask $0x704;
	v1 =	vsel vm0, $0x3F800000, v1  }
0xa: {  	vm15 =	vcmask $0xB08;
	v1 =	vsel vm14, $0x40000000, v1  }
0xb: {  	vm4 =	vcmask $0xF0C;
	v1 =	vsel vm15, $0x40400000, v1  }
0xc: {  	vm5 =	vcmask $0x1310;
	v1 =	vsel vm4, $0x40800000, v1  }
0xd: {  	vm6 =	vcmask $0x1714;
	v1 =	vsel vm5, $0x40A00000, v1  }
0xe: {  	vm7 =	vcmask $0x1B18;
	v1 =	vsel vm6, $0x40C00000, v1  }
0xf: {  	vm8 =	vcmask $0x1F1C;
	v1 =	vsel vm7, $0x40E00000, v1  }
0x10: {  	vm9 =	vcmask $0x2320;
	v1 =	vsel vm8, $0x41000000, v1  }
0x11: {  	s5 =	srdreg.scid;
	s2 =	stileid.u32;
	vm10 =	vcmask $0x2724;
	v1 =	vsel vm9, $0x41100000, v1  }
0x12: {  	vm11 =	vcmask $0x2B28;
	s9 =	simm.s32 $0x8000;
	s11 =	simm.s32 $0x0;
	s5 =	sand.u32 $0x1, s5;
	v1 =	vsel vm10, $0x41200000, v1  }
0x13: {  	vm12 =	vcmask $0x2F2C;
	s7 =	sshll.u32 s2, $0xD;
	s6 =	ssub.s32 $0x2, s5;
	s5 =	sshll.u32 s5, $0x6;
	v1 =	vsel vm11, $0x41300000, v1  }
0x14: {  	vm13 =	vcmask $0x3330;
	s8 =	sshrl.u32 s6, $0x1;
	s5 =	sor.u32 s5, s7;
	s7 =	simm.s32 $0x400;
	v2 =	vsel vm12, $0x41400000, v1  }
0x15: {  	v4 =	vimm.f32 $-Inf;
	s6 =	ssub.s32 s6, s8;
	s3 =	sadd.s32 s3, s5;
	s4 =	sadd.s32 s4, s5;
	vm14 =	vcmask $0x3734;
	v3 =	vsel vm13, $0x41500000, v2  }
0x16: {  	s8 =	simm.s32 $0x1;
	s5 =	smax.u32 s6, $0x1;
	vm15 =	vcmask $0x3B38;
	v1 =	vlaneseq.u32;
	v5 =	vsel vm14, $0x41600000, v3;
	s10 =	spop (v2sf)  }
0x17: {  	s6 =	simm.s32 $0x200;
	v2 =	vimm.s32 $0x0;
	v3 =	vimm.f32 $0.0e+00;
	v5 =	vsel vm15, $0x41700000, v5;
	p0 =	sgt.f32 s10, $0.0e+00;
	s10 =	simm.s32 $0xA000  }
.LBB2_1:
0x18: {  	[tilespmem:s1], [sflag:$0x1] =	stream.strided.gather [hbm4b:s3+s6], $0x8000, s7, s6, $0x38;
	[tilespmem:$0xC000] =	vst v63  }
0x19: {  	_ =	swait.ge [sflag:s8], $0x8000  }
0x1a: {  	[sflag:s8] =	ssyncset.done $0x0  }
0x1b: {  	s13 =	simm.s32 $0x40;
	[sflag:s8] =	ssyncadd.s32 $0xFFFF8000  }
0x1c: {  	v7 =	vld [tilespmem:s13+$0x0]  }
0x1d: {  	v13 =	vld [tilespmem:s13+$0x10]  }
0x1e: {  	v9 =	vld [tilespmem:s13+$0x20]  }
0x1f: {  	v6 =	vld [tilespmem:s13+$0xFFFFFFC0]  }
0x20: {  	v8 =	vld [tilespmem:s13+$0xFFFFFFD0]  }
0x21: {  	v10 =	vld [tilespmem:s13+$0xFFFFFFE0]  }
0x22: {  	v15 =	vld [tilespmem:s13+$0xFFFFFFF0]  }
0x23: {  	s12 =	simm.s32 $0x0;
	v11 =	vimm.f32 $-Inf;
	v12 =	vimm.f32 $-Inf;
	v14 =	vld [tilespmem:s13+$0x30];
	s13 =	simm.s32 $0x240  }
.LBB2_2:
0x24: {  	v16 =	vld [tilespmem:s13+$0x0]  }
0x25: {  	s12 =	sadd.s32 $0x80, s12;
	v17 =	vld [tilespmem:s13+$0x10]  }
0x26: {  	p1 =	slt.u32 s12, $0x1F80;
	v18 =	vld [tilespmem:s13+$0x20]  }
.Ltmp0:
0x27: {  	v13 =	vmax.f32 v7, v13;
	v19 =	vmax.f32 v6, v8;
	v6 =	vld [tilespmem:s13+$0xFFFFFFC0];
	v10 =	vmax.f32 v10, v15;
	(pc) =	sbr.rel @p1 .LBB2_2-.Ltmp0, $4  }
0x28: {  	v11 =	vmax.f32 v11, v19;
	v8 =	vld [tilespmem:s13+$0xFFFFFFD0];
	v12 =	vmax.f32 v12, v10;
	v9 =	vmax.f32 v9, v14  }
0x29: {  	v11 =	vmax.f32 v11, v13;
	v10 =	vld [tilespmem:s13+$0xFFFFFFE0];
	v12 =	vmax.f32 v12, v9;
	v7 =	vmov v16  }
0x2a: {  	v15 =	vld [tilespmem:s13+$0xFFFFFFF0];
	v13 =	vmov v17  }
0x2b: {  	v14 =	vld [tilespmem:s13+$0x30];
	s13 =	sadd.s32 $0x200, s13;
	v9 =	vmov v18  }
0x2c: {  	_ =	sdelay $0x2  }
0x2d: {  	v7 =	vmax.f32 v7, v13;
	v6 =	vmax.f32 v6, v8;
	v8 =	vmax.f32 v10, v15  }
0x2e: {  	v6 =	vmax.f32 v11, v6;
	v8 =	vmax.f32 v12, v8;
	v9 =	vmax.f32 v9, v14  }
0x2f: {  	v6 =	vmax.f32 v6, v7;
	v7 =	vmax.f32 v8, v9  }
0x30: {  	v6 =	vmax.f32 v6, v7  }
0x31: {  	(xrf0) =	vmax.scan.msk.f32 $0xffff, v6;
	_ =	sdelay $0x2  }
0x32: {  	s12 =	simm.s32 $0x0  }
0x33: {  	s13 =	sand.u32 $0x40, s12;
	s12 =	sand.u32 $0x7E00, s12  }
0x34: {  	s12 =	sor.u32 s13, s12  }
0x35: {  	v7 =	vld [tilespmem:s12+$0x0];
	v6, _, _ =	vpop (xrf0)  }
0x36: {  	v8 =	vimm.s32 $0x0;
	v6 =	vadd.f32 $-1.000000000e+00, v6  }
0x37: {  	v9 =	vadd.s32 v1, v8  }
0x38: {  	v6 =	vbroadcast v6, $0xF;
	_ =	sdelay $0x1  }
0x39: {  	vm0 =	vgt.f32 v7, v6  }
0x3a: {  	v10 =	vmpcnt.ones.xlane vm0;
	v7 =	vnsel vm0, $0xFF800000, v7  }
0x3b: {  	[tilespmem:v9+s9+$0x0] =	vst.idx.msk $0xffff, v7  }
0x3c: {  	vm9 =	vgt.s32 v10, $0x0;
	v7 =	vld [tilespmem:s12+$0x10]  }
0x3d: {  	v9 =	vsel vm9, $0x10, v2  }
0x3e: {  	v8 =	vadd.s32 v8, v9  }
0x3f: {  	v9 =	vadd.s32 v1, v8;
	_ =	sdelay $0x1  }
0x40: {  	vm10 =	vgt.f32 v7, v6  }
0x41: {  	v10 =	vmpcnt.ones.xlane vm10  }
0x42: {  	v7 =	vnsel vm10, $0xFF800000, v7  }
0x43: {  	[tilespmem:v9+s9+$0x0] =	vst.idx.msk $0xffff, v7;
	vm11 =	vgt.s32 v10, $0x0  }
0x44: {  	v7 =	vsel vm11, $0x10, v2;
	v9 =	vld [tilespmem:s12+$0x20]  }
0x45: {  	v7 =	vadd.s32 v8, v7  }
0x46: {  	v8 =	vadd.s32 v1, v7;
	_ =	sdelay $0x2  }
0x47: {  	vm12 =	vgt.f32 v9, v6  }
0x48: {  	v10 =	vmpcnt.ones.xlane vm12;
	v9 =	vnsel vm12, $0xFF800000, v9  }
0x49: {  	[tilespmem:v8+s9+$0x0] =	vst.idx.msk $0xffff, v9  }
0x4a: {  	vm13 =	vgt.s32 v10, $0x0;
	v8 =	vld [tilespmem:s12+$0x30]  }
0x4b: {  	v9 =	vsel vm13, $0x10, v2  }
0x4c: {  	v7 =	vadd.s32 v7, v9  }
0x4d: {  	v9 =	vadd.s32 v1, v7;
	_ =	sdelay $0x1  }
0x4e: {  	vm14 =	vgt.f32 v8, v6  }
0x4f: {  	s31 =	simm.s32 $0x40;
	s13 =	simm.s32 $0x100;
	v10 =	vmpcnt.ones.xlane vm14  }
0x50: {  	s14 =	sand.u32 $0x7E00, s13;
	s12 =	sand.u32 $0x40, s31;
	v8 =	vnsel vm14, $0xFF800000, v8  }
0x51: {  	s12 =	sor.u32 s12, s14;
	[tilespmem:v9+s9+$0x0] =	vst.idx.msk $0xffff, v8;
	vm15 =	vgt.s32 v10, $0x0  }
0x52: {  	s14 =	simm.s32 $0x80;
	v8 =	vld [tilespmem:s12+$0x0];
	v9 =	vsel vm15, $0x10, v2  }
.LBB2_4:
0x53: {  	p1 =	sne.s32 s14, $0x1FC0;
	v7 =	vadd.s32 v7, v9;
	s15 =	smov.u32 s14;
	s14 =	sadd.s32 $0x40, s14  }
0x54: {  	v9 =	vadd.s32 v1, v7;
	_ =	sdelay $0x2  }
0x55: {  	vm0 =	vgt.f32 v8, v6  }
0x56: {  	v10 =	vmpcnt.ones.xlane vm0;
	v8 =	vnsel vm0, $0xFF800000, v8  }
0x57: {  	[tilespmem:v9+s9+$0x0] =	vst.idx.msk $0xffff, v8  }
0x58: {  	vm0 =	vgt.s32 v10, $0x0;
	v8 =	vld [tilespmem:s12+$0x10]  }
0x59: {  	v9 =	vsel vm0, $0x10, v2  }
0x5a: {  	v7 =	vadd.s32 v7, v9  }
0x5b: {  	v9 =	vadd.s32 v1, v7;
	_ =	sdelay $0x1  }
0x5c: {  	vm0 =	vgt.f32 v8, v6  }
0x5d: {  	v10 =	vmpcnt.ones.xlane vm0;
	v8 =	vnsel vm0, $0xFF800000, v8;
	_ =	sdelay $0x1  }
0x5e: {  	[tilespmem:v9+s9+$0x0] =	vst.idx.msk $0xffff, v8;
	vm0 =	vgt.s32 v10, $0x0  }
0x5f: {  	v8 =	vsel vm0, $0x10, v2;
	v9 =	vld [tilespmem:s12+$0x20]  }
0x60: {  	v7 =	vadd.s32 v7, v8  }
0x61: {  	v8 =	vadd.s32 v1, v7;
	_ =	sdelay $0x2  }
0x62: {  	vm0 =	vgt.f32 v9, v6  }
0x63: {  	v10 =	vmpcnt.ones.xlane vm0;
	v9 =	vnsel vm0, $0xFF800000, v9  }
0x64: {  	[tilespmem:v8+s9+$0x0] =	vst.idx.msk $0xffff, v9  }
0x65: {  	vm0 =	vgt.s32 v10, $0x0;
	v8 =	vld [tilespmem:s12+$0x30]  }
0x66: {  	v9 =	vsel vm0, $0x10, v2  }
0x67: {  	v7 =	vadd.s32 v7, v9  }
0x68: {  	v9 =	vadd.s32 v1, v7;
	_ =	sdelay $0x1  }
.Ltmp1:
0x69: {  	vm0 =	vgt.f32 v8, v6;
	(pc) =	sbr.rel @p1 .LBB2_4-.Ltmp1, $4  }
0x6a: {  	s13 =	sadd.s32 $0x100, s13;
	v10 =	vmpcnt.ones.xlane vm0;
	v8 =	vnsel vm0, $0xFF800000, v8  }
0x6b: {  	s12 =	sand.u32 $0x40, s15;
	s15 =	sand.u32 $0x7E00, s13  }
0x6c: {  	s12 =	sor.u32 s12, s15;
	[tilespmem:v9+s9+$0x0] =	vst.idx.msk $0xffff, v8;
	vm0 =	vgt.s32 v10, $0x0  }
0x6d: {  	v8 =	vld [tilespmem:s12+$0x0];
	v9 =	vsel vm0, $0x10, v2  }
0x6e: {  	v7 =	vadd.s32 v7, v9  }
0x6f: {  	v9 =	vadd.s32 v1, v7;
	_ =	sdelay $0x2  }
0x70: {  	vm0 =	vgt.f32 v8, v6  }
0x71: {  	v10 =	vmpcnt.ones.xlane vm0;
	v8 =	vnsel vm0, $0xFF800000, v8  }
0x72: {  	[tilespmem:v9+s9+$0x0] =	vst.idx.msk $0xffff, v8  }
0x73: {  	vm10 =	vgt.s32 v10, $0x0;
	v8 =	vld [tilespmem:s12+$0x10]  }
0x74: {  	v60 =	vsel vm10, $0x10, v2  }
0x75: {  	v7 =	vadd.s32 v7, v60  }
0x76: {  	v9 =	vadd.s32 v1, v7;
	_ =	sdelay $0x1  }
0x77: {  	vm11 =	vgt.f32 v8, v6  }
0x78: {  	v61 =	vmpcnt.ones.xlane vm11  }
0x79: {  	v8 =	vnsel vm11, $0xFF800000, v8  }
0x7a: {  	[tilespmem:v9+s9+$0x0] =	vst.idx.msk $0xffff, v8;
	vm12 =	vgt.s32 v61, $0x0  }
0x7b: {  	v8 =	vsel vm12, $0x10, v2;
	v9 =	vld [tilespmem:s12+$0x20]  }
0x7c: {  	v7 =	vadd.s32 v7, v8  }
0x7d: {  	v8 =	vadd.s32 v1, v7;
	_ =	sdelay $0x2  }
0x7e: {  	vm13 =	vgt.f32 v9, v6  }
0x7f: {  	v9 =	vnsel vm13, $0xFF800000, v9  }
0x80: {  	[tilespmem:v8+s9+$0x0] =	vst.idx.msk $0xffff, v9  }
0x81: {  	v8 =	vld [tilespmem:s12+$0x30];
	_ =	sdelay $0x4  }
0x82: {  	v62 =	vmpcnt.ones.xlane vm13;
	vm14 =	vgt.f32 v8, v6  }
0x83: {  	v63 =	vmpcnt.ones.xlane vm14  }
0x84: {  	vm1 =	vgt.s32 v62, $0x0  }
0x85: {  	v9 =	vsel vm1, $0x10, v2;
	vm15 =	vgt.s32 v63, $0x0  }
0x86: {  	v7 =	vadd.s32 v7, v9;
	v10 =	vsel vm15, $0x10, v2  }
0x87: {  	v9 =	vadd.s32 v7, v10  }
0x88: {  	v9 =	vxor.u32 $0x80000000, v9  }
0x89: {  	(xrf0) =	vmax.scan.msk.u32 $0xffff, v9;
	_ =	sdelay $0x5  }
0x8a: {  	v9, _, _ =	vpop (xrf0)  }
0x8b: {  	(v2sf) =	vpush v9, $0xF;
	_ =	sdelay $0xa  }
0x8c: {  	v7 =	vadd.s32 v1, v7  }
.Ltmp2:
0x8d: {  	_ = 	snop;
	(pc) =	sbr.rel @!p0 .LBB2_19-.Ltmp2, $4  }
.Ltmp3:
0x8e: {  	_ = 	snop;
	(pc) =	sbr.rel @p0 .LBB2_6-.Ltmp3, $4  }
0x8f: {  	_ = 	snop  }
0x90: {  	v8 =	vnsel vm14, $0xFF800000, v8;
	s31 =	spop (v2sf)  }
0x91: {  	[tilespmem:v7+s9+$0x0] =	vst.idx.msk $0xffff, v8;
	v7 =	vimm.s32 $0x2000;
	s12 =	sxor.u32 $0x80000000, s31  }
0x92: {  	_ = 	snop  }
.LBB2_17:
0x93: {  	vm0 =	veq.s32 v7, v10  }
0x94: {  	(xrf0) =	vmax.scan.msk.u32 $0xffff, v9;
	vm15 =	vgt.s32 v7, $0x10;
	v6 =	vsel vm0, $0x0, v0  }
0x95: {  	(xrf0) =	vmax.scan.msk.f32 $0xffff, v6;
	v6 =	vsel vm15, $0x3F800000, v3  }
0x96: {  	(xrf0) =	vmax.scan.msk.f32 $0xffff, v6;
	_ =	sdelay $0x3  }
0x97: {  	v6, _, _ =	vpop (xrf0)  }
0x98: {  	(v2sf) =	vpush v6, $0xF;
	v63, _, _ =	vpop (xrf0)  }
0x99: {  	(v2sf) =	vpush v63, $0xF;
	v6, _, _ =	vpop (xrf0)  }
0x9a: {  	(v2sf) =	vpush v6, $0xF;
	_ =	sdelay $0x9  }
0x9b: {  	(xrf2) =	vadd.scan.msk.f32 $0xffff, v8;
	_ =	sdelay $0x2  }
0x9c: {  	v6 =	vcvt.s32.f32 v7;
	s12 =	spop (v2sf)  }
0x9d: {  	s13 =	spop (v2sf)  }
0x9e: {  	(erf) = vrcp.f32 v6;
	s14 =	spop (v2sf)  }
0x9f: {  	p1 =	sgt.f32 s14, $0.0e+00;
	_ =	sdelay $0x1  }
0xa0: {  	p2 =	sgt.f32 @p1 s13, $0.0e+00;
	_ =	sdelay $0x1  }
0xa1: {  	v6, _, _ =	vpop (xrf2);
	p2 =	por !p1, !p2  }
.Ltmp4:
0xa2: {  	v6 =	vadd.f32 $-1.000000000e+00, v6;
	(pc) =	sbr.rel @p2 .LBB2_18-.Ltmp4, $4  }
0xa3: {  	_ = 	snop  }
0xa4: {  	v6 =	vbroadcast v6, $0xF  }
0xa5: {  	v8 =	vpop (erf)  }
0xa6: {  	v6 =	vmul.f32 v6, v8;
	s12 =	sxor.u32 $0x80000000, s12  }
.LBB2_6:
0xa7: {  	s13 =	sshrl.u32 s12, $0x4  }
0xa8: {  	p1 =	seq.s32 s13, $0x0  }
.Ltmp5:
0xa9: {  	_ = 	snop;
	(pc) =	sbr.rel @p1 .LBB2_13-.Ltmp5, $3  }
0xaa: {  	_ =	sdelay $0x1  }
0xab: {  	v7 =	vimm.s32 $0x0;
	v8 =	vimm.f32 $0.0e+00;
	v9 =	vimm.s32 $0x80000000  }
0xac: {  	s12 =	simm.s32 $0x8000;
	v11 =	vimm.s32 $0x80000000;
	v12 =	vimm.f32 $0.0e+00;
	v10 =	vimm.s32 $0x0  }
0xad: {  	p2 =	sne.s32 s13, $0x1  }
.Ltmp6:
0xae: {  	_ = 	snop;
	(pc) =	sbr.rel @!p2 .LBB2_8-.Ltmp6, $2  }
0xaf: {  	_ =	sdelay $0x2  }
0xb0: {  	v12 =	vld [tilespmem:s12+$0x0];
	s13 =	sadd.s32 $0xFFFFFFFF, s13;
	p1 =	por $0x0, $0x0  }
0xb1: {  	_ =	sdelay $0x1  }
0xb2: {  	v11 =	vor.u32 v1, v7  }
0xb3: {  	p2 =	sne.s32 s13, $0x1  }
.Ltmp7:
0xb4: {  	vm0 =	vgt.f32 v12, v6;
	(pc) =	sbr.rel @!p2 .LBB2_10-.Ltmp7, $4  }
0xb5: {  	v13 =	vmpcnt.ones.xlane vm0  }
0xb6: {  	v10 =	vnsel vm0, $0x0, v12;
	v12 =	vnsel vm0, $0xFF800000, v12  }
0xb7: {  	s12 =	sadd.s32 $0x10, s12;
	v10 =	vadd.f32 v10, v8;
	[tilespmem:v11+s10+$0x0] =	vst.idx.msk $0xffff, v12;
	vm15 =	vgt.s32 v13, $0x0  }
0xb8: {  	s13 =	sadd.s32 $0xFFFFFFFF, s13;
	p1 =	por $0x1, $0x1;
	v11 =	vadd.s32 v7, v13;
	v12 =	vld [tilespmem:s12+$0x0];
	v13 =	vimm.s32 $0x0;
	v14 =	vsel vm15, $0x10, v2  }
.LBB2_11:
0xb9: {  	p2 =	sne.s32 s13, $0x1;
	v13 =	vadd.s32 v13, v14  }
0xba: {  	v14 =	vor.u32 v1, v13;
	_ =	sdelay $0x2  }
.Ltmp8:
0xbb: {  	vm0 =	vgt.f32 v12, v6;
	(pc) =	sbr.rel @p2 .LBB2_11-.Ltmp8, $4  }
0xbc: {  	v15 =	vnsel vm0, $0x0, v12;
	v16 =	vmpcnt.ones.xlane vm0;
	v12 =	vnsel vm0, $0xFF800000, v12  }
0xbd: {  	v10 =	vadd.f32 v15, v10;
	[tilespmem:v14+s10+$0x0] =	vst.idx.msk $0xffff, v12  }
0xbe: {  	s12 =	sadd.s32 $0x10, s12;
	v11 =	vadd.s32 v11, v16;
	vm0 =	vgt.s32 v16, $0x0  }
0xbf: {  	s13 =	sadd.s32 $0xFFFFFFFF, s13;
	v12 =	vld [tilespmem:s12+$0x0];
	v14 =	vsel vm0, $0x10, v2  }
.LBB2_12:
0xc0: {  	_ =	sdelay $0x2  }
0xc1: {  	v13 =	vadd.s32 @p1 v13, v14  }
0xc2: {  	v13 =	vpsel p1, v13, v7;
	vm0 =	vgt.f32 v12, v6  }
0xc3: {  	v6 =	vor.u32 v1, v13;
	v14 =	vmpcnt.ones.xlane vm0;
	_ =	sdelay $0x1  }
0xc4: {  	vm1 =	vgt.s32 v14, $0x0  }
0xc5: {  	v15 =	vsel vm1, $0x10, v2  }
0xc6: {  	v16 =	vnsel vm0, $0x0, v12;
	v17 =	vnsel vm0, $0xFF800000, v12;
	v13 =	vadd.s32 v13, v15  }
0xc7: {  	v12 =	vadd.f32 v16, v10;
	v10 =	vadd.s32 v11, v14;
	[tilespmem:v6+s10+$0x0] =	vst.idx.msk $0xffff, v17;
	v11 =	vxor.u32 $0x80000000, v13  }
.LBB2_13:
0xc8: {  	(xrf0) =	vmax.scan.msk.u32 $0xffff, v11;
	_ =	sdelay $0x5  }
0xc9: {  	v6, _, _ =	vpop (xrf0)  }
0xca: {  	(v2sf) =	vpush v6, $0xF;
	_ =	sdelay $0xa  }
0xcb: {  	(xrf2) =	vadd.scan.msk.f32 $0xffff, v12;
	v6 =	vcvt.s32.f32 v10;
	_ =	sdelay $0x1  }
0xcc: {  	(erf) = vrcp.f32 v6;
	_ =	sdelay $0x1  }
0xcd: {  	s12 =	spop (v2sf)  }
0xce: {  	s12 =	sshrl.u32 s12, $0x4  }
0xcf: {  	p1 =	seq.s32 s12, $0x8000000  }
.Ltmp9:
0xd0: {  	_ = 	snop;
	(pc) =	sbr.rel @p1 .LBB2_17-.Ltmp9, $3  }
0xd1: {  	_ =	sdelay $0x1  }
0xd2: {  	v6, _, _ =	vpop (xrf2)  }
0xd3: {  	v11 =	vpop (erf)  }
0xd4: {  	v6 =	vadd.f32 $-1.000000000e+00, v6;
	_ =	sdelay $0x1  }
0xd5: {  	v6 =	vbroadcast v6, $0xF;
	_ =	sdelay $0x1  }
0xd6: {  	s13 =	simm.s32 $0x1;
	s14 =	simm.s32 $0xA000;
	v9 =	vimm.s32 $0x0;
	v6 =	vmul.f32 v6, v11  }
.LBB2_15:
0xd7: {  	v11 =	vld [tilespmem:s14+$0x0];
	_ =	sdelay $0x3  }
0xd8: {  	s15 =	sxor.u32 s13, s12  }
0xd9: {  	v12 =	vor.u32 v1, v9;
	p1 =	sne.s32 s15, $0x8000000;
	vm0 =	vgt.f32 v11, v6  }
.Ltmp10:
0xda: {  	v13 =	vmpcnt.ones.xlane vm0;
	(pc) =	sbr.rel @p1 .LBB2_15-.Ltmp10, $4  }
0xdb: {  	_ = 	snop  }
0xdc: {  	v14 =	vnsel vm0, $0x0, v11;
	vm1 =	vgt.s32 v13, $0x0  }
0xdd: {  	v11 =	vnsel vm0, $0xFF800000, v11;
	v8 =	vadd.f32 v14, v8;
	v63 =	vsel vm1, $0x10, v2  }
0xde: {  	s13 =	sadd.s32 $0x1, s13;
	s14 =	sadd.s32 $0x10, s14;
	[tilespmem:v12+s9+$0x0] =	vst.idx.msk $0xffff, v11;
	v7 =	vadd.s32 v7, v13;
	v9 =	vadd.s32 v9, v63  }
.Ltmp11:
0xdf: {  	(pc) =	sbr.rel .LBB2_17-.Ltmp11, $2  }
0xe0: {  	_ =	sdelay $0x2  }
0xe1: {  	v9 =	vxor.u32 $0x80000000, v9  }
.LBB2_8:
.Ltmp12:
0xe2: {  	(pc) =	sbr.rel .LBB2_12-.Ltmp12, $2  }
0xe3: {  	_ =	sdelay $0x2  }
0xe4: {  	v13 =	vimm.s32 $0x0;
	v10 =	vimm.f32 $0.0e+00;
	v11 =	vimm.s32 $0x0  }
.LBB2_10:
.Ltmp13:
0xe5: {  	(pc) =	sbr.rel .LBB2_12-.Ltmp13, $2  }
0xe6: {  	_ =	sdelay $0x2  }
0xe7: {  	v13 =	vimm.s32 $0x0  }
.LBB2_18:
0xe8: {  	_ = 	snop  }
0xe9: {  	v7 =	vpsel p1, v7, v7;
	s12 =	smov.u32 @p1 s12;
	v6 =	vpsel p1, v6, v6  }
.LBB2_19:
0xea: {  	v8 =	vcvt.s32.f32 v7;
	_ =	sdelay $0x1  }
0xeb: {  	(erf) = vrcp.f32 v8;
	_ =	sdelay $0x2  }
0xec: {  	s13 =	sshrl.u32 s12, $0x4  }
0xed: {  	p1 =	seq.s32 s13, $0x0  }
.Ltmp14:
0xee: {  	_ = 	snop;
	(pc) =	sbr.rel @p1 .LBB2_23-.Ltmp14, $2  }
0xef: {  	_ =	sdelay $0x2  }
0xf0: {  	[tilespmem:$0xA000] =	vst v4;
	v8 =	vpop (erf)  }
0xf1: {  	p1 =	sne.s32 s13, $0x1  }
.Ltmp15:
0xf2: {  	_ = 	snop;
	(pc) =	sbr.rel @!p1 .LBB2_22-.Ltmp15, $3  }
0xf3: {  	_ =	sdelay $0x1  }
0xf4: {  	s12 =	simm.s32 $0x8000  }
0xf5: {  	v9 =	vimm.s32 $0x0;
	s13 =	sadd.s32 $0xFFFFFFFF, s13;
	v11 =	vimm.s32 $0x0;
	v10 =	vld [tilespmem:s12+$0x0]  }
.LBB2_21:
0xf6: {  	p1 =	sne.s32 s13, $0x1;
	_ =	sdelay $0x3  }
0xf7: {  	vm0 =	vlt.f32 v10, $-Inf;
	vm1 =	vgt.f32 v10, $-Inf  }
0xf8: {  	vm0 =	vmor vm1, vm0  }
0xf9: {  	v12 =	vsel vm0, $0x1, v2;
	v13 =	vmpcnt.ones.xlane vm0  }
0xfa: {  	(xrf0) =	vadd.scan.msk.s32 $0xffff, v12  }
0xfb: {  	v11 =	vadd.s32 v11, v13;
	_ =	sdelay $0x4  }
0xfc: {  	v12, _, _ =	vpop (xrf0)  }
0xfd: {  	v12 =	vadd.s32 v12, v9;
	v9 =	vmov v11  }
0xfe: {  	v12 =	vadd.s32 $0xFFFFFFFF, v12;
	_ =	sdelay $0x1  }
.Ltmp16:
0xff: {  	(pc) =	sbr.rel @p1 .LBB2_21-.Ltmp16, $3  }
0x100: {  	_ =	sdelay $0x1  }
0x101: {  	s12 =	sadd.s32 $0x10, s12;
	[tilespmem:v12+s10+$0x0] =	vst.idx.msk vm0, v10  }
0x102: {  	s13 =	sadd.s32 $0xFFFFFFFF, s13;
	v10 =	vld [tilespmem:s12+$0x0]  }
.LBB2_22:
0x103: {  	_ =	sdelay $0x3  }
0x104: {  	vm0 =	vlt.f32 v10, $-Inf;
	vm1 =	vgt.f32 v10, $-Inf  }
0x105: {  	vm0 =	vmor vm1, vm0  }
0x106: {  	v11 =	vsel vm0, $0x1, v2  }
0x107: {  	(xrf0) =	vadd.scan.msk.s32 $0xffff, v11;
	_ =	sdelay $0x5  }
0x108: {  	v11, _, _ =	vpop (xrf0)  }
0x109: {  	v9 =	vadd.s32 v11, v9  }
0x10a: {  	v9 =	vadd.s32 $0xFFFFFFFF, v9;
	_ =	sdelay $0x4  }
0x10b: {  	[tilespmem:v9+s10+$0x0] =	vst.idx.msk vm0, v10  }
.LBB2_23:
0x10c: {  	v9 =	vld [tilespmem:$0xA000];
	_ =	sdelay $0x4  }
0x10d: {  	(xrf1) =	vsort.dscd.msk.f32 $0xffff, v9, v1;
	_ =	sdelay $0xd  }
0x10e: {  	v9, _, _ =	vpop (xrf1)  }
0x10f: {  	(xrf2) =	vadd.scan.msk.f32 $0xffff, v9;
	_ =	sdelay $0x9  }
0x110: {  	v10, _, _ =	vpop (xrf2)  }
0x111: {  	v11 =	vmul.f32 v5, v9;
	v10 =	vadd.f32 $-1.000000000e+00, v10;
	_ =	sdelay $0x1  }
0x112: {  	vm0 =	vgt.f32 v11, v10  }
0x113: {  	v9 =	vnsel vm0, $0x0, v9  }
0x114: {  	(xrf2) =	vadd.scan.msk.f32 $0xffff, v9  }
0x115: {  	v9 =	vmpcnt.ones.xlane vm0;
	_ =	sdelay $0x1  }
0x116: {  	v9 =	vcvt.s32.f32 v9;
	_ =	sdelay $0x1  }
0x117: {  	(erf) = vrcp.f32 v9;
	_ =	sdelay $0x4  }
0x118: {  	v9, _, _ =	vpop (xrf2)  }
0x119: {  	v9 =	vadd.f32 $-2.000000000e+00, v9  }
0x11a: {  	s12 =	simm.s32 $0x40  }
0x11b: {  	v10 =	vld [tilespmem:s12+$0x30];
	v9 =	vbroadcast v9, $0xF  }
0x11c: {  	v12 =	vld [tilespmem:s12+$0xFFFFFFD0];
	v11 =	vpop (erf)  }
0x11d: {  	v6 =	vsub.f32 v6, v8;
	v14 =	vld [tilespmem:s12+$0xFFFFFFE0];
	v8 =	vmul.f32 v9, v11  }
0x11e: {  	vm15 =	vlt.s32 v7, $0x11;
	v11 =	vld [tilespmem:s12+$0xFFFFFFF0]  }
0x11f: {  	v9 =	vld [tilespmem:s12+$0x0];
	v6 =	vsel vm15, v8, v6  }
0x120: {  	v7 =	vld [tilespmem:s12+$0x10];
	v15 =	vsub.f32 v10, v6  }
0x121: {  	v8 =	vld [tilespmem:s12+$0x20];
	v13 =	vsub.f32 v12, v6  }
0x122: {  	s14 =	simm.s32 $0x0;
	s15 =	simm.s32 $0x240;
	v10 =	vld [tilespmem:s12+$0xFFFFFFC0];
	v12 =	vsub.f32 v14, v6;
	v14 =	vmax.f32 v15, $0.0e+00  }
.LBB2_24:
0x123: {  	v15 =	vld [tilespmem:s15+$0x30];
	s14 =	sadd.s32 $0x80, s14;
	v13 =	vmax.f32 v13, $0.0e+00;
	v11 =	vsub.f32 v11, v6;
	[tilespmem:s12+$0x30] =	vst v14;
	s13 =	simm.s32 $0xF0  }
0x124: {  	v14 =	vld [tilespmem:s15+$0xFFFFFFD0];
	p1 =	slt.u32 s14, $0x1F80;
	[tilespmem:s12+$0xFFFFFFD0] =	vst v13;
	v12 =	vmax.f32 v12, $0.0e+00;
	v9 =	vsub.f32 v9, v6  }
0x125: {  	v16 =	vld [tilespmem:s15+$0xFFFFFFE0];
	[tilespmem:s12+$0xFFFFFFE0] =	vst v12;
	v12 =	vmax.f32 v11, $0.0e+00;
	v7 =	vsub.f32 v7, v6  }
.Ltmp17:
0x126: {  	v11 =	vld [tilespmem:s15+$0xFFFFFFF0];
	[tilespmem:s12+$0xFFFFFFF0] =	vst v12;
	v12 =	vmax.f32 v9, $0.0e+00;
	v8 =	vsub.f32 v8, v6;
	(pc) =	sbr.rel @p1 .LBB2_24-.Ltmp17, $4  }
0x127: {  	v9 =	vld [tilespmem:s15+$0x0];
	v10 =	vsub.f32 v10, v6;
	[tilespmem:s12+$0x0] =	vst v12;
	v12 =	vmax.f32 v7, $0.0e+00  }
0x128: {  	v7 =	vld [tilespmem:s15+$0x10];
	v15 =	vsub.f32 v15, v6;
	[tilespmem:s12+$0x10] =	vst v12;
	v12 =	vmax.f32 v8, $0.0e+00  }
0x129: {  	v13 =	vsub.f32 v14, v6;
	v8 =	vld [tilespmem:s15+$0x20];
	v17 =	vmax.f32 v10, $0.0e+00;
	[tilespmem:s12+$0x20] =	vst v12  }
0x12a: {  	v10 =	vld [tilespmem:s15+$0xFFFFFFC0];
	v12 =	vsub.f32 v16, v6;
	v14 =	vmax.f32 v15, $0.0e+00;
	[tilespmem:s12+$0xFFFFFFC0] =	vst v17;
	s12 =	smov.u32 s15;
	s15 =	sadd.s32 $0x200, s15  }
0x12b: {  	v13 =	vmax.f32 v13, $0.0e+00;
	v11 =	vsub.f32 v11, v6;
	[tilespmem:s12+$0x30] =	vst v14  }
0x12c: {  	[tilespmem:s12+$0xFFFFFFD0] =	vst v13;
	v12 =	vmax.f32 v12, $0.0e+00;
	v9 =	vsub.f32 v9, v6  }
0x12d: {  	[tilespmem:s12+$0xFFFFFFE0] =	vst v12;
	v11 =	vmax.f32 v11, $0.0e+00;
	v7 =	vsub.f32 v7, v6  }
0x12e: {  	[tilespmem:s12+$0xFFFFFFF0] =	vst v11;
	v9 =	vmax.f32 v9, $0.0e+00;
	v8 =	vsub.f32 v8, v6  }
0x12f: {  	v6 =	vsub.f32 v10, v6;
	[tilespmem:s12+$0x0] =	vst v9;
	v7 =	vmax.f32 v7, $0.0e+00  }
0x130: {  	[tilespmem:s12+$0x10] =	vst v7;
	v7 =	vmax.f32 v8, $0.0e+00  }
0x131: {  	v6 =	vmax.f32 v6, $0.0e+00;
	[tilespmem:s12+$0x20] =	vst v7  }
0x132: {  	[tilespmem:s12+$0xFFFFFFC0] =	vst v6  }
0x133: {  	v7 =	vld [tilespmem:s13+$0xFFFFFFD0]  }
0x134: {  	v13 =	vld [tilespmem:s13+$0xFFFFFFE0]  }
0x135: {  	v10 =	vld [tilespmem:s13+$0xFFFFFFF0]  }
0x136: {  	v6 =	vld [tilespmem:s13+$0xFFFFFF90]  }
0x137: {  	v8 =	vld [tilespmem:s13+$0xFFFFFFA0]  }
0x138: {  	v11 =	vld [tilespmem:s13+$0xFFFFFFB0]  }
0x139: {  	v15 =	vld [tilespmem:s13+$0xFFFFFFC0]  }
0x13a: {  	v12 =	vimm.f32 $-Inf;
	v9 =	vimm.f32 $-Inf;
	s12 =	simm.s32 $0x0;
	v14 =	vld [tilespmem:s13+$0x0];
	s13 =	simm.s32 $0x2F0  }
.LBB2_26:
0x13b: {  	v16 =	vld [tilespmem:s13+$0xFFFFFFD0]  }
0x13c: {  	s12 =	sadd.s32 $0x80, s12;
	v17 =	vld [tilespmem:s13+$0xFFFFFFE0]  }
0x13d: {  	p1 =	slt.u32 s12, $0x1F80;
	v18 =	vld [tilespmem:s13+$0xFFFFFFF0]  }
.Ltmp18:
0x13e: {  	v13 =	vmax.f32 v7, v13;
	v19 =	vmax.f32 v6, v8;
	v6 =	vld [tilespmem:s13+$0xFFFFFF90];
	v11 =	vmax.f32 v11, v15;
	(pc) =	sbr.rel @p1 .LBB2_26-.Ltmp18, $4  }
0x13f: {  	v9 =	vmax.f32 v9, v19;
	v8 =	vld [tilespmem:s13+$0xFFFFFFA0];
	v12 =	vmax.f32 v12, v11;
	v10 =	vmax.f32 v10, v14  }
0x140: {  	v9 =	vmax.f32 v9, v13;
	v11 =	vld [tilespmem:s13+$0xFFFFFFB0];
	v12 =	vmax.f32 v12, v10;
	v7 =	vmov v16  }
0x141: {  	v15 =	vld [tilespmem:s13+$0xFFFFFFC0];
	v13 =	vmov v17  }
0x142: {  	v14 =	vld [tilespmem:s13+$0x0];
	s13 =	sadd.s32 $0x200, s13;
	v10 =	vmov v18  }
0x143: {  	_ =	sdelay $0x2  }
0x144: {  	v7 =	vmax.f32 v7, v13;
	v6 =	vmax.f32 v6, v8;
	v8 =	vmax.f32 v11, v15  }
0x145: {  	v6 =	vmax.f32 v9, v6;
	v8 =	vmax.f32 v12, v8;
	v9 =	vmax.f32 v10, v14  }
0x146: {  	v6 =	vmax.f32 v6, v7;
	v7 =	vmax.f32 v8, v9  }
0x147: {  	v6 =	vmax.f32 v6, v7  }
0x148: {  	(xrf0) =	vmax.scan.msk.f32 $0xffff, v6;
	_ =	sdelay $0x2  }
0x149: {  	s12 =	simm.s32 $0x0  }
0x14a: {  	s13 =	sand.u32 $0x40, s12;
	s12 =	sand.u32 $0x7E00, s12  }
0x14b: {  	s12 =	sor.u32 s13, s12  }
0x14c: {  	v7 =	vld [tilespmem:s12+$0x80];
	v6, _, _ =	vpop (xrf0)  }
0x14d: {  	v8 =	vimm.s32 $0x0;
	v6 =	vadd.f32 $-1.000000000e+00, v6  }
0x14e: {  	v9 =	vadd.s32 v1, v8  }
0x14f: {  	v6 =	vbroadcast v6, $0xF;
	_ =	sdelay $0x1  }
0x150: {  	vm0 =	vgt.f32 v7, v6  }
0x151: {  	v10 =	vmpcnt.ones.xlane vm0;
	v7 =	vnsel vm0, $0xFF800000, v7  }
0x152: {  	[tilespmem:v9+s9+$0x0] =	vst.idx.msk $0xffff, v7  }
0x153: {  	vm9 =	vgt.s32 v10, $0x0;
	v7 =	vld [tilespmem:s12+$0x90]  }
0x154: {  	v9 =	vsel vm9, $0x10, v2  }
0x155: {  	v8 =	vadd.s32 v8, v9  }
0x156: {  	v9 =	vadd.s32 v1, v8;
	_ =	sdelay $0x1  }
0x157: {  	vm10 =	vgt.f32 v7, v6  }
0x158: {  	v10 =	vmpcnt.ones.xlane vm10  }
0x159: {  	v7 =	vnsel vm10, $0xFF800000, v7  }
0x15a: {  	[tilespmem:v9+s9+$0x0] =	vst.idx.msk $0xffff, v7;
	vm11 =	vgt.s32 v10, $0x0  }
0x15b: {  	v7 =	vsel vm11, $0x10, v2;
	v9 =	vld [tilespmem:s12+$0xA0]  }
0x15c: {  	v7 =	vadd.s32 v8, v7  }
0x15d: {  	v8 =	vadd.s32 v1, v7;
	_ =	sdelay $0x2  }
0x15e: {  	vm12 =	vgt.f32 v9, v6  }
0x15f: {  	v10 =	vmpcnt.ones.xlane vm12;
	v9 =	vnsel vm12, $0xFF800000, v9  }
0x160: {  	[tilespmem:v8+s9+$0x0] =	vst.idx.msk $0xffff, v9  }
0x161: {  	vm13 =	vgt.s32 v10, $0x0;
	v8 =	vld [tilespmem:s12+$0xB0]  }
0x162: {  	v9 =	vsel vm13, $0x10, v2  }
0x163: {  	v7 =	vadd.s32 v7, v9  }
0x164: {  	v9 =	vadd.s32 v1, v7;
	_ =	sdelay $0x1  }
0x165: {  	vm14 =	vgt.f32 v8, v6  }
0x166: {  	s31 =	simm.s32 $0x40;
	s13 =	simm.s32 $0x100;
	v10 =	vmpcnt.ones.xlane vm14  }
0x167: {  	s14 =	sand.u32 $0x7E00, s13;
	s12 =	sand.u32 $0x40, s31;
	v8 =	vnsel vm14, $0xFF800000, v8  }
0x168: {  	s12 =	sor.u32 s12, s14;
	[tilespmem:v9+s9+$0x0] =	vst.idx.msk $0xffff, v8;
	vm15 =	vgt.s32 v10, $0x0  }
0x169: {  	s14 =	simm.s32 $0x80;
	v8 =	vld [tilespmem:s12+$0x80];
	v9 =	vsel vm15, $0x10, v2  }
.LBB2_28:
0x16a: {  	p1 =	sne.s32 s14, $0x1FC0;
	v7 =	vadd.s32 v7, v9;
	s15 =	smov.u32 s14;
	s14 =	sadd.s32 $0x40, s14  }
0x16b: {  	v9 =	vadd.s32 v1, v7;
	_ =	sdelay $0x2  }
0x16c: {  	vm0 =	vgt.f32 v8, v6  }
0x16d: {  	v10 =	vmpcnt.ones.xlane vm0;
	v8 =	vnsel vm0, $0xFF800000, v8  }
0x16e: {  	[tilespmem:v9+s9+$0x0] =	vst.idx.msk $0xffff, v8  }
0x16f: {  	vm0 =	vgt.s32 v10, $0x0;
	v8 =	vld [tilespmem:s12+$0x90]  }
0x170: {  	v9 =	vsel vm0, $0x10, v2  }
0x171: {  	v7 =	vadd.s32 v7, v9  }
0x172: {  	v9 =	vadd.s32 v1, v7;
	_ =	sdelay $0x1  }
0x173: {  	vm0 =	vgt.f32 v8, v6  }
0x174: {  	v10 =	vmpcnt.ones.xlane vm0;
	v8 =	vnsel vm0, $0xFF800000, v8;
	_ =	sdelay $0x1  }
0x175: {  	[tilespmem:v9+s9+$0x0] =	vst.idx.msk $0xffff, v8;
	vm0 =	vgt.s32 v10, $0x0  }
0x176: {  	v8 =	vsel vm0, $0x10, v2;
	v9 =	vld [tilespmem:s12+$0xA0]  }
0x177: {  	v7 =	vadd.s32 v7, v8  }
0x178: {  	v8 =	vadd.s32 v1, v7;
	_ =	sdelay $0x2  }
0x179: {  	vm0 =	vgt.f32 v9, v6  }
0x17a: {  	v10 =	vmpcnt.ones.xlane vm0;
	v9 =	vnsel vm0, $0xFF800000, v9  }
0x17b: {  	[tilespmem:v8+s9+$0x0] =	vst.idx.msk $0xffff, v9  }
0x17c: {  	vm0 =	vgt.s32 v10, $0x0;
	v8 =	vld [tilespmem:s12+$0xB0]  }
0x17d: {  	v9 =	vsel vm0, $0x10, v2  }
0x17e: {  	v7 =	vadd.s32 v7, v9  }
0x17f: {  	v9 =	vadd.s32 v1, v7;
	_ =	sdelay $0x1  }
.Ltmp19:
0x180: {  	vm0 =	vgt.f32 v8, v6;
	(pc) =	sbr.rel @p1 .LBB2_28-.Ltmp19, $4  }
0x181: {  	s13 =	sadd.s32 $0x100, s13;
	v10 =	vmpcnt.ones.xlane vm0;
	v8 =	vnsel vm0, $0xFF800000, v8  }
0x182: {  	s12 =	sand.u32 $0x40, s15;
	s15 =	sand.u32 $0x7E00, s13  }
0x183: {  	s12 =	sor.u32 s12, s15;
	[tilespmem:v9+s9+$0x0] =	vst.idx.msk $0xffff, v8;
	vm0 =	vgt.s32 v10, $0x0  }
0x184: {  	v8 =	vld [tilespmem:s12+$0x80];
	v9 =	vsel vm0, $0x10, v2  }
0x185: {  	v7 =	vadd.s32 v7, v9  }
0x186: {  	v9 =	vadd.s32 v1, v7;
	_ =	sdelay $0x2  }
0x187: {  	vm0 =	vgt.f32 v8, v6  }
0x188: {  	v10 =	vmpcnt.ones.xlane vm0;
	v8 =	vnsel vm0, $0xFF800000, v8  }
0x189: {  	[tilespmem:v9+s9+$0x0] =	vst.idx.msk $0xffff, v8  }
0x18a: {  	vm10 =	vgt.s32 v10, $0x0;
	v8 =	vld [tilespmem:s12+$0x90]  }
0x18b: {  	v60 =	vsel vm10, $0x10, v2  }
0x18c: {  	v7 =	vadd.s32 v7, v60  }
0x18d: {  	v9 =	vadd.s32 v1, v7;
	_ =	sdelay $0x1  }
0x18e: {  	vm11 =	vgt.f32 v8, v6  }
0x18f: {  	v61 =	vmpcnt.ones.xlane vm11  }
0x190: {  	v8 =	vnsel vm11, $0xFF800000, v8  }
0x191: {  	[tilespmem:v9+s9+$0x0] =	vst.idx.msk $0xffff, v8;
	vm12 =	vgt.s32 v61, $0x0  }
0x192: {  	v8 =	vsel vm12, $0x10, v2;
	v9 =	vld [tilespmem:s12+$0xA0]  }
0x193: {  	v7 =	vadd.s32 v7, v8  }
0x194: {  	v8 =	vadd.s32 v1, v7;
	_ =	sdelay $0x2  }
0x195: {  	vm13 =	vgt.f32 v9, v6  }
0x196: {  	v9 =	vnsel vm13, $0xFF800000, v9  }
0x197: {  	[tilespmem:v8+s9+$0x0] =	vst.idx.msk $0xffff, v9  }
0x198: {  	v8 =	vld [tilespmem:s12+$0xB0];
	_ =	sdelay $0x4  }
0x199: {  	v62 =	vmpcnt.ones.xlane vm13;
	vm14 =	vgt.f32 v8, v6  }
0x19a: {  	v63 =	vmpcnt.ones.xlane vm14  }
0x19b: {  	vm1 =	vgt.s32 v62, $0x0  }
0x19c: {  	v9 =	vsel vm1, $0x10, v2;
	vm15 =	vgt.s32 v63, $0x0  }
0x19d: {  	v7 =	vadd.s32 v7, v9;
	v10 =	vsel vm15, $0x10, v2  }
0x19e: {  	v9 =	vadd.s32 v7, v10  }
0x19f: {  	v9 =	vxor.u32 $0x80000000, v9  }
0x1a0: {  	(xrf0) =	vmax.scan.msk.u32 $0xffff, v9;
	_ =	sdelay $0x5  }
0x1a1: {  	v9, _, _ =	vpop (xrf0)  }
0x1a2: {  	(v2sf) =	vpush v9, $0xF;
	_ =	sdelay $0xa  }
0x1a3: {  	v7 =	vadd.s32 v1, v7  }
.Ltmp20:
0x1a4: {  	_ = 	snop;
	(pc) =	sbr.rel @!p0 .LBB2_43-.Ltmp20, $4  }
.Ltmp21:
0x1a5: {  	_ = 	snop;
	(pc) =	sbr.rel @p0 .LBB2_30-.Ltmp21, $4  }
0x1a6: {  	_ = 	snop  }
0x1a7: {  	v8 =	vnsel vm14, $0xFF800000, v8;
	s31 =	spop (v2sf)  }
0x1a8: {  	[tilespmem:v7+s9+$0x0] =	vst.idx.msk $0xffff, v8;
	v7 =	vimm.s32 $0x2000;
	s12 =	sxor.u32 $0x80000000, s31  }
0x1a9: {  	_ = 	snop  }
.LBB2_41:
0x1aa: {  	vm0 =	veq.s32 v7, v10  }
0x1ab: {  	(xrf0) =	vmax.scan.msk.u32 $0xffff, v9;
	vm15 =	vgt.s32 v7, $0x10;
	v6 =	vsel vm0, $0x0, v0  }
0x1ac: {  	(xrf0) =	vmax.scan.msk.f32 $0xffff, v6;
	v6 =	vsel vm15, $0x3F800000, v3  }
0x1ad: {  	(xrf0) =	vmax.scan.msk.f32 $0xffff, v6;
	_ =	sdelay $0x3  }
0x1ae: {  	v6, _, _ =	vpop (xrf0)  }
0x1af: {  	(v2sf) =	vpush v6, $0xF;
	v63, _, _ =	vpop (xrf0)  }
0x1b0: {  	(v2sf) =	vpush v63, $0xF;
	v6, _, _ =	vpop (xrf0)  }
0x1b1: {  	(v2sf) =	vpush v6, $0xF;
	_ =	sdelay $0x9  }
0x1b2: {  	(xrf2) =	vadd.scan.msk.f32 $0xffff, v8;
	_ =	sdelay $0x2  }
0x1b3: {  	v6 =	vcvt.s32.f32 v7;
	s12 =	spop (v2sf)  }
0x1b4: {  	s13 =	spop (v2sf)  }
0x1b5: {  	(erf) = vrcp.f32 v6;
	s14 =	spop (v2sf)  }
0x1b6: {  	p1 =	sgt.f32 s14, $0.0e+00;
	_ =	sdelay $0x1  }
0x1b7: {  	p2 =	sgt.f32 @p1 s13, $0.0e+00;
	_ =	sdelay $0x1  }
0x1b8: {  	v6, _, _ =	vpop (xrf2);
	p2 =	por !p1, !p2  }
.Ltmp22:
0x1b9: {  	v6 =	vadd.f32 $-1.000000000e+00, v6;
	(pc) =	sbr.rel @p2 .LBB2_42-.Ltmp22, $4  }
0x1ba: {  	_ = 	snop  }
0x1bb: {  	v6 =	vbroadcast v6, $0xF  }
0x1bc: {  	v8 =	vpop (erf)  }
0x1bd: {  	v6 =	vmul.f32 v6, v8;
	s12 =	sxor.u32 $0x80000000, s12  }
.LBB2_30:
0x1be: {  	s13 =	sshrl.u32 s12, $0x4  }
0x1bf: {  	p1 =	seq.s32 s13, $0x0  }
.Ltmp23:
0x1c0: {  	_ = 	snop;
	(pc) =	sbr.rel @p1 .LBB2_37-.Ltmp23, $3  }
0x1c1: {  	_ =	sdelay $0x1  }
0x1c2: {  	v7 =	vimm.s32 $0x0;
	v8 =	vimm.f32 $0.0e+00;
	v9 =	vimm.s32 $0x80000000  }
0x1c3: {  	s12 =	simm.s32 $0x8000;
	v11 =	vimm.s32 $0x80000000;
	v12 =	vimm.f32 $0.0e+00;
	v10 =	vimm.s32 $0x0  }
0x1c4: {  	p2 =	sne.s32 s13, $0x1  }
.Ltmp24:
0x1c5: {  	_ = 	snop;
	(pc) =	sbr.rel @!p2 .LBB2_32-.Ltmp24, $2  }
0x1c6: {  	_ =	sdelay $0x2  }
0x1c7: {  	v12 =	vld [tilespmem:s12+$0x0];
	s13 =	sadd.s32 $0xFFFFFFFF, s13;
	p1 =	por $0x0, $0x0  }
0x1c8: {  	_ =	sdelay $0x1  }
0x1c9: {  	v11 =	vor.u32 v1, v7  }
0x1ca: {  	p2 =	sne.s32 s13, $0x1  }
.Ltmp25:
0x1cb: {  	vm0 =	vgt.f32 v12, v6;
	(pc) =	sbr.rel @!p2 .LBB2_34-.Ltmp25, $4  }
0x1cc: {  	v13 =	vmpcnt.ones.xlane vm0  }
0x1cd: {  	v10 =	vnsel vm0, $0x0, v12;
	v12 =	vnsel vm0, $0xFF800000, v12  }
0x1ce: {  	s12 =	sadd.s32 $0x10, s12;
	v10 =	vadd.f32 v10, v8;
	[tilespmem:v11+s10+$0x0] =	vst.idx.msk $0xffff, v12;
	vm15 =	vgt.s32 v13, $0x0  }
0x1cf: {  	s13 =	sadd.s32 $0xFFFFFFFF, s13;
	p1 =	por $0x1, $0x1;
	v11 =	vadd.s32 v7, v13;
	v12 =	vld [tilespmem:s12+$0x0];
	v13 =	vimm.s32 $0x0;
	v14 =	vsel vm15, $0x10, v2  }
.LBB2_35:
0x1d0: {  	p2 =	sne.s32 s13, $0x1;
	v13 =	vadd.s32 v13, v14  }
0x1d1: {  	v14 =	vor.u32 v1, v13;
	_ =	sdelay $0x2  }
.Ltmp26:
0x1d2: {  	vm0 =	vgt.f32 v12, v6;
	(pc) =	sbr.rel @p2 .LBB2_35-.Ltmp26, $4  }
0x1d3: {  	v15 =	vnsel vm0, $0x0, v12;
	v16 =	vmpcnt.ones.xlane vm0;
	v12 =	vnsel vm0, $0xFF800000, v12  }
0x1d4: {  	v10 =	vadd.f32 v15, v10;
	[tilespmem:v14+s10+$0x0] =	vst.idx.msk $0xffff, v12  }
0x1d5: {  	s12 =	sadd.s32 $0x10, s12;
	v11 =	vadd.s32 v11, v16;
	vm0 =	vgt.s32 v16, $0x0  }
0x1d6: {  	s13 =	sadd.s32 $0xFFFFFFFF, s13;
	v12 =	vld [tilespmem:s12+$0x0];
	v14 =	vsel vm0, $0x10, v2  }
.LBB2_36:
0x1d7: {  	_ =	sdelay $0x2  }
0x1d8: {  	v13 =	vadd.s32 @p1 v13, v14  }
0x1d9: {  	v13 =	vpsel p1, v13, v7;
	vm0 =	vgt.f32 v12, v6  }
0x1da: {  	v6 =	vor.u32 v1, v13;
	v14 =	vmpcnt.ones.xlane vm0;
	_ =	sdelay $0x1  }
0x1db: {  	vm1 =	vgt.s32 v14, $0x0  }
0x1dc: {  	v15 =	vsel vm1, $0x10, v2  }
0x1dd: {  	v16 =	vnsel vm0, $0x0, v12;
	v17 =	vnsel vm0, $0xFF800000, v12;
	v13 =	vadd.s32 v13, v15  }
0x1de: {  	v12 =	vadd.f32 v16, v10;
	v10 =	vadd.s32 v11, v14;
	[tilespmem:v6+s10+$0x0] =	vst.idx.msk $0xffff, v17;
	v11 =	vxor.u32 $0x80000000, v13  }
.LBB2_37:
0x1df: {  	(xrf0) =	vmax.scan.msk.u32 $0xffff, v11;
	_ =	sdelay $0x5  }
0x1e0: {  	v6, _, _ =	vpop (xrf0)  }
0x1e1: {  	(v2sf) =	vpush v6, $0xF;
	_ =	sdelay $0xa  }
0x1e2: {  	(xrf2) =	vadd.scan.msk.f32 $0xffff, v12;
	v6 =	vcvt.s32.f32 v10;
	_ =	sdelay $0x1  }
0x1e3: {  	(erf) = vrcp.f32 v6;
	_ =	sdelay $0x1  }
0x1e4: {  	s12 =	spop (v2sf)  }
0x1e5: {  	s12 =	sshrl.u32 s12, $0x4  }
0x1e6: {  	p1 =	seq.s32 s12, $0x8000000  }
.Ltmp27:
0x1e7: {  	_ = 	snop;
	(pc) =	sbr.rel @p1 .LBB2_41-.Ltmp27, $3  }
0x1e8: {  	_ =	sdelay $0x1  }
0x1e9: {  	v6, _, _ =	vpop (xrf2)  }
0x1ea: {  	v11 =	vpop (erf)  }
0x1eb: {  	v6 =	vadd.f32 $-1.000000000e+00, v6;
	_ =	sdelay $0x1  }
0x1ec: {  	v6 =	vbroadcast v6, $0xF;
	_ =	sdelay $0x1  }
0x1ed: {  	s13 =	simm.s32 $0x1;
	s14 =	simm.s32 $0xA000;
	v9 =	vimm.s32 $0x0;
	v6 =	vmul.f32 v6, v11  }
.LBB2_39:
0x1ee: {  	v11 =	vld [tilespmem:s14+$0x0];
	_ =	sdelay $0x3  }
0x1ef: {  	s15 =	sxor.u32 s13, s12  }
0x1f0: {  	v12 =	vor.u32 v1, v9;
	p1 =	sne.s32 s15, $0x8000000;
	vm0 =	vgt.f32 v11, v6  }
.Ltmp28:
0x1f1: {  	v13 =	vmpcnt.ones.xlane vm0;
	(pc) =	sbr.rel @p1 .LBB2_39-.Ltmp28, $4  }
0x1f2: {  	_ = 	snop  }
0x1f3: {  	v14 =	vnsel vm0, $0x0, v11;
	vm1 =	vgt.s32 v13, $0x0  }
0x1f4: {  	v11 =	vnsel vm0, $0xFF800000, v11;
	v8 =	vadd.f32 v14, v8;
	v63 =	vsel vm1, $0x10, v2  }
0x1f5: {  	s13 =	sadd.s32 $0x1, s13;
	s14 =	sadd.s32 $0x10, s14;
	[tilespmem:v12+s9+$0x0] =	vst.idx.msk $0xffff, v11;
	v7 =	vadd.s32 v7, v13;
	v9 =	vadd.s32 v9, v63  }
.Ltmp29:
0x1f6: {  	(pc) =	sbr.rel .LBB2_41-.Ltmp29, $2  }
0x1f7: {  	_ =	sdelay $0x2  }
0x1f8: {  	v9 =	vxor.u32 $0x80000000, v9  }
.LBB2_32:
.Ltmp30:
0x1f9: {  	(pc) =	sbr.rel .LBB2_36-.Ltmp30, $2  }
0x1fa: {  	_ =	sdelay $0x2  }
0x1fb: {  	v13 =	vimm.s32 $0x0;
	v10 =	vimm.f32 $0.0e+00;
	v11 =	vimm.s32 $0x0  }
.LBB2_34:
.Ltmp31:
0x1fc: {  	(pc) =	sbr.rel .LBB2_36-.Ltmp31, $2  }
0x1fd: {  	_ =	sdelay $0x2  }
0x1fe: {  	v13 =	vimm.s32 $0x0  }
.LBB2_42:
0x1ff: {  	_ = 	snop  }
0x200: {  	v7 =	vpsel p1, v7, v7;
	s12 =	smov.u32 @p1 s12;
	v6 =	vpsel p1, v6, v6  }
.LBB2_43:
0x201: {  	v8 =	vcvt.s32.f32 v7;
	_ =	sdelay $0x1  }
0x202: {  	(erf) = vrcp.f32 v8;
	_ =	sdelay $0x2  }
0x203: {  	s13 =	sshrl.u32 s12, $0x4  }
0x204: {  	p1 =	seq.s32 s13, $0x0  }
.Ltmp32:
0x205: {  	_ = 	snop;
	(pc) =	sbr.rel @p1 .LBB2_47-.Ltmp32, $2  }
0x206: {  	_ =	sdelay $0x2  }
0x207: {  	[tilespmem:$0xA000] =	vst v4;
	v8 =	vpop (erf)  }
0x208: {  	p1 =	sne.s32 s13, $0x1  }
.Ltmp33:
0x209: {  	_ = 	snop;
	(pc) =	sbr.rel @!p1 .LBB2_46-.Ltmp33, $3  }
0x20a: {  	_ =	sdelay $0x1  }
0x20b: {  	s12 =	simm.s32 $0x8000  }
0x20c: {  	v9 =	vimm.s32 $0x0;
	s13 =	sadd.s32 $0xFFFFFFFF, s13;
	v11 =	vimm.s32 $0x0;
	v10 =	vld [tilespmem:s12+$0x0]  }
.LBB2_45:
0x20d: {  	p1 =	sne.s32 s13, $0x1;
	_ =	sdelay $0x3  }
0x20e: {  	vm0 =	vlt.f32 v10, $-Inf;
	vm1 =	vgt.f32 v10, $-Inf  }
0x20f: {  	vm0 =	vmor vm1, vm0  }
0x210: {  	v12 =	vsel vm0, $0x1, v2;
	v13 =	vmpcnt.ones.xlane vm0  }
0x211: {  	(xrf0) =	vadd.scan.msk.s32 $0xffff, v12  }
0x212: {  	v11 =	vadd.s32 v11, v13;
	_ =	sdelay $0x4  }
0x213: {  	v12, _, _ =	vpop (xrf0)  }
0x214: {  	v12 =	vadd.s32 v12, v9;
	v9 =	vmov v11  }
0x215: {  	v12 =	vadd.s32 $0xFFFFFFFF, v12;
	_ =	sdelay $0x1  }
.Ltmp34:
0x216: {  	(pc) =	sbr.rel @p1 .LBB2_45-.Ltmp34, $3  }
0x217: {  	_ =	sdelay $0x1  }
0x218: {  	s12 =	sadd.s32 $0x10, s12;
	[tilespmem:v12+s10+$0x0] =	vst.idx.msk vm0, v10  }
0x219: {  	s13 =	sadd.s32 $0xFFFFFFFF, s13;
	v10 =	vld [tilespmem:s12+$0x0]  }
.LBB2_46:
0x21a: {  	_ =	sdelay $0x3  }
0x21b: {  	vm0 =	vlt.f32 v10, $-Inf;
	vm1 =	vgt.f32 v10, $-Inf  }
0x21c: {  	vm0 =	vmor vm1, vm0  }
0x21d: {  	v11 =	vsel vm0, $0x1, v2  }
0x21e: {  	(xrf0) =	vadd.scan.msk.s32 $0xffff, v11;
	_ =	sdelay $0x5  }
0x21f: {  	v11, _, _ =	vpop (xrf0)  }
0x220: {  	v9 =	vadd.s32 v11, v9  }
0x221: {  	v9 =	vadd.s32 $0xFFFFFFFF, v9;
	_ =	sdelay $0x4  }
0x222: {  	[tilespmem:v9+s10+$0x0] =	vst.idx.msk vm0, v10  }
.LBB2_47:
0x223: {  	v9 =	vld [tilespmem:$0xA000];
	_ =	sdelay $0x4  }
0x224: {  	(xrf1) =	vsort.dscd.msk.f32 $0xffff, v9, v1;
	_ =	sdelay $0xd  }
0x225: {  	v9, _, _ =	vpop (xrf1)  }
0x226: {  	(xrf2) =	vadd.scan.msk.f32 $0xffff, v9;
	_ =	sdelay $0x9  }
0x227: {  	v10, _, _ =	vpop (xrf2)  }
0x228: {  	v11 =	vmul.f32 v5, v9;
	v10 =	vadd.f32 $-1.000000000e+00, v10;
	_ =	sdelay $0x1  }
0x229: {  	vm0 =	vgt.f32 v11, v10  }
0x22a: {  	v9 =	vnsel vm0, $0x0, v9  }
0x22b: {  	(xrf2) =	vadd.scan.msk.f32 $0xffff, v9  }
0x22c: {  	v9 =	vmpcnt.ones.xlane vm0;
	_ =	sdelay $0x1  }
0x22d: {  	v9 =	vcvt.s32.f32 v9;
	_ =	sdelay $0x1  }
0x22e: {  	(erf) = vrcp.f32 v9;
	_ =	sdelay $0x4  }
0x22f: {  	v9, _, _ =	vpop (xrf2)  }
0x230: {  	v9 =	vadd.f32 $-2.000000000e+00, v9  }
0x231: {  	s12 =	simm.s32 $0xF0  }
0x232: {  	v10 =	vld [tilespmem:s12+$0x0];
	v9 =	vbroadcast v9, $0xF  }
0x233: {  	v12 =	vld [tilespmem:s12+$0xFFFFFFA0];
	v11 =	vpop (erf)  }
0x234: {  	v6 =	vsub.f32 v6, v8;
	v14 =	vld [tilespmem:s12+$0xFFFFFFB0];
	v8 =	vmul.f32 v9, v11  }
0x235: {  	vm15 =	vlt.s32 v7, $0x11;
	v11 =	vld [tilespmem:s12+$0xFFFFFFC0]  }
0x236: {  	v9 =	vld [tilespmem:s12+$0xFFFFFFD0];
	v6 =	vsel vm15, v8, v6  }
0x237: {  	v7 =	vld [tilespmem:s12+$0xFFFFFFE0];
	v15 =	vsub.f32 v10, v6  }
0x238: {  	v8 =	vld [tilespmem:s12+$0xFFFFFFF0];
	v13 =	vsub.f32 v12, v6  }
0x239: {  	s14 =	simm.s32 $0x0;
	s15 =	simm.s32 $0x2F0;
	v10 =	vld [tilespmem:s12+$0xFFFFFF90];
	v12 =	vsub.f32 v14, v6;
	v14 =	vmax.f32 v15, $0.0e+00  }
.LBB2_48:
0x23a: {  	v15 =	vld [tilespmem:s15+$0x0];
	s14 =	sadd.s32 $0x80, s14;
	v13 =	vmax.f32 v13, $0.0e+00;
	v11 =	vsub.f32 v11, v6;
	[tilespmem:s12+$0x0] =	vst v14;
	s13 =	simm.s32 $0x170  }
0x23b: {  	v14 =	vld [tilespmem:s15+$0xFFFFFFA0];
	p1 =	slt.u32 s14, $0x1F80;
	[tilespmem:s12+$0xFFFFFFA0] =	vst v13;
	v12 =	vmax.f32 v12, $0.0e+00;
	v9 =	vsub.f32 v9, v6  }
0x23c: {  	v16 =	vld [tilespmem:s15+$0xFFFFFFB0];
	[tilespmem:s12+$0xFFFFFFB0] =	vst v12;
	v12 =	vmax.f32 v11, $0.0e+00;
	v7 =	vsub.f32 v7, v6  }
.Ltmp35:
0x23d: {  	v11 =	vld [tilespmem:s15+$0xFFFFFFC0];
	[tilespmem:s12+$0xFFFFFFC0] =	vst v12;
	v12 =	vmax.f32 v9, $0.0e+00;
	v8 =	vsub.f32 v8, v6;
	(pc) =	sbr.rel @p1 .LBB2_48-.Ltmp35, $4  }
0x23e: {  	v9 =	vld [tilespmem:s15+$0xFFFFFFD0];
	v10 =	vsub.f32 v10, v6;
	[tilespmem:s12+$0xFFFFFFD0] =	vst v12;
	v12 =	vmax.f32 v7, $0.0e+00  }
0x23f: {  	v7 =	vld [tilespmem:s15+$0xFFFFFFE0];
	v15 =	vsub.f32 v15, v6;
	[tilespmem:s12+$0xFFFFFFE0] =	vst v12;
	v12 =	vmax.f32 v8, $0.0e+00  }
0x240: {  	v13 =	vsub.f32 v14, v6;
	v8 =	vld [tilespmem:s15+$0xFFFFFFF0];
	v17 =	vmax.f32 v10, $0.0e+00;
	[tilespmem:s12+$0xFFFFFFF0] =	vst v12  }
0x241: {  	v10 =	vld [tilespmem:s15+$0xFFFFFF90];
	v12 =	vsub.f32 v16, v6;
	v14 =	vmax.f32 v15, $0.0e+00;
	[tilespmem:s12+$0xFFFFFF90] =	vst v17;
	s12 =	smov.u32 s15;
	s15 =	sadd.s32 $0x200, s15  }
0x242: {  	v13 =	vmax.f32 v13, $0.0e+00;
	v11 =	vsub.f32 v11, v6;
	[tilespmem:s12+$0x0] =	vst v14  }
0x243: {  	[tilespmem:s12+$0xFFFFFFA0] =	vst v13;
	v12 =	vmax.f32 v12, $0.0e+00;
	v9 =	vsub.f32 v9, v6  }
0x244: {  	[tilespmem:s12+$0xFFFFFFB0] =	vst v12;
	v11 =	vmax.f32 v11, $0.0e+00;
	v7 =	vsub.f32 v7, v6  }
0x245: {  	[tilespmem:s12+$0xFFFFFFC0] =	vst v11;
	v9 =	vmax.f32 v9, $0.0e+00;
	v8 =	vsub.f32 v8, v6  }
0x246: {  	v6 =	vsub.f32 v10, v6;
	[tilespmem:s12+$0xFFFFFFD0] =	vst v9;
	v7 =	vmax.f32 v7, $0.0e+00  }
0x247: {  	[tilespmem:s12+$0xFFFFFFE0] =	vst v7;
	v7 =	vmax.f32 v8, $0.0e+00  }
0x248: {  	v6 =	vmax.f32 v6, $0.0e+00;
	[tilespmem:s12+$0xFFFFFFF0] =	vst v7  }
0x249: {  	[tilespmem:s12+$0xFFFFFF90] =	vst v6  }
0x24a: {  	v7 =	vld [tilespmem:s13+$0xFFFFFFD0]  }
0x24b: {  	v13 =	vld [tilespmem:s13+$0xFFFFFFE0]  }
0x24c: {  	v10 =	vld [tilespmem:s13+$0xFFFFFFF0]  }
0x24d: {  	v6 =	vld [tilespmem:s13+$0xFFFFFF90]  }
0x24e: {  	v8 =	vld [tilespmem:s13+$0xFFFFFFA0]  }
0x24f: {  	v11 =	vld [tilespmem:s13+$0xFFFFFFB0]  }
0x250: {  	v15 =	vld [tilespmem:s13+$0xFFFFFFC0]  }
0x251: {  	v12 =	vimm.f32 $-Inf;
	v9 =	vimm.f32 $-Inf;
	s12 =	simm.s32 $0x0;
	v14 =	vld [tilespmem:s13+$0x0];
	s13 =	simm.s32 $0x370  }
.LBB2_50:
0x252: {  	v16 =	vld [tilespmem:s13+$0xFFFFFFD0]  }
0x253: {  	s12 =	sadd.s32 $0x80, s12;
	v17 =	vld [tilespmem:s13+$0xFFFFFFE0]  }
0x254: {  	p1 =	slt.u32 s12, $0x1F80;
	v18 =	vld [tilespmem:s13+$0xFFFFFFF0]  }
.Ltmp36:
0x255: {  	v13 =	vmax.f32 v7, v13;
	v19 =	vmax.f32 v6, v8;
	v6 =	vld [tilespmem:s13+$0xFFFFFF90];
	v11 =	vmax.f32 v11, v15;
	(pc) =	sbr.rel @p1 .LBB2_50-.Ltmp36, $4  }
0x256: {  	v9 =	vmax.f32 v9, v19;
	v8 =	vld [tilespmem:s13+$0xFFFFFFA0];
	v12 =	vmax.f32 v12, v11;
	v10 =	vmax.f32 v10, v14  }
0x257: {  	v9 =	vmax.f32 v9, v13;
	v11 =	vld [tilespmem:s13+$0xFFFFFFB0];
	v12 =	vmax.f32 v12, v10;
	v7 =	vmov v16  }
0x258: {  	v15 =	vld [tilespmem:s13+$0xFFFFFFC0];
	v13 =	vmov v17  }
0x259: {  	v14 =	vld [tilespmem:s13+$0x0];
	s13 =	sadd.s32 $0x200, s13;
	v10 =	vmov v18  }
0x25a: {  	_ =	sdelay $0x2  }
0x25b: {  	v7 =	vmax.f32 v7, v13;
	v6 =	vmax.f32 v6, v8;
	v8 =	vmax.f32 v11, v15  }
0x25c: {  	v6 =	vmax.f32 v9, v6;
	v8 =	vmax.f32 v12, v8;
	v9 =	vmax.f32 v10, v14  }
0x25d: {  	v6 =	vmax.f32 v6, v7;
	v7 =	vmax.f32 v8, v9  }
0x25e: {  	v6 =	vmax.f32 v6, v7  }
0x25f: {  	(xrf0) =	vmax.scan.msk.f32 $0xffff, v6  }
0x260: {  	p1 =	por $0x0, $0x0;
	s12 =	simm.s32 $0x1  }
0x261: {  	s12 =	simm.s32 @!p1 $0x0  }
0x262: {  	s12 =	sshll.u32 s12, $0x6  }
0x263: {  	s12 =	sadd.s32 $0x0, s12  }
0x264: {  	s13 =	sor.u32 $0x100, s12  }
0x265: {  	v7 =	vld [tilespmem:s13+$0x0];
	v6, _, _ =	vpop (xrf0)  }
0x266: {  	v8 =	vimm.s32 $0x0;
	v6 =	vadd.f32 $-1.000000000e+00, v6  }
0x267: {  	v9 =	vadd.s32 v1, v8  }
0x268: {  	v6 =	vbroadcast v6, $0xF;
	_ =	sdelay $0x1  }
0x269: {  	vm0 =	vgt.f32 v7, v6  }
0x26a: {  	v10 =	vmpcnt.ones.xlane vm0;
	v7 =	vnsel vm0, $0xFF800000, v7  }
0x26b: {  	s30 =	sor.u32 $0x110, s12;
	[tilespmem:v9+s9+$0x0] =	vst.idx.msk $0xffff, v7  }
0x26c: {  	vm9 =	vgt.s32 v10, $0x0;
	v7 =	vld [tilespmem:s30+$0x0]  }
0x26d: {  	v9 =	vsel vm9, $0x10, v2  }
0x26e: {  	v8 =	vadd.s32 v8, v9  }
0x26f: {  	v9 =	vadd.s32 v1, v8;
	_ =	sdelay $0x1  }
0x270: {  	vm10 =	vgt.f32 v7, v6  }
0x271: {  	v10 =	vmpcnt.ones.xlane vm10  }
0x272: {  	v7 =	vnsel vm10, $0xFF800000, v7  }
0x273: {  	s31 =	sor.u32 $0x120, s12;
	[tilespmem:v9+s9+$0x0] =	vst.idx.msk $0xffff, v7;
	vm11 =	vgt.s32 v10, $0x0  }
0x274: {  	v7 =	vsel vm11, $0x10, v2;
	v9 =	vld [tilespmem:s31+$0x0]  }
0x275: {  	v7 =	vadd.s32 v8, v7  }
0x276: {  	v8 =	vadd.s32 v1, v7;
	_ =	sdelay $0x2  }
0x277: {  	vm12 =	vgt.f32 v9, v6  }
0x278: {  	v10 =	vmpcnt.ones.xlane vm12;
	v9 =	vnsel vm12, $0xFF800000, v9  }
0x279: {  	s12 =	sor.u32 $0x130, s12;
	[tilespmem:v8+s9+$0x0] =	vst.idx.msk $0xffff, v9  }
0x27a: {  	vm13 =	vgt.s32 v10, $0x0;
	v8 =	vld [tilespmem:s12+$0x0]  }
0x27b: {  	v9 =	vsel vm13, $0x10, v2  }
0x27c: {  	v7 =	vadd.s32 v7, v9  }
0x27d: {  	v9 =	vadd.s32 v1, v7  }
0x27e: {  	p1 =	por !p1, !p1;
	s12 =	simm.s32 $0x1  }
0x27f: {  	s12 =	simm.s32 @!p1 $0x0;
	vm14 =	vgt.f32 v8, v6  }
0x280: {  	s12 =	sshll.u32 s12, $0x6;
	v10 =	vmpcnt.ones.xlane vm14  }
0x281: {  	s12 =	sadd.s32 $0x100, s12;
	v8 =	vnsel vm14, $0xFF800000, v8  }
0x282: {  	s15 =	sor.u32 $0x100, s12;
	[tilespmem:v9+s9+$0x0] =	vst.idx.msk $0xffff, v8;
	vm15 =	vgt.s32 v10, $0x0  }
0x283: {  	s14 =	simm.s32 $0x100;
	s13 =	simm.s32 $0x80;
	v8 =	vld [tilespmem:s15+$0x0];
	v9 =	vsel vm15, $0x10, v2  }
.LBB2_52:
0x284: {  	p2 =	sne.s32 s13, $0x1FC0;
	s13 =	sadd.s32 $0x40, s13;
	v7 =	vadd.s32 v7, v9  }
0x285: {  	v9 =	vadd.s32 v1, v7;
	_ =	sdelay $0x2  }
0x286: {  	vm0 =	vgt.f32 v8, v6  }
0x287: {  	v10 =	vmpcnt.ones.xlane vm0;
	v8 =	vnsel vm0, $0xFF800000, v8  }
0x288: {  	s15 =	sor.u32 $0x110, s12;
	[tilespmem:v9+s9+$0x0] =	vst.idx.msk $0xffff, v8  }
0x289: {  	vm0 =	vgt.s32 v10, $0x0;
	v8 =	vld [tilespmem:s15+$0x0]  }
0x28a: {  	v9 =	vsel vm0, $0x10, v2  }
0x28b: {  	v7 =	vadd.s32 v7, v9  }
0x28c: {  	v9 =	vadd.s32 v1, v7;
	_ =	sdelay $0x1  }
0x28d: {  	vm0 =	vgt.f32 v8, v6  }
0x28e: {  	v10 =	vmpcnt.ones.xlane vm0;
	v8 =	vnsel vm0, $0xFF800000, v8;
	_ =	sdelay $0x1  }
0x28f: {  	s15 =	sor.u32 $0x120, s12;
	[tilespmem:v9+s9+$0x0] =	vst.idx.msk $0xffff, v8;
	vm0 =	vgt.s32 v10, $0x0  }
0x290: {  	v8 =	vsel vm0, $0x10, v2;
	v9 =	vld [tilespmem:s15+$0x0]  }
0x291: {  	v7 =	vadd.s32 v7, v8  }
0x292: {  	v8 =	vadd.s32 v1, v7;
	_ =	sdelay $0x2  }
0x293: {  	vm0 =	vgt.f32 v9, v6  }
0x294: {  	v10 =	vmpcnt.ones.xlane vm0;
	v9 =	vnsel vm0, $0xFF800000, v9  }
0x295: {  	s12 =	sor.u32 $0x130, s12;
	[tilespmem:v8+s9+$0x0] =	vst.idx.msk $0xffff, v9  }
0x296: {  	vm0 =	vgt.s32 v10, $0x0;
	v8 =	vld [tilespmem:s12+$0x0]  }
0x297: {  	v9 =	vsel vm0, $0x10, v2  }
0x298: {  	v7 =	vadd.s32 v7, v9  }
0x299: {  	v9 =	vadd.s32 v1, v7  }
0x29a: {  	p1 =	por !p1, !p1;
	s12 =	simm.s32 $0x1  }
.Ltmp37:
0x29b: {  	s12 =	simm.s32 @!p1 $0x0;
	vm0 =	vgt.f32 v8, v6;
	(pc) =	sbr.rel @p2 .LBB2_52-.Ltmp37, $4  }
0x29c: {  	s14 =	sadd.s32 $0x100, s14;
	s12 =	sshll.u32 s12, $0x6;
	v10 =	vmpcnt.ones.xlane vm0;
	v8 =	vnsel vm0, $0xFF800000, v8  }
0x29d: {  	s12 =	sadd.s32 s12, s14  }
0x29e: {  	s15 =	sor.u32 $0x100, s12;
	[tilespmem:v9+s9+$0x0] =	vst.idx.msk $0xffff, v8;
	vm0 =	vgt.s32 v10, $0x0  }
0x29f: {  	v8 =	vld [tilespmem:s15+$0x0];
	v9 =	vsel vm0, $0x10, v2  }
0x2a0: {  	v7 =	vadd.s32 v7, v9  }
0x2a1: {  	v9 =	vadd.s32 v1, v7;
	_ =	sdelay $0x2  }
0x2a2: {  	vm0 =	vgt.f32 v8, v6  }
0x2a3: {  	v10 =	vmpcnt.ones.xlane vm0;
	v8 =	vnsel vm0, $0xFF800000, v8  }
0x2a4: {  	s13 =	sor.u32 $0x110, s12;
	[tilespmem:v9+s9+$0x0] =	vst.idx.msk $0xffff, v8  }
0x2a5: {  	vm10 =	vgt.s32 v10, $0x0;
	v8 =	vld [tilespmem:s13+$0x0]  }
0x2a6: {  	v60 =	vsel vm10, $0x10, v2  }
0x2a7: {  	v7 =	vadd.s32 v7, v60  }
0x2a8: {  	v9 =	vadd.s32 v1, v7;
	_ =	sdelay $0x1  }
0x2a9: {  	vm11 =	vgt.f32 v8, v6  }
0x2aa: {  	v61 =	vmpcnt.ones.xlane vm11  }
0x2ab: {  	v8 =	vnsel vm11, $0xFF800000, v8  }
0x2ac: {  	s29 =	sor.u32 $0x120, s12;
	[tilespmem:v9+s9+$0x0] =	vst.idx.msk $0xffff, v8;
	vm12 =	vgt.s32 v61, $0x0  }
0x2ad: {  	v8 =	vsel vm12, $0x10, v2;
	v9 =	vld [tilespmem:s29+$0x0]  }
0x2ae: {  	v7 =	vadd.s32 v7, v8  }
0x2af: {  	v8 =	vadd.s32 v1, v7;
	_ =	sdelay $0x2  }
0x2b0: {  	vm13 =	vgt.f32 v9, v6  }
0x2b1: {  	v9 =	vnsel vm13, $0xFF800000, v9  }
0x2b2: {  	s30 =	sor.u32 $0x130, s12;
	[tilespmem:v8+s9+$0x0] =	vst.idx.msk $0xffff, v9  }
0x2b3: {  	v8 =	vld [tilespmem:s30+$0x0];
	_ =	sdelay $0x4  }
0x2b4: {  	v62 =	vmpcnt.ones.xlane vm13;
	vm14 =	vgt.f32 v8, v6  }
0x2b5: {  	v63 =	vmpcnt.ones.xlane vm14  }
0x2b6: {  	vm1 =	vgt.s32 v62, $0x0  }
0x2b7: {  	v9 =	vsel vm1, $0x10, v2;
	vm15 =	vgt.s32 v63, $0x0  }
0x2b8: {  	v7 =	vadd.s32 v7, v9;
	v10 =	vsel vm15, $0x10, v2  }
0x2b9: {  	v9 =	vadd.s32 v7, v10  }
0x2ba: {  	v9 =	vxor.u32 $0x80000000, v9  }
0x2bb: {  	(xrf0) =	vmax.scan.msk.u32 $0xffff, v9;
	_ =	sdelay $0x5  }
0x2bc: {  	v9, _, _ =	vpop (xrf0)  }
0x2bd: {  	(v2sf) =	vpush v9, $0xF;
	_ =	sdelay $0xa  }
0x2be: {  	v7 =	vadd.s32 v1, v7  }
.Ltmp38:
0x2bf: {  	_ = 	snop;
	(pc) =	sbr.rel @!p0 .LBB2_67-.Ltmp38, $4  }
.Ltmp39:
0x2c0: {  	_ = 	snop;
	(pc) =	sbr.rel @p0 .LBB2_54-.Ltmp39, $4  }
0x2c1: {  	_ = 	snop  }
0x2c2: {  	v8 =	vnsel vm14, $0xFF800000, v8;
	s31 =	spop (v2sf)  }
0x2c3: {  	[tilespmem:v7+s9+$0x0] =	vst.idx.msk $0xffff, v8;
	v7 =	vimm.s32 $0x2000;
	s12 =	sxor.u32 $0x80000000, s31  }
0x2c4: {  	_ = 	snop  }
.LBB2_65:
0x2c5: {  	vm0 =	veq.s32 v7, v10  }
0x2c6: {  	(xrf0) =	vmax.scan.msk.u32 $0xffff, v9;
	vm15 =	vgt.s32 v7, $0x10;
	v6 =	vsel vm0, $0x0, v0  }
0x2c7: {  	(xrf0) =	vmax.scan.msk.f32 $0xffff, v6;
	v6 =	vsel vm15, $0x3F800000, v3  }
0x2c8: {  	(xrf0) =	vmax.scan.msk.f32 $0xffff, v6;
	_ =	sdelay $0x3  }
0x2c9: {  	v6, _, _ =	vpop (xrf0)  }
0x2ca: {  	(v2sf) =	vpush v6, $0xF;
	v63, _, _ =	vpop (xrf0)  }
0x2cb: {  	(v2sf) =	vpush v63, $0xF;
	v6, _, _ =	vpop (xrf0)  }
0x2cc: {  	(v2sf) =	vpush v6, $0xF;
	_ =	sdelay $0x9  }
0x2cd: {  	(xrf2) =	vadd.scan.msk.f32 $0xffff, v8;
	_ =	sdelay $0x2  }
0x2ce: {  	v6 =	vcvt.s32.f32 v7;
	s12 =	spop (v2sf)  }
0x2cf: {  	s13 =	spop (v2sf)  }
0x2d0: {  	(erf) = vrcp.f32 v6;
	s14 =	spop (v2sf)  }
0x2d1: {  	p1 =	sgt.f32 s14, $0.0e+00;
	_ =	sdelay $0x1  }
0x2d2: {  	p2 =	sgt.f32 @p1 s13, $0.0e+00;
	_ =	sdelay $0x1  }
0x2d3: {  	v6, _, _ =	vpop (xrf2);
	p2 =	por !p1, !p2  }
.Ltmp40:
0x2d4: {  	v6 =	vadd.f32 $-1.000000000e+00, v6;
	(pc) =	sbr.rel @p2 .LBB2_66-.Ltmp40, $4  }
0x2d5: {  	_ = 	snop  }
0x2d6: {  	v6 =	vbroadcast v6, $0xF  }
0x2d7: {  	v8 =	vpop (erf)  }
0x2d8: {  	v6 =	vmul.f32 v6, v8;
	s12 =	sxor.u32 $0x80000000, s12  }
.LBB2_54:
0x2d9: {  	s13 =	sshrl.u32 s12, $0x4  }
0x2da: {  	p1 =	seq.s32 s13, $0x0  }
.Ltmp41:
0x2db: {  	_ = 	snop;
	(pc) =	sbr.rel @p1 .LBB2_61-.Ltmp41, $3  }
0x2dc: {  	_ =	sdelay $0x1  }
0x2dd: {  	v7 =	vimm.s32 $0x0;
	v8 =	vimm.f32 $0.0e+00;
	v9 =	vimm.s32 $0x80000000  }
0x2de: {  	s12 =	simm.s32 $0x8000;
	v11 =	vimm.s32 $0x80000000;
	v12 =	vimm.f32 $0.0e+00;
	v10 =	vimm.s32 $0x0  }
0x2df: {  	p2 =	sne.s32 s13, $0x1  }
.Ltmp42:
0x2e0: {  	_ = 	snop;
	(pc) =	sbr.rel @!p2 .LBB2_56-.Ltmp42, $2  }
0x2e1: {  	_ =	sdelay $0x2  }
0x2e2: {  	v12 =	vld [tilespmem:s12+$0x0];
	s13 =	sadd.s32 $0xFFFFFFFF, s13;
	p1 =	por $0x0, $0x0  }
0x2e3: {  	_ =	sdelay $0x1  }
0x2e4: {  	v11 =	vor.u32 v1, v7  }
0x2e5: {  	p2 =	sne.s32 s13, $0x1  }
.Ltmp43:
0x2e6: {  	vm0 =	vgt.f32 v12, v6;
	(pc) =	sbr.rel @!p2 .LBB2_58-.Ltmp43, $4  }
0x2e7: {  	v13 =	vmpcnt.ones.xlane vm0  }
0x2e8: {  	v10 =	vnsel vm0, $0x0, v12;
	v12 =	vnsel vm0, $0xFF800000, v12  }
0x2e9: {  	s12 =	sadd.s32 $0x10, s12;
	v10 =	vadd.f32 v10, v8;
	[tilespmem:v11+s10+$0x0] =	vst.idx.msk $0xffff, v12;
	vm15 =	vgt.s32 v13, $0x0  }
0x2ea: {  	s13 =	sadd.s32 $0xFFFFFFFF, s13;
	p1 =	por $0x1, $0x1;
	v11 =	vadd.s32 v7, v13;
	v12 =	vld [tilespmem:s12+$0x0];
	v13 =	vimm.s32 $0x0;
	v14 =	vsel vm15, $0x10, v2  }
.LBB2_59:
0x2eb: {  	p2 =	sne.s32 s13, $0x1;
	v13 =	vadd.s32 v13, v14  }
0x2ec: {  	v14 =	vor.u32 v1, v13;
	_ =	sdelay $0x2  }
.Ltmp44:
0x2ed: {  	vm0 =	vgt.f32 v12, v6;
	(pc) =	sbr.rel @p2 .LBB2_59-.Ltmp44, $4  }
0x2ee: {  	v15 =	vnsel vm0, $0x0, v12;
	v16 =	vmpcnt.ones.xlane vm0;
	v12 =	vnsel vm0, $0xFF800000, v12  }
0x2ef: {  	v10 =	vadd.f32 v15, v10;
	[tilespmem:v14+s10+$0x0] =	vst.idx.msk $0xffff, v12  }
0x2f0: {  	s12 =	sadd.s32 $0x10, s12;
	v11 =	vadd.s32 v11, v16;
	vm0 =	vgt.s32 v16, $0x0  }
0x2f1: {  	s13 =	sadd.s32 $0xFFFFFFFF, s13;
	v12 =	vld [tilespmem:s12+$0x0];
	v14 =	vsel vm0, $0x10, v2  }
.LBB2_60:
0x2f2: {  	_ =	sdelay $0x2  }
0x2f3: {  	v13 =	vadd.s32 @p1 v13, v14  }
0x2f4: {  	v13 =	vpsel p1, v13, v7;
	vm0 =	vgt.f32 v12, v6  }
0x2f5: {  	v6 =	vor.u32 v1, v13;
	v14 =	vmpcnt.ones.xlane vm0;
	_ =	sdelay $0x1  }
0x2f6: {  	vm1 =	vgt.s32 v14, $0x0  }
0x2f7: {  	v15 =	vsel vm1, $0x10, v2  }
0x2f8: {  	v16 =	vnsel vm0, $0x0, v12;
	v17 =	vnsel vm0, $0xFF800000, v12;
	v13 =	vadd.s32 v13, v15  }
0x2f9: {  	v12 =	vadd.f32 v16, v10;
	v10 =	vadd.s32 v11, v14;
	[tilespmem:v6+s10+$0x0] =	vst.idx.msk $0xffff, v17;
	v11 =	vxor.u32 $0x80000000, v13  }
.LBB2_61:
0x2fa: {  	(xrf0) =	vmax.scan.msk.u32 $0xffff, v11;
	_ =	sdelay $0x5  }
0x2fb: {  	v6, _, _ =	vpop (xrf0)  }
0x2fc: {  	(v2sf) =	vpush v6, $0xF;
	_ =	sdelay $0xa  }
0x2fd: {  	(xrf2) =	vadd.scan.msk.f32 $0xffff, v12;
	v6 =	vcvt.s32.f32 v10;
	_ =	sdelay $0x1  }
0x2fe: {  	(erf) = vrcp.f32 v6;
	_ =	sdelay $0x1  }
0x2ff: {  	s12 =	spop (v2sf)  }
0x300: {  	s12 =	sshrl.u32 s12, $0x4  }
0x301: {  	p1 =	seq.s32 s12, $0x8000000  }
.Ltmp45:
0x302: {  	_ = 	snop;
	(pc) =	sbr.rel @p1 .LBB2_65-.Ltmp45, $3  }
0x303: {  	_ =	sdelay $0x1  }
0x304: {  	v6, _, _ =	vpop (xrf2)  }
0x305: {  	v11 =	vpop (erf)  }
0x306: {  	v6 =	vadd.f32 $-1.000000000e+00, v6;
	_ =	sdelay $0x1  }
0x307: {  	v6 =	vbroadcast v6, $0xF;
	_ =	sdelay $0x1  }
0x308: {  	s13 =	simm.s32 $0x1;
	s14 =	simm.s32 $0xA000;
	v9 =	vimm.s32 $0x0;
	v6 =	vmul.f32 v6, v11  }
.LBB2_63:
0x309: {  	v11 =	vld [tilespmem:s14+$0x0];
	_ =	sdelay $0x3  }
0x30a: {  	s15 =	sxor.u32 s13, s12  }
0x30b: {  	v12 =	vor.u32 v1, v9;
	p1 =	sne.s32 s15, $0x8000000;
	vm0 =	vgt.f32 v11, v6  }
.Ltmp46:
0x30c: {  	v13 =	vmpcnt.ones.xlane vm0;
	(pc) =	sbr.rel @p1 .LBB2_63-.Ltmp46, $4  }
0x30d: {  	_ = 	snop  }
0x30e: {  	v14 =	vnsel vm0, $0x0, v11;
	vm1 =	vgt.s32 v13, $0x0  }
0x30f: {  	v11 =	vnsel vm0, $0xFF800000, v11;
	v8 =	vadd.f32 v14, v8;
	v63 =	vsel vm1, $0x10, v2  }
0x310: {  	s13 =	sadd.s32 $0x1, s13;
	s14 =	sadd.s32 $0x10, s14;
	[tilespmem:v12+s9+$0x0] =	vst.idx.msk $0xffff, v11;
	v7 =	vadd.s32 v7, v13;
	v9 =	vadd.s32 v9, v63  }
.Ltmp47:
0x311: {  	(pc) =	sbr.rel .LBB2_65-.Ltmp47, $2  }
0x312: {  	_ =	sdelay $0x2  }
0x313: {  	v9 =	vxor.u32 $0x80000000, v9  }
.LBB2_56:
.Ltmp48:
0x314: {  	(pc) =	sbr.rel .LBB2_60-.Ltmp48, $2  }
0x315: {  	_ =	sdelay $0x2  }
0x316: {  	v13 =	vimm.s32 $0x0;
	v10 =	vimm.f32 $0.0e+00;
	v11 =	vimm.s32 $0x0  }
.LBB2_58:
.Ltmp49:
0x317: {  	(pc) =	sbr.rel .LBB2_60-.Ltmp49, $2  }
0x318: {  	_ =	sdelay $0x2  }
0x319: {  	v13 =	vimm.s32 $0x0  }
.LBB2_66:
0x31a: {  	_ = 	snop  }
0x31b: {  	v7 =	vpsel p1, v7, v7;
	s12 =	smov.u32 @p1 s12;
	v6 =	vpsel p1, v6, v6  }
.LBB2_67:
0x31c: {  	v8 =	vcvt.s32.f32 v7;
	_ =	sdelay $0x1  }
0x31d: {  	(erf) = vrcp.f32 v8;
	_ =	sdelay $0x2  }
0x31e: {  	s13 =	sshrl.u32 s12, $0x4  }
0x31f: {  	p1 =	seq.s32 s13, $0x0  }
.Ltmp50:
0x320: {  	_ = 	snop;
	(pc) =	sbr.rel @p1 .LBB2_71-.Ltmp50, $2  }
0x321: {  	_ =	sdelay $0x2  }
0x322: {  	[tilespmem:$0xA000] =	vst v4;
	v8 =	vpop (erf)  }
0x323: {  	p1 =	sne.s32 s13, $0x1  }
.Ltmp51:
0x324: {  	_ = 	snop;
	(pc) =	sbr.rel @!p1 .LBB2_70-.Ltmp51, $3  }
0x325: {  	_ =	sdelay $0x1  }
0x326: {  	s12 =	simm.s32 $0x8000  }
0x327: {  	v9 =	vimm.s32 $0x0;
	s13 =	sadd.s32 $0xFFFFFFFF, s13;
	v11 =	vimm.s32 $0x0;
	v10 =	vld [tilespmem:s12+$0x0]  }
.LBB2_69:
0x328: {  	p1 =	sne.s32 s13, $0x1;
	_ =	sdelay $0x3  }
0x329: {  	vm0 =	vlt.f32 v10, $-Inf;
	vm1 =	vgt.f32 v10, $-Inf  }
0x32a: {  	vm0 =	vmor vm1, vm0  }
0x32b: {  	v12 =	vsel vm0, $0x1, v2;
	v13 =	vmpcnt.ones.xlane vm0  }
0x32c: {  	(xrf0) =	vadd.scan.msk.s32 $0xffff, v12  }
0x32d: {  	v11 =	vadd.s32 v11, v13;
	_ =	sdelay $0x4  }
0x32e: {  	v12, _, _ =	vpop (xrf0)  }
0x32f: {  	v12 =	vadd.s32 v12, v9;
	v9 =	vmov v11  }
0x330: {  	v12 =	vadd.s32 $0xFFFFFFFF, v12;
	_ =	sdelay $0x1  }
.Ltmp52:
0x331: {  	(pc) =	sbr.rel @p1 .LBB2_69-.Ltmp52, $3  }
0x332: {  	_ =	sdelay $0x1  }
0x333: {  	s12 =	sadd.s32 $0x10, s12;
	[tilespmem:v12+s10+$0x0] =	vst.idx.msk vm0, v10  }
0x334: {  	s13 =	sadd.s32 $0xFFFFFFFF, s13;
	v10 =	vld [tilespmem:s12+$0x0]  }
.LBB2_70:
0x335: {  	_ =	sdelay $0x3  }
0x336: {  	vm0 =	vlt.f32 v10, $-Inf;
	vm1 =	vgt.f32 v10, $-Inf  }
0x337: {  	vm0 =	vmor vm1, vm0  }
0x338: {  	v11 =	vsel vm0, $0x1, v2  }
0x339: {  	(xrf0) =	vadd.scan.msk.s32 $0xffff, v11;
	_ =	sdelay $0x5  }
0x33a: {  	v11, _, _ =	vpop (xrf0)  }
0x33b: {  	v9 =	vadd.s32 v11, v9  }
0x33c: {  	v9 =	vadd.s32 $0xFFFFFFFF, v9;
	_ =	sdelay $0x4  }
0x33d: {  	[tilespmem:v9+s10+$0x0] =	vst.idx.msk vm0, v10  }
.LBB2_71:
0x33e: {  	v9 =	vld [tilespmem:$0xA000];
	_ =	sdelay $0x4  }
0x33f: {  	(xrf1) =	vsort.dscd.msk.f32 $0xffff, v9, v1;
	_ =	sdelay $0xd  }
0x340: {  	v9, _, _ =	vpop (xrf1)  }
0x341: {  	(xrf2) =	vadd.scan.msk.f32 $0xffff, v9;
	_ =	sdelay $0x9  }
0x342: {  	v10, _, _ =	vpop (xrf2)  }
0x343: {  	v11 =	vmul.f32 v5, v9;
	v10 =	vadd.f32 $-1.000000000e+00, v10;
	_ =	sdelay $0x1  }
0x344: {  	vm0 =	vgt.f32 v11, v10  }
0x345: {  	v9 =	vnsel vm0, $0x0, v9  }
0x346: {  	(xrf2) =	vadd.scan.msk.f32 $0xffff, v9  }
0x347: {  	v9 =	vmpcnt.ones.xlane vm0;
	_ =	sdelay $0x1  }
0x348: {  	v9 =	vcvt.s32.f32 v9;
	_ =	sdelay $0x1  }
0x349: {  	(erf) = vrcp.f32 v9;
	_ =	sdelay $0x4  }
0x34a: {  	v9, _, _ =	vpop (xrf2)  }
0x34b: {  	v9 =	vadd.f32 $-2.000000000e+00, v9  }
0x34c: {  	s12 =	simm.s32 $0x170  }
0x34d: {  	v10 =	vld [tilespmem:s12+$0x0];
	v9 =	vbroadcast v9, $0xF  }
0x34e: {  	v12 =	vld [tilespmem:s12+$0xFFFFFFA0];
	v11 =	vpop (erf)  }
0x34f: {  	v6 =	vsub.f32 v6, v8;
	v14 =	vld [tilespmem:s12+$0xFFFFFFB0];
	v8 =	vmul.f32 v9, v11  }
0x350: {  	vm15 =	vlt.s32 v7, $0x11;
	v11 =	vld [tilespmem:s12+$0xFFFFFFC0]  }
0x351: {  	v9 =	vld [tilespmem:s12+$0xFFFFFFD0];
	v6 =	vsel vm15, v8, v6  }
0x352: {  	v7 =	vld [tilespmem:s12+$0xFFFFFFE0];
	v15 =	vsub.f32 v10, v6  }
0x353: {  	v8 =	vld [tilespmem:s12+$0xFFFFFFF0];
	v13 =	vsub.f32 v12, v6  }
0x354: {  	s14 =	simm.s32 $0x0;
	s15 =	simm.s32 $0x370;
	v10 =	vld [tilespmem:s12+$0xFFFFFF90];
	v12 =	vsub.f32 v14, v6;
	v14 =	vmax.f32 v15, $0.0e+00  }
.LBB2_72:
0x355: {  	v15 =	vld [tilespmem:s15+$0x0];
	s14 =	sadd.s32 $0x80, s14;
	v13 =	vmax.f32 v13, $0.0e+00;
	v11 =	vsub.f32 v11, v6;
	[tilespmem:s12+$0x0] =	vst v14;
	s13 =	simm.s32 $0x1F0  }
0x356: {  	v14 =	vld [tilespmem:s15+$0xFFFFFFA0];
	p1 =	slt.u32 s14, $0x1F80;
	[tilespmem:s12+$0xFFFFFFA0] =	vst v13;
	v12 =	vmax.f32 v12, $0.0e+00;
	v9 =	vsub.f32 v9, v6  }
0x357: {  	v16 =	vld [tilespmem:s15+$0xFFFFFFB0];
	[tilespmem:s12+$0xFFFFFFB0] =	vst v12;
	v12 =	vmax.f32 v11, $0.0e+00;
	v7 =	vsub.f32 v7, v6  }
.Ltmp53:
0x358: {  	v11 =	vld [tilespmem:s15+$0xFFFFFFC0];
	[tilespmem:s12+$0xFFFFFFC0] =	vst v12;
	v12 =	vmax.f32 v9, $0.0e+00;
	v8 =	vsub.f32 v8, v6;
	(pc) =	sbr.rel @p1 .LBB2_72-.Ltmp53, $4  }
0x359: {  	v9 =	vld [tilespmem:s15+$0xFFFFFFD0];
	v10 =	vsub.f32 v10, v6;
	[tilespmem:s12+$0xFFFFFFD0] =	vst v12;
	v12 =	vmax.f32 v7, $0.0e+00  }
0x35a: {  	v7 =	vld [tilespmem:s15+$0xFFFFFFE0];
	v15 =	vsub.f32 v15, v6;
	[tilespmem:s12+$0xFFFFFFE0] =	vst v12;
	v12 =	vmax.f32 v8, $0.0e+00  }
0x35b: {  	v13 =	vsub.f32 v14, v6;
	v8 =	vld [tilespmem:s15+$0xFFFFFFF0];
	v17 =	vmax.f32 v10, $0.0e+00;
	[tilespmem:s12+$0xFFFFFFF0] =	vst v12  }
0x35c: {  	v10 =	vld [tilespmem:s15+$0xFFFFFF90];
	v12 =	vsub.f32 v16, v6;
	v14 =	vmax.f32 v15, $0.0e+00;
	[tilespmem:s12+$0xFFFFFF90] =	vst v17;
	s12 =	smov.u32 s15;
	s15 =	sadd.s32 $0x200, s15  }
0x35d: {  	v13 =	vmax.f32 v13, $0.0e+00;
	v11 =	vsub.f32 v11, v6;
	[tilespmem:s12+$0x0] =	vst v14  }
0x35e: {  	[tilespmem:s12+$0xFFFFFFA0] =	vst v13;
	v12 =	vmax.f32 v12, $0.0e+00;
	v9 =	vsub.f32 v9, v6  }
0x35f: {  	[tilespmem:s12+$0xFFFFFFB0] =	vst v12;
	v11 =	vmax.f32 v11, $0.0e+00;
	v7 =	vsub.f32 v7, v6  }
0x360: {  	[tilespmem:s12+$0xFFFFFFC0] =	vst v11;
	v9 =	vmax.f32 v9, $0.0e+00;
	v8 =	vsub.f32 v8, v6  }
0x361: {  	v6 =	vsub.f32 v10, v6;
	[tilespmem:s12+$0xFFFFFFD0] =	vst v9;
	v7 =	vmax.f32 v7, $0.0e+00  }
0x362: {  	[tilespmem:s12+$0xFFFFFFE0] =	vst v7;
	v7 =	vmax.f32 v8, $0.0e+00  }
0x363: {  	v6 =	vmax.f32 v6, $0.0e+00;
	[tilespmem:s12+$0xFFFFFFF0] =	vst v7  }
0x364: {  	[tilespmem:s12+$0xFFFFFF90] =	vst v6  }
0x365: {  	v7 =	vld [tilespmem:s13+$0xFFFFFFD0]  }
0x366: {  	v13 =	vld [tilespmem:s13+$0xFFFFFFE0]  }
0x367: {  	v10 =	vld [tilespmem:s13+$0xFFFFFFF0]  }
0x368: {  	v6 =	vld [tilespmem:s13+$0xFFFFFF90]  }
0x369: {  	v8 =	vld [tilespmem:s13+$0xFFFFFFA0]  }
0x36a: {  	v11 =	vld [tilespmem:s13+$0xFFFFFFB0]  }
0x36b: {  	v15 =	vld [tilespmem:s13+$0xFFFFFFC0]  }
0x36c: {  	v12 =	vimm.f32 $-Inf;
	v9 =	vimm.f32 $-Inf;
	s12 =	simm.s32 $0x0;
	v14 =	vld [tilespmem:s13+$0x0];
	s13 =	simm.s32 $0x3F0  }
.LBB2_74:
0x36d: {  	v16 =	vld [tilespmem:s13+$0xFFFFFFD0]  }
0x36e: {  	s12 =	sadd.s32 $0x80, s12;
	v17 =	vld [tilespmem:s13+$0xFFFFFFE0]  }
0x36f: {  	p1 =	slt.u32 s12, $0x1F80;
	v18 =	vld [tilespmem:s13+$0xFFFFFFF0]  }
.Ltmp54:
0x370: {  	v13 =	vmax.f32 v7, v13;
	v19 =	vmax.f32 v6, v8;
	v6 =	vld [tilespmem:s13+$0xFFFFFF90];
	v11 =	vmax.f32 v11, v15;
	(pc) =	sbr.rel @p1 .LBB2_74-.Ltmp54, $4  }
0x371: {  	v9 =	vmax.f32 v9, v19;
	v8 =	vld [tilespmem:s13+$0xFFFFFFA0];
	v12 =	vmax.f32 v12, v11;
	v10 =	vmax.f32 v10, v14  }
0x372: {  	v9 =	vmax.f32 v9, v13;
	v11 =	vld [tilespmem:s13+$0xFFFFFFB0];
	v12 =	vmax.f32 v12, v10;
	v7 =	vmov v16  }
0x373: {  	v15 =	vld [tilespmem:s13+$0xFFFFFFC0];
	v13 =	vmov v17  }
0x374: {  	v14 =	vld [tilespmem:s13+$0x0];
	s13 =	sadd.s32 $0x200, s13;
	v10 =	vmov v18  }
0x375: {  	_ =	sdelay $0x2  }
0x376: {  	v7 =	vmax.f32 v7, v13;
	v6 =	vmax.f32 v6, v8;
	v8 =	vmax.f32 v11, v15  }
0x377: {  	v6 =	vmax.f32 v9, v6;
	v8 =	vmax.f32 v12, v8;
	v9 =	vmax.f32 v10, v14  }
0x378: {  	v6 =	vmax.f32 v6, v7;
	v7 =	vmax.f32 v8, v9  }
0x379: {  	v6 =	vmax.f32 v6, v7  }
0x37a: {  	(xrf0) =	vmax.scan.msk.f32 $0xffff, v6  }
0x37b: {  	p1 =	por $0x0, $0x0;
	s12 =	simm.s32 $0x1  }
0x37c: {  	s12 =	simm.s32 @!p1 $0x0  }
0x37d: {  	s12 =	sshll.u32 s12, $0x6  }
0x37e: {  	s12 =	sadd.s32 $0x0, s12  }
0x37f: {  	s13 =	sor.u32 $0x180, s12  }
0x380: {  	v7 =	vld [tilespmem:s13+$0x0];
	v6, _, _ =	vpop (xrf0)  }
0x381: {  	v8 =	vimm.s32 $0x0;
	v6 =	vadd.f32 $-1.000000000e+00, v6  }
0x382: {  	v9 =	vadd.s32 v1, v8  }
0x383: {  	v6 =	vbroadcast v6, $0xF;
	_ =	sdelay $0x1  }
0x384: {  	vm0 =	vgt.f32 v7, v6  }
0x385: {  	v10 =	vmpcnt.ones.xlane vm0;
	v7 =	vnsel vm0, $0xFF800000, v7  }
0x386: {  	s30 =	sor.u32 $0x190, s12;
	[tilespmem:v9+s9+$0x0] =	vst.idx.msk $0xffff, v7  }
0x387: {  	vm9 =	vgt.s32 v10, $0x0;
	v7 =	vld [tilespmem:s30+$0x0]  }
0x388: {  	v9 =	vsel vm9, $0x10, v2  }
0x389: {  	v8 =	vadd.s32 v8, v9  }
0x38a: {  	v9 =	vadd.s32 v1, v8;
	_ =	sdelay $0x1  }
0x38b: {  	vm10 =	vgt.f32 v7, v6  }
0x38c: {  	v10 =	vmpcnt.ones.xlane vm10  }
0x38d: {  	v7 =	vnsel vm10, $0xFF800000, v7  }
0x38e: {  	s31 =	sor.u32 $0x1A0, s12;
	[tilespmem:v9+s9+$0x0] =	vst.idx.msk $0xffff, v7;
	vm11 =	vgt.s32 v10, $0x0  }
0x38f: {  	v7 =	vsel vm11, $0x10, v2;
	v9 =	vld [tilespmem:s31+$0x0]  }
0x390: {  	v7 =	vadd.s32 v8, v7  }
0x391: {  	v8 =	vadd.s32 v1, v7;
	_ =	sdelay $0x2  }
0x392: {  	vm12 =	vgt.f32 v9, v6  }
0x393: {  	v10 =	vmpcnt.ones.xlane vm12;
	v9 =	vnsel vm12, $0xFF800000, v9  }
0x394: {  	s12 =	sor.u32 $0x1B0, s12;
	[tilespmem:v8+s9+$0x0] =	vst.idx.msk $0xffff, v9  }
0x395: {  	vm13 =	vgt.s32 v10, $0x0;
	v8 =	vld [tilespmem:s12+$0x0]  }
0x396: {  	v9 =	vsel vm13, $0x10, v2  }
0x397: {  	v7 =	vadd.s32 v7, v9  }
0x398: {  	v9 =	vadd.s32 v1, v7  }
0x399: {  	p1 =	por !p1, !p1;
	s12 =	simm.s32 $0x1  }
0x39a: {  	s12 =	simm.s32 @!p1 $0x0;
	vm14 =	vgt.f32 v8, v6  }
0x39b: {  	s12 =	sshll.u32 s12, $0x6;
	v10 =	vmpcnt.ones.xlane vm14  }
0x39c: {  	s12 =	sadd.s32 $0x100, s12;
	v8 =	vnsel vm14, $0xFF800000, v8  }
0x39d: {  	s15 =	sor.u32 $0x180, s12;
	[tilespmem:v9+s9+$0x0] =	vst.idx.msk $0xffff, v8;
	vm15 =	vgt.s32 v10, $0x0  }
0x39e: {  	s14 =	simm.s32 $0x100;
	s13 =	simm.s32 $0x80;
	v8 =	vld [tilespmem:s15+$0x0];
	v9 =	vsel vm15, $0x10, v2  }
.LBB2_76:
0x39f: {  	p2 =	sne.s32 s13, $0x1FC0;
	s13 =	sadd.s32 $0x40, s13;
	v7 =	vadd.s32 v7, v9  }
0x3a0: {  	v9 =	vadd.s32 v1, v7;
	_ =	sdelay $0x2  }
0x3a1: {  	vm0 =	vgt.f32 v8, v6  }
0x3a2: {  	v10 =	vmpcnt.ones.xlane vm0;
	v8 =	vnsel vm0, $0xFF800000, v8  }
0x3a3: {  	s15 =	sor.u32 $0x190, s12;
	[tilespmem:v9+s9+$0x0] =	vst.idx.msk $0xffff, v8  }
0x3a4: {  	vm0 =	vgt.s32 v10, $0x0;
	v8 =	vld [tilespmem:s15+$0x0]  }
0x3a5: {  	v9 =	vsel vm0, $0x10, v2  }
0x3a6: {  	v7 =	vadd.s32 v7, v9  }
0x3a7: {  	v9 =	vadd.s32 v1, v7;
	_ =	sdelay $0x1  }
0x3a8: {  	vm0 =	vgt.f32 v8, v6  }
0x3a9: {  	v10 =	vmpcnt.ones.xlane vm0;
	v8 =	vnsel vm0, $0xFF800000, v8;
	_ =	sdelay $0x1  }
0x3aa: {  	s15 =	sor.u32 $0x1A0, s12;
	[tilespmem:v9+s9+$0x0] =	vst.idx.msk $0xffff, v8;
	vm0 =	vgt.s32 v10, $0x0  }
0x3ab: {  	v8 =	vsel vm0, $0x10, v2;
	v9 =	vld [tilespmem:s15+$0x0]  }
0x3ac: {  	v7 =	vadd.s32 v7, v8  }
0x3ad: {  	v8 =	vadd.s32 v1, v7;
	_ =	sdelay $0x2  }
0x3ae: {  	vm0 =	vgt.f32 v9, v6  }
0x3af: {  	v10 =	vmpcnt.ones.xlane vm0;
	v9 =	vnsel vm0, $0xFF800000, v9  }
0x3b0: {  	s12 =	sor.u32 $0x1B0, s12;
	[tilespmem:v8+s9+$0x0] =	vst.idx.msk $0xffff, v9  }
0x3b1: {  	vm0 =	vgt.s32 v10, $0x0;
	v8 =	vld [tilespmem:s12+$0x0]  }
0x3b2: {  	v9 =	vsel vm0, $0x10, v2  }
0x3b3: {  	v7 =	vadd.s32 v7, v9  }
0x3b4: {  	v9 =	vadd.s32 v1, v7  }
0x3b5: {  	p1 =	por !p1, !p1;
	s12 =	simm.s32 $0x1  }
.Ltmp55:
0x3b6: {  	s12 =	simm.s32 @!p1 $0x0;
	vm0 =	vgt.f32 v8, v6;
	(pc) =	sbr.rel @p2 .LBB2_76-.Ltmp55, $4  }
0x3b7: {  	s14 =	sadd.s32 $0x100, s14;
	s12 =	sshll.u32 s12, $0x6;
	v10 =	vmpcnt.ones.xlane vm0;
	v8 =	vnsel vm0, $0xFF800000, v8  }
0x3b8: {  	s12 =	sadd.s32 s12, s14  }
0x3b9: {  	s15 =	sor.u32 $0x180, s12;
	[tilespmem:v9+s9+$0x0] =	vst.idx.msk $0xffff, v8;
	vm0 =	vgt.s32 v10, $0x0  }
0x3ba: {  	v8 =	vld [tilespmem:s15+$0x0];
	v9 =	vsel vm0, $0x10, v2  }
0x3bb: {  	v7 =	vadd.s32 v7, v9  }
0x3bc: {  	v9 =	vadd.s32 v1, v7;
	_ =	sdelay $0x2  }
0x3bd: {  	vm0 =	vgt.f32 v8, v6  }
0x3be: {  	v10 =	vmpcnt.ones.xlane vm0;
	v8 =	vnsel vm0, $0xFF800000, v8  }
0x3bf: {  	s13 =	sor.u32 $0x190, s12;
	[tilespmem:v9+s9+$0x0] =	vst.idx.msk $0xffff, v8  }
0x3c0: {  	vm10 =	vgt.s32 v10, $0x0;
	v8 =	vld [tilespmem:s13+$0x0]  }
0x3c1: {  	v60 =	vsel vm10, $0x10, v2  }
0x3c2: {  	v7 =	vadd.s32 v7, v60  }
0x3c3: {  	v9 =	vadd.s32 v1, v7;
	_ =	sdelay $0x1  }
0x3c4: {  	vm11 =	vgt.f32 v8, v6  }
0x3c5: {  	v61 =	vmpcnt.ones.xlane vm11  }
0x3c6: {  	v8 =	vnsel vm11, $0xFF800000, v8  }
0x3c7: {  	s29 =	sor.u32 $0x1A0, s12;
	[tilespmem:v9+s9+$0x0] =	vst.idx.msk $0xffff, v8;
	vm12 =	vgt.s32 v61, $0x0  }
0x3c8: {  	v8 =	vsel vm12, $0x10, v2;
	v9 =	vld [tilespmem:s29+$0x0]  }
0x3c9: {  	v7 =	vadd.s32 v7, v8  }
0x3ca: {  	v8 =	vadd.s32 v1, v7;
	_ =	sdelay $0x2  }
0x3cb: {  	vm13 =	vgt.f32 v9, v6  }
0x3cc: {  	v9 =	vnsel vm13, $0xFF800000, v9  }
0x3cd: {  	s30 =	sor.u32 $0x1B0, s12;
	[tilespmem:v8+s9+$0x0] =	vst.idx.msk $0xffff, v9  }
0x3ce: {  	v8 =	vld [tilespmem:s30+$0x0];
	_ =	sdelay $0x4  }
0x3cf: {  	v62 =	vmpcnt.ones.xlane vm13;
	vm14 =	vgt.f32 v8, v6  }
0x3d0: {  	v63 =	vmpcnt.ones.xlane vm14  }
0x3d1: {  	vm1 =	vgt.s32 v62, $0x0  }
0x3d2: {  	v9 =	vsel vm1, $0x10, v2;
	vm15 =	vgt.s32 v63, $0x0  }
0x3d3: {  	v7 =	vadd.s32 v7, v9;
	v10 =	vsel vm15, $0x10, v2  }
0x3d4: {  	v9 =	vadd.s32 v7, v10  }
0x3d5: {  	v9 =	vxor.u32 $0x80000000, v9  }
0x3d6: {  	(xrf0) =	vmax.scan.msk.u32 $0xffff, v9;
	_ =	sdelay $0x5  }
0x3d7: {  	v9, _, _ =	vpop (xrf0)  }
0x3d8: {  	(v2sf) =	vpush v9, $0xF;
	_ =	sdelay $0xa  }
0x3d9: {  	v7 =	vadd.s32 v1, v7  }
.Ltmp56:
0x3da: {  	_ = 	snop;
	(pc) =	sbr.rel @!p0 .LBB2_91-.Ltmp56, $4  }
.Ltmp57:
0x3db: {  	_ = 	snop;
	(pc) =	sbr.rel @p0 .LBB2_78-.Ltmp57, $4  }
0x3dc: {  	_ = 	snop  }
0x3dd: {  	v8 =	vnsel vm14, $0xFF800000, v8;
	s31 =	spop (v2sf)  }
0x3de: {  	[tilespmem:v7+s9+$0x0] =	vst.idx.msk $0xffff, v8;
	v7 =	vimm.s32 $0x2000;
	s12 =	sxor.u32 $0x80000000, s31  }
0x3df: {  	_ = 	snop  }
.LBB2_89:
0x3e0: {  	vm0 =	veq.s32 v7, v10  }
0x3e1: {  	(xrf0) =	vmax.scan.msk.u32 $0xffff, v9;
	vm15 =	vgt.s32 v7, $0x10;
	v6 =	vsel vm0, $0x0, v0  }
0x3e2: {  	(xrf0) =	vmax.scan.msk.f32 $0xffff, v6;
	v6 =	vsel vm15, $0x3F800000, v3  }
0x3e3: {  	(xrf0) =	vmax.scan.msk.f32 $0xffff, v6;
	_ =	sdelay $0x3  }
0x3e4: {  	v6, _, _ =	vpop (xrf0)  }
0x3e5: {  	(v2sf) =	vpush v6, $0xF;
	v63, _, _ =	vpop (xrf0)  }
0x3e6: {  	(v2sf) =	vpush v63, $0xF;
	v6, _, _ =	vpop (xrf0)  }
0x3e7: {  	(v2sf) =	vpush v6, $0xF;
	_ =	sdelay $0x9  }
0x3e8: {  	(xrf2) =	vadd.scan.msk.f32 $0xffff, v8;
	_ =	sdelay $0x2  }
0x3e9: {  	v6 =	vcvt.s32.f32 v7;
	s12 =	spop (v2sf)  }
0x3ea: {  	s13 =	spop (v2sf)  }
0x3eb: {  	(erf) = vrcp.f32 v6;
	s14 =	spop (v2sf)  }
0x3ec: {  	p1 =	sgt.f32 s14, $0.0e+00;
	_ =	sdelay $0x1  }
0x3ed: {  	p2 =	sgt.f32 @p1 s13, $0.0e+00;
	_ =	sdelay $0x1  }
0x3ee: {  	v6, _, _ =	vpop (xrf2);
	p2 =	por !p1, !p2  }
.Ltmp58:
0x3ef: {  	v6 =	vadd.f32 $-1.000000000e+00, v6;
	(pc) =	sbr.rel @p2 .LBB2_90-.Ltmp58, $4  }
0x3f0: {  	_ = 	snop  }
0x3f1: {  	v6 =	vbroadcast v6, $0xF  }
0x3f2: {  	v8 =	vpop (erf)  }
0x3f3: {  	v6 =	vmul.f32 v6, v8;
	s12 =	sxor.u32 $0x80000000, s12  }
.LBB2_78:
0x3f4: {  	s13 =	sshrl.u32 s12, $0x4  }
0x3f5: {  	p1 =	seq.s32 s13, $0x0  }
.Ltmp59:
0x3f6: {  	_ = 	snop;
	(pc) =	sbr.rel @p1 .LBB2_85-.Ltmp59, $3  }
0x3f7: {  	_ =	sdelay $0x1  }
0x3f8: {  	v7 =	vimm.s32 $0x0;
	v8 =	vimm.f32 $0.0e+00;
	v9 =	vimm.s32 $0x80000000  }
0x3f9: {  	s12 =	simm.s32 $0x8000;
	v11 =	vimm.s32 $0x80000000;
	v12 =	vimm.f32 $0.0e+00;
	v10 =	vimm.s32 $0x0  }
0x3fa: {  	p2 =	sne.s32 s13, $0x1  }
.Ltmp60:
0x3fb: {  	_ = 	snop;
	(pc) =	sbr.rel @!p2 .LBB2_80-.Ltmp60, $2  }
0x3fc: {  	_ =	sdelay $0x2  }
0x3fd: {  	v12 =	vld [tilespmem:s12+$0x0];
	s13 =	sadd.s32 $0xFFFFFFFF, s13;
	p1 =	por $0x0, $0x0  }
0x3fe: {  	_ =	sdelay $0x1  }
0x3ff: {  	v11 =	vor.u32 v1, v7  }
0x400: {  	p2 =	sne.s32 s13, $0x1  }
.Ltmp61:
0x401: {  	vm0 =	vgt.f32 v12, v6;
	(pc) =	sbr.rel @!p2 .LBB2_82-.Ltmp61, $4  }
0x402: {  	v13 =	vmpcnt.ones.xlane vm0  }
0x403: {  	v10 =	vnsel vm0, $0x0, v12;
	v12 =	vnsel vm0, $0xFF800000, v12  }
0x404: {  	s12 =	sadd.s32 $0x10, s12;
	v10 =	vadd.f32 v10, v8;
	[tilespmem:v11+s10+$0x0] =	vst.idx.msk $0xffff, v12;
	vm15 =	vgt.s32 v13, $0x0  }
0x405: {  	s13 =	sadd.s32 $0xFFFFFFFF, s13;
	p1 =	por $0x1, $0x1;
	v11 =	vadd.s32 v7, v13;
	v12 =	vld [tilespmem:s12+$0x0];
	v13 =	vimm.s32 $0x0;
	v14 =	vsel vm15, $0x10, v2  }
.LBB2_83:
0x406: {  	p2 =	sne.s32 s13, $0x1;
	v13 =	vadd.s32 v13, v14  }
0x407: {  	v14 =	vor.u32 v1, v13;
	_ =	sdelay $0x2  }
.Ltmp62:
0x408: {  	vm0 =	vgt.f32 v12, v6;
	(pc) =	sbr.rel @p2 .LBB2_83-.Ltmp62, $4  }
0x409: {  	v15 =	vnsel vm0, $0x0, v12;
	v16 =	vmpcnt.ones.xlane vm0;
	v12 =	vnsel vm0, $0xFF800000, v12  }
0x40a: {  	v10 =	vadd.f32 v15, v10;
	[tilespmem:v14+s10+$0x0] =	vst.idx.msk $0xffff, v12  }
0x40b: {  	s12 =	sadd.s32 $0x10, s12;
	v11 =	vadd.s32 v11, v16;
	vm0 =	vgt.s32 v16, $0x0  }
0x40c: {  	s13 =	sadd.s32 $0xFFFFFFFF, s13;
	v12 =	vld [tilespmem:s12+$0x0];
	v14 =	vsel vm0, $0x10, v2  }
.LBB2_84:
0x40d: {  	_ =	sdelay $0x2  }
0x40e: {  	v13 =	vadd.s32 @p1 v13, v14  }
0x40f: {  	v13 =	vpsel p1, v13, v7;
	vm0 =	vgt.f32 v12, v6  }
0x410: {  	v6 =	vor.u32 v1, v13;
	v14 =	vmpcnt.ones.xlane vm0;
	_ =	sdelay $0x1  }
0x411: {  	vm1 =	vgt.s32 v14, $0x0  }
0x412: {  	v15 =	vsel vm1, $0x10, v2  }
0x413: {  	v16 =	vnsel vm0, $0x0, v12;
	v17 =	vnsel vm0, $0xFF800000, v12;
	v13 =	vadd.s32 v13, v15  }
0x414: {  	v12 =	vadd.f32 v16, v10;
	v10 =	vadd.s32 v11, v14;
	[tilespmem:v6+s10+$0x0] =	vst.idx.msk $0xffff, v17;
	v11 =	vxor.u32 $0x80000000, v13  }
.LBB2_85:
0x415: {  	(xrf0) =	vmax.scan.msk.u32 $0xffff, v11;
	_ =	sdelay $0x5  }
0x416: {  	v6, _, _ =	vpop (xrf0)  }
0x417: {  	(v2sf) =	vpush v6, $0xF;
	_ =	sdelay $0xa  }
0x418: {  	(xrf2) =	vadd.scan.msk.f32 $0xffff, v12;
	v6 =	vcvt.s32.f32 v10;
	_ =	sdelay $0x1  }
0x419: {  	(erf) = vrcp.f32 v6;
	_ =	sdelay $0x1  }
0x41a: {  	s12 =	spop (v2sf)  }
0x41b: {  	s12 =	sshrl.u32 s12, $0x4  }
0x41c: {  	p1 =	seq.s32 s12, $0x8000000  }
.Ltmp63:
0x41d: {  	_ = 	snop;
	(pc) =	sbr.rel @p1 .LBB2_89-.Ltmp63, $3  }
0x41e: {  	_ =	sdelay $0x1  }
0x41f: {  	v6, _, _ =	vpop (xrf2)  }
0x420: {  	v11 =	vpop (erf)  }
0x421: {  	v6 =	vadd.f32 $-1.000000000e+00, v6;
	_ =	sdelay $0x1  }
0x422: {  	v6 =	vbroadcast v6, $0xF;
	_ =	sdelay $0x1  }
0x423: {  	s13 =	simm.s32 $0x1;
	s14 =	simm.s32 $0xA000;
	v9 =	vimm.s32 $0x0;
	v6 =	vmul.f32 v6, v11  }
.LBB2_87:
0x424: {  	v11 =	vld [tilespmem:s14+$0x0];
	_ =	sdelay $0x3  }
0x425: {  	s15 =	sxor.u32 s13, s12  }
0x426: {  	v12 =	vor.u32 v1, v9;
	p1 =	sne.s32 s15, $0x8000000;
	vm0 =	vgt.f32 v11, v6  }
.Ltmp64:
0x427: {  	v13 =	vmpcnt.ones.xlane vm0;
	(pc) =	sbr.rel @p1 .LBB2_87-.Ltmp64, $4  }
0x428: {  	_ = 	snop  }
0x429: {  	v14 =	vnsel vm0, $0x0, v11;
	vm1 =	vgt.s32 v13, $0x0  }
0x42a: {  	v11 =	vnsel vm0, $0xFF800000, v11;
	v8 =	vadd.f32 v14, v8;
	v63 =	vsel vm1, $0x10, v2  }
0x42b: {  	s13 =	sadd.s32 $0x1, s13;
	s14 =	sadd.s32 $0x10, s14;
	[tilespmem:v12+s9+$0x0] =	vst.idx.msk $0xffff, v11;
	v7 =	vadd.s32 v7, v13;
	v9 =	vadd.s32 v9, v63  }
.Ltmp65:
0x42c: {  	(pc) =	sbr.rel .LBB2_89-.Ltmp65, $2  }
0x42d: {  	_ =	sdelay $0x2  }
0x42e: {  	v9 =	vxor.u32 $0x80000000, v9  }
.LBB2_80:
.Ltmp66:
0x42f: {  	(pc) =	sbr.rel .LBB2_84-.Ltmp66, $2  }
0x430: {  	_ =	sdelay $0x2  }
0x431: {  	v13 =	vimm.s32 $0x0;
	v10 =	vimm.f32 $0.0e+00;
	v11 =	vimm.s32 $0x0  }
.LBB2_82:
.Ltmp67:
0x432: {  	(pc) =	sbr.rel .LBB2_84-.Ltmp67, $2  }
0x433: {  	_ =	sdelay $0x2  }
0x434: {  	v13 =	vimm.s32 $0x0  }
.LBB2_90:
0x435: {  	_ = 	snop  }
0x436: {  	v7 =	vpsel p1, v7, v7;
	s12 =	smov.u32 @p1 s12;
	v6 =	vpsel p1, v6, v6  }
.LBB2_91:
0x437: {  	v8 =	vcvt.s32.f32 v7;
	_ =	sdelay $0x1  }
0x438: {  	(erf) = vrcp.f32 v8;
	_ =	sdelay $0x2  }
0x439: {  	s13 =	sshrl.u32 s12, $0x4  }
0x43a: {  	p1 =	seq.s32 s13, $0x0  }
.Ltmp68:
0x43b: {  	_ = 	snop;
	(pc) =	sbr.rel @p1 .LBB2_95-.Ltmp68, $2  }
0x43c: {  	_ =	sdelay $0x2  }
0x43d: {  	[tilespmem:$0xA000] =	vst v4;
	v8 =	vpop (erf)  }
0x43e: {  	p1 =	sne.s32 s13, $0x1  }
.Ltmp69:
0x43f: {  	_ = 	snop;
	(pc) =	sbr.rel @!p1 .LBB2_94-.Ltmp69, $3  }
0x440: {  	_ =	sdelay $0x1  }
0x441: {  	s12 =	simm.s32 $0x8000  }
0x442: {  	v9 =	vimm.s32 $0x0;
	s13 =	sadd.s32 $0xFFFFFFFF, s13;
	v11 =	vimm.s32 $0x0;
	v10 =	vld [tilespmem:s12+$0x0]  }
.LBB2_93:
0x443: {  	p1 =	sne.s32 s13, $0x1;
	_ =	sdelay $0x3  }
0x444: {  	vm0 =	vlt.f32 v10, $-Inf;
	vm1 =	vgt.f32 v10, $-Inf  }
0x445: {  	vm0 =	vmor vm1, vm0  }
0x446: {  	v12 =	vsel vm0, $0x1, v2;
	v13 =	vmpcnt.ones.xlane vm0  }
0x447: {  	(xrf0) =	vadd.scan.msk.s32 $0xffff, v12  }
0x448: {  	v11 =	vadd.s32 v11, v13;
	_ =	sdelay $0x4  }
0x449: {  	v12, _, _ =	vpop (xrf0)  }
0x44a: {  	v12 =	vadd.s32 v12, v9;
	v9 =	vmov v11  }
0x44b: {  	v12 =	vadd.s32 $0xFFFFFFFF, v12;
	_ =	sdelay $0x1  }
.Ltmp70:
0x44c: {  	(pc) =	sbr.rel @p1 .LBB2_93-.Ltmp70, $3  }
0x44d: {  	_ =	sdelay $0x1  }
0x44e: {  	s12 =	sadd.s32 $0x10, s12;
	[tilespmem:v12+s10+$0x0] =	vst.idx.msk vm0, v10  }
0x44f: {  	s13 =	sadd.s32 $0xFFFFFFFF, s13;
	v10 =	vld [tilespmem:s12+$0x0]  }
.LBB2_94:
0x450: {  	_ =	sdelay $0x3  }
0x451: {  	vm0 =	vlt.f32 v10, $-Inf;
	vm1 =	vgt.f32 v10, $-Inf  }
0x452: {  	vm0 =	vmor vm1, vm0  }
0x453: {  	v11 =	vsel vm0, $0x1, v2  }
0x454: {  	(xrf0) =	vadd.scan.msk.s32 $0xffff, v11;
	_ =	sdelay $0x5  }
0x455: {  	v11, _, _ =	vpop (xrf0)  }
0x456: {  	v9 =	vadd.s32 v11, v9  }
0x457: {  	v9 =	vadd.s32 $0xFFFFFFFF, v9;
	_ =	sdelay $0x4  }
0x458: {  	[tilespmem:v9+s10+$0x0] =	vst.idx.msk vm0, v10  }
.LBB2_95:
0x459: {  	v9 =	vld [tilespmem:$0xA000];
	_ =	sdelay $0x4  }
0x45a: {  	(xrf1) =	vsort.dscd.msk.f32 $0xffff, v9, v1;
	_ =	sdelay $0xd  }
0x45b: {  	v9, _, _ =	vpop (xrf1)  }
0x45c: {  	(xrf2) =	vadd.scan.msk.f32 $0xffff, v9;
	_ =	sdelay $0x9  }
0x45d: {  	v10, _, _ =	vpop (xrf2)  }
0x45e: {  	v11 =	vmul.f32 v5, v9;
	v10 =	vadd.f32 $-1.000000000e+00, v10;
	_ =	sdelay $0x1  }
0x45f: {  	vm0 =	vgt.f32 v11, v10  }
0x460: {  	v9 =	vnsel vm0, $0x0, v9  }
0x461: {  	(xrf2) =	vadd.scan.msk.f32 $0xffff, v9  }
0x462: {  	v9 =	vmpcnt.ones.xlane vm0;
	_ =	sdelay $0x1  }
0x463: {  	v9 =	vcvt.s32.f32 v9;
	_ =	sdelay $0x1  }
0x464: {  	(erf) = vrcp.f32 v9;
	_ =	sdelay $0x4  }
0x465: {  	v9, _, _ =	vpop (xrf2)  }
0x466: {  	v9 =	vadd.f32 $-2.000000000e+00, v9  }
0x467: {  	s12 =	simm.s32 $0x1F0  }
0x468: {  	v10 =	vld [tilespmem:s12+$0x0];
	v9 =	vbroadcast v9, $0xF  }
0x469: {  	v12 =	vld [tilespmem:s12+$0xFFFFFFA0];
	v11 =	vpop (erf)  }
0x46a: {  	v6 =	vsub.f32 v6, v8;
	v14 =	vld [tilespmem:s12+$0xFFFFFFB0];
	v8 =	vmul.f32 v9, v11  }
0x46b: {  	vm15 =	vlt.s32 v7, $0x11;
	v11 =	vld [tilespmem:s12+$0xFFFFFFC0]  }
0x46c: {  	v9 =	vld [tilespmem:s12+$0xFFFFFFD0];
	v6 =	vsel vm15, v8, v6  }
0x46d: {  	v7 =	vld [tilespmem:s12+$0xFFFFFFE0];
	v15 =	vsub.f32 v10, v6  }
0x46e: {  	v8 =	vld [tilespmem:s12+$0xFFFFFFF0];
	v13 =	vsub.f32 v12, v6  }
0x46f: {  	s13 =	simm.s32 $0x0;
	s14 =	simm.s32 $0x3F0;
	v10 =	vld [tilespmem:s12+$0xFFFFFF90];
	v12 =	vsub.f32 v14, v6;
	v14 =	vmax.f32 v15, $0.0e+00  }
.LBB2_96:
0x470: {  	v15 =	vld [tilespmem:s14+$0x0];
	s13 =	sadd.s32 $0x80, s13;
	v13 =	vmax.f32 v13, $0.0e+00;
	v11 =	vsub.f32 v11, v6;
	[tilespmem:s12+$0x0] =	vst v14  }
0x471: {  	v14 =	vld [tilespmem:s14+$0xFFFFFFA0];
	p1 =	slt.u32 s13, $0x1F80;
	[tilespmem:s12+$0xFFFFFFA0] =	vst v13;
	v12 =	vmax.f32 v12, $0.0e+00;
	v9 =	vsub.f32 v9, v6  }
0x472: {  	v16 =	vld [tilespmem:s14+$0xFFFFFFB0];
	[tilespmem:s12+$0xFFFFFFB0] =	vst v12;
	v12 =	vmax.f32 v11, $0.0e+00;
	v7 =	vsub.f32 v7, v6  }
.Ltmp71:
0x473: {  	v11 =	vld [tilespmem:s14+$0xFFFFFFC0];
	[tilespmem:s12+$0xFFFFFFC0] =	vst v12;
	v12 =	vmax.f32 v9, $0.0e+00;
	v8 =	vsub.f32 v8, v6;
	(pc) =	sbr.rel @p1 .LBB2_96-.Ltmp71, $4  }
0x474: {  	v9 =	vld [tilespmem:s14+$0xFFFFFFD0];
	v10 =	vsub.f32 v10, v6;
	[tilespmem:s12+$0xFFFFFFD0] =	vst v12;
	v12 =	vmax.f32 v7, $0.0e+00  }
0x475: {  	v7 =	vld [tilespmem:s14+$0xFFFFFFE0];
	v15 =	vsub.f32 v15, v6;
	[tilespmem:s12+$0xFFFFFFE0] =	vst v12;
	v12 =	vmax.f32 v8, $0.0e+00  }
0x476: {  	v13 =	vsub.f32 v14, v6;
	v8 =	vld [tilespmem:s14+$0xFFFFFFF0];
	v17 =	vmax.f32 v10, $0.0e+00;
	[tilespmem:s12+$0xFFFFFFF0] =	vst v12  }
0x477: {  	v10 =	vld [tilespmem:s14+$0xFFFFFF90];
	v12 =	vsub.f32 v16, v6;
	v14 =	vmax.f32 v15, $0.0e+00;
	[tilespmem:s12+$0xFFFFFF90] =	vst v17;
	s12 =	smov.u32 s14;
	s14 =	sadd.s32 $0x200, s14  }
0x478: {  	v13 =	vmax.f32 v13, $0.0e+00;
	v11 =	vsub.f32 v11, v6;
	[tilespmem:s12+$0x0] =	vst v14  }
0x479: {  	[tilespmem:s12+$0xFFFFFFA0] =	vst v13;
	v12 =	vmax.f32 v12, $0.0e+00;
	v9 =	vsub.f32 v9, v6  }
0x47a: {  	[tilespmem:s12+$0xFFFFFFB0] =	vst v12;
	v11 =	vmax.f32 v11, $0.0e+00;
	v7 =	vsub.f32 v7, v6  }
0x47b: {  	[tilespmem:s12+$0xFFFFFFC0] =	vst v11;
	v9 =	vmax.f32 v9, $0.0e+00;
	v8 =	vsub.f32 v8, v6  }
0x47c: {  	v6 =	vsub.f32 v10, v6;
	[tilespmem:s12+$0xFFFFFFD0] =	vst v9;
	v7 =	vmax.f32 v7, $0.0e+00  }
0x47d: {  	s11 =	sadd.s32 $0x1, s11;
	[tilespmem:s12+$0xFFFFFFE0] =	vst v7;
	v7 =	vmax.f32 v8, $0.0e+00  }
0x47e: {  	p1 =	sne.s32 s11, s5;
	v6 =	vmax.f32 v6, $0.0e+00;
	[tilespmem:s12+$0xFFFFFFF0] =	vst v7  }
.Ltmp72:
0x47f: {  	[tilespmem:s12+$0xFFFFFF90] =	vst v6;
	(pc) =	sbr.rel @p1 .LBB2_1-.Ltmp72, $4  }
0x480: {  	[hbm4b:s4+s6] =	stream.strided.scatter [tilespmem:s1], [sflag:$0x1], $0x8000, s7, s6, $0x38;
	[tilespmem:$0xC000] =	vst v63  }
0x481: {  	_ =	swait.ge [sflag:s8], $0x8000  }
0x482: {  	[sflag:s8] =	ssyncset.done $0x0  }
0x483: {  	[sflag:s8] =	ssyncadd.s32 $0xFFFF8000  }
0x484: {  	_ =	sfence.sel $0x180000  }
0x485: {  	[bflag:$0x0] =	sbarrier.arrive $0xFFFF  }
0x486: {  	p0 =	sne.s32 s2, $0x0;
	_ =	strace $0x90000047  }
0x487: {  	s0 =	sadd.s32 @!p0 $0x100000, s0;
	[bflag:$0x2] =	sbarrier.arrive $0xFFFF  }
0x488: {  	[sflag:s0] =	ssyncadd.tile.s32 @!p0 $0x1;
	_ =	shalt  }
.Lfunc_end2:
_tile_overlayer_lowered:
.L_overlay_start_2:
0x489: {  	(tag) =	ssettag $0x2  }
0x48a: {  	s0 =	rddreg [dreg:$0x0];
	s2 =	stileid.u32  }
0x48b: {  	s1 =	rddreg [dreg:$0x1];
	p0 =	sne.s32 s2, $0x0  }
0x48c: {  	s3 =	rddreg [dreg:$0x2];
	[bflag:$0x3] =	sbarrier.arrive $0xFFFF;
	s2 =	simm.s32 @!p0 $0x1C01  }
0x48d: {  	[timem:s3], [sflag:s2] =	dma.local @!p0 [hbm:s0], s1  }
0x48e: {  	s0 =	simm.s32 @!p0 $0x1  }
0x48f: {  	_ =	swait.ge @!p0 [sflag:s0], s1  }
0x490: {  	s1 =	ssub.s32 @!p0 $0x0, s1;
	[sflag:s0] =	ssyncset.done @!p0 $0x0  }
0x491: {  	[sflag:s0] =	ssyncadd.s32 @!p0 s1  }
0x492: {  	[bflag:$0x3] =	sbarrier.arrive $0xFFFF  }
0x493: {  	_ =	shalt  }

</sc_bundles>
